<compile_context>
chip_gen: v7x
topology: tpu7x:2x2x1
jax: 0.10.2.dev20260603
libtpu: 0.0.44.dev20260713+nightly
codegen_flags: <defaults>
</compile_context>

<pallas_src>
import functools

import jax
import jax.numpy as jnp
from jax import lax
from jax.experimental import pallas as pl
from jax.experimental.pallas import tpu as pltpu
from jax.experimental.pallas import tpu_sc as plsc

N = 10000
E = 320000
D = 128
NCORE = 2
NSUB = 16
CHUNK = 128
G = 16
NBLK = 10
NCHUNK = NBLK * G
E_PAD = NCHUNK * CHUNK * NSUB
NPAD = 10240
ROWS_PER_SUB = NPAD // NSUB

_mesh = plsc.VectorSubcoreMesh(
    core_axis_name="c", subcore_axis_name="s", num_cores=NCORE, num_subcores=NSUB
)


@functools.partial(
    pl.kernel,
    out_type=(
        jax.ShapeDtypeStruct((NCORE, NPAD), jnp.float32),
        jax.ShapeDtypeStruct((NCORE, NPAD), jnp.float32),
    ),
    mesh=_mesh,
    scratch_types=[
        pltpu.VMEM((NCHUNK, CHUNK), jnp.int32),
        pltpu.VMEM((NCHUNK, CHUNK), jnp.int32),
        pltpu.VMEM((CHUNK,), jnp.float32),
        pltpu.VMEM_SHARED((NPAD,), jnp.float32),
        pltpu.VMEM_SHARED((NPAD,), jnp.float32),
        pltpu.SemaphoreType.DMA,
        pltpu.SemaphoreType.DMA,
    ],
)
def _deg_kernel(src_hbm, dst_hbm, zeros_hbm, ones_hbm, dsrc_hbm, ddst_hbm,
                idx_sv, idx_dv, ones_v, deg_a, deg_b, sem_a, sem_b):
    c = lax.axis_index("c")
    s = lax.axis_index("s")
    sl = pl.ds(s * ROWS_PER_SUB, ROWS_PER_SUB)
    pltpu.sync_copy(zeros_hbm, deg_a.at[sl])
    pltpu.sync_copy(zeros_hbm, deg_b.at[sl])
    pltpu.sync_copy(ones_hbm, ones_v)
    pltpu.sync_copy(src_hbm.at[c, s], idx_sv)
    pltpu.sync_copy(dst_hbm.at[c, s], idx_dv)
    plsc.subcore_barrier()

    def body(j, carry):
        pltpu.async_copy(ones_v, deg_a.at[idx_sv.at[j]], sem_a, add=True)
        pltpu.async_copy(ones_v, deg_b.at[idx_dv.at[j]], sem_b, add=True)
        return carry

    lax.fori_loop(0, NCHUNK, body, 0)
    pltpu.make_async_copy(src_hbm.at[c, s], idx_sv, sem_a).wait()
    pltpu.make_async_copy(dst_hbm.at[c, s], idx_dv, sem_b).wait()
    plsc.subcore_barrier()
    pltpu.sync_copy(deg_a.at[sl], dsrc_hbm.at[c].at[sl])
    pltpu.sync_copy(deg_b.at[sl], ddst_hbm.at[c].at[sl])


@functools.partial(
    pl.kernel,
    out_type=jax.ShapeDtypeStruct((NCORE, NPAD, D), jnp.float32),
    mesh=_mesh,
    scratch_types=[
        pltpu.VMEM((2, G, CHUNK), jnp.int32),
        pltpu.VMEM((2, G, CHUNK), jnp.int32),
        pltpu.VMEM((2, CHUNK, D), jnp.float32),
        pltpu.VMEM_SHARED((NPAD, D), jnp.float32),
        pltpu.SemaphoreType.DMA,
        pltpu.SemaphoreType.DMA,
        pltpu.SemaphoreType.DMA,
        pltpu.SemaphoreType.DMA,
        pltpu.SemaphoreType.DMA,
    ],
)
def _agg_kernel(tab_hbm, src_hbm, dst_hbm, zrows_hbm, agg_hbm,
                idx_sv, idx_dv, rows_v, agg_sp, isem, gsem0, gsem1,
                ssem0, ssem1):
    c = lax.axis_index("c")
    s = lax.axis_index("s")
    sl = pl.ds(s * ROWS_PER_SUB, ROWS_PER_SUB)
    pltpu.sync_copy(zrows_hbm, agg_sp.at[sl])
    pltpu.sync_copy(src_hbm.at[c, s, pl.ds(0, G)], idx_sv.at[0])
    pltpu.sync_copy(dst_hbm.at[c, s, pl.ds(0, G)], idx_dv.at[0])
    plsc.subcore_barrier()
    tab = tab_hbm.at[c]
    bufs = (rows_v.at[0], rows_v.at[1])
    ssems = (ssem0, ssem1)
    gsems = (gsem0, gsem1)

    def block(k, carry):
        kb = lax.rem(k, 2)
        nb = 1 - kb

        @pl.when(k >= 1)
        def _drain_prev():
            pltpu.make_async_copy(
                bufs[0], agg_sp.at[idx_dv.at[nb, G - 2]], ssems[0]).wait()
            pltpu.make_async_copy(
                bufs[1], agg_sp.at[idx_dv.at[nb, G - 1]], ssems[1]).wait()

        @pl.when(k + 1 < NBLK)
        def _prefetch_idx():
            blk = pl.ds((k + 1) * G, G)
            pltpu.async_copy(src_hbm.at[c, s, blk], idx_sv.at[nb], isem)
            pltpu.async_copy(dst_hbm.at[c, s, blk], idx_dv.at[nb], isem)

        pltpu.async_copy(tab.at[idx_sv.at[kb, 0]], bufs[0], gsems[0])
        for g in range(G):
            b = g % 2
            nbuf = 1 - b
            pltpu.make_async_copy(tab.at[idx_sv.at[kb, g]], bufs[b],
                                  gsems[b]).wait()
            if g + 1 < G:
                if g >= 1:
                    pltpu.make_async_copy(
                        bufs[nbuf], agg_sp.at[idx_dv.at[kb, g - 1]],
                        ssems[nbuf]).wait()
                pltpu.async_copy(tab.at[idx_sv.at[kb, g + 1]], bufs[nbuf],
                                 gsems[nbuf])
            pltpu.async_copy(bufs[b], agg_sp.at[idx_dv.at[kb, g]],
                             ssems[b], add=True)

        @pl.when(k + 1 < NBLK)
        def _wait_idx():
            blk = pl.ds((k + 1) * G, G)
            pltpu.make_async_copy(src_hbm.at[c, s, blk], idx_sv.at[nb], isem).wait()
            pltpu.make_async_copy(dst_hbm.at[c, s, blk], idx_dv.at[nb], isem).wait()

        return carry

    lax.fori_loop(0, NBLK, block, 0)
    pltpu.make_async_copy(bufs[0], agg_sp.at[idx_dv.at[1, G - 2]], ssems[0]).wait()
    pltpu.make_async_copy(bufs[1], agg_sp.at[idx_dv.at[1, G - 1]], ssems[1]).wait()
    plsc.subcore_barrier()
    pltpu.sync_copy(agg_sp.at[sl], agg_hbm.at[c].at[sl])


def _scale_body(xu_ref, xi_ref, du_ref, di_ref, o_ref):
    zpad = jnp.zeros((NPAD - N, D), jnp.float32)
    du = du_ref[...]
    o_ref[0, pl.ds(0, N)] = xu_ref[...] * jnp.where(du > 0, lax.rsqrt(du), 0.0)
    o_ref[0, pl.ds(N, NPAD - N)] = zpad
    di = di_ref[...]
    o_ref[1, pl.ds(0, N)] = xi_ref[...] * jnp.where(di > 0, lax.rsqrt(di), 0.0)
    o_ref[1, pl.ds(N, NPAD - N)] = zpad


_scale_call = pl.pallas_call(
    _scale_body,
    out_shape=jax.ShapeDtypeStruct((NCORE, NPAD, D), jnp.float32),
)


def _out_body(agg_ref, wc_ref, wr_ref, di_ref, du_ref, oi_ref, ou_ref):
    ai = agg_ref[0]
    au = agg_ref[1]
    di = di_ref[...]
    oi_ref[...] = jnp.dot(
        ai[:N], wc_ref[...], preferred_element_type=jnp.float32
    ) * jnp.where(di > 0, lax.rsqrt(di), 0.0)
    du = du_ref[...]
    ou_ref[...] = jnp.dot(
        au[:N], wr_ref[...], preferred_element_type=jnp.float32
    ) * jnp.where(du > 0, lax.rsqrt(du), 0.0)


_out_call = pl.pallas_call(
    _out_body,
    out_shape=(
        jax.ShapeDtypeStruct((N, D), jnp.float32),
        jax.ShapeDtypeStruct((N, D), jnp.float32),
    ),
)


def kernel(x_user, x_item, edge_index_clicks, edge_index_rev, W_clicks, W_rev):
    ei_c = edge_index_clicks.astype(jnp.int32)
    ei_r = edge_index_rev.astype(jnp.int32)
    pad = jnp.full((E_PAD - E,), N, dtype=jnp.int32)

    def prep(a):
        return jnp.concatenate([a, pad]).reshape(NSUB, NCHUNK, CHUNK)

    src = jnp.stack([prep(ei_c[0]), prep(ei_r[0])])
    dst = jnp.stack([prep(ei_c[1]), prep(ei_r[1])])

    zeros1 = jnp.zeros((ROWS_PER_SUB,), jnp.float32)
    ones1 = jnp.ones((CHUNK,), jnp.float32)
    deg_src, deg_dst = _deg_kernel(src, dst, zeros1, ones1)

    tab = _scale_call(
        x_user, x_item, deg_src[0][:N, None], deg_src[1][:N, None]
    )

    zrows = jnp.zeros((ROWS_PER_SUB, D), jnp.float32)
    agg = _agg_kernel(tab, src, dst, zrows)

    out_item, out_user = _out_call(
        agg, W_clicks, W_rev, deg_dst[0][:N, None], deg_dst[1][:N, None]
    )
    return out_user, out_item

# --- scband reference (transcript-rebuilt; emitter-appended) ---
"""Pipeline reference for scband-hetero-graph-conv-9818295238977 (READ-ONLY COPY).

The authoritative reference and input builder live on the scoring server;
editing this copy changes nothing except your own understanding.
"""

import jax, jax.numpy as jnp
import numpy as np

N_USER = 10000
N_ITEM = 10000
E = 320000
D = 128


def _graph_conv(x_src, src, dst, W, n_src, n_dst):
    # DGL GraphConv with norm='both': symmetric degree normalization,
    # weight applied to source features, sum aggregation over edges.
    ones = jnp.ones((src.shape[0],), dtype=jnp.float32)
    deg_out = jax.ops.segment_sum(ones, src, num_segments=n_src)
    deg_in = jax.ops.segment_sum(ones, dst, num_segments=n_dst)
    c_src = jnp.where(deg_out > 0, deg_out ** -0.5, 0.0)
    c_dst = jnp.where(deg_in > 0, deg_in ** -0.5, 0.0)
    h = x_src @ W                      # [n_src, D] dense transform
    h = h * c_src[:, None]
    m = jnp.take(h, src, axis=0)       # gather messages per edge  [E, D]
    agg = jax.ops.segment_sum(m, dst, num_segments=n_dst)  # scatter-add
    return agg * c_dst[:, None]


def setup_inputs(seed: int = 0) -> dict:
    key = jax.random.key(seed)
    k1, k2, k3, k4, k5, k6 = jax.random.split(key, 6)
    x_user = jax.random.normal(k1, (N_USER, D), dtype=jnp.float32)
    x_item = jax.random.normal(k2, (N_ITEM, D), dtype=jnp.float32)
    edge_index_clicks = jax.random.randint(k3, (2, E), 0, N_ITEM, dtype=jnp.int64)
    edge_index_rev = jax.random.randint(k4, (2, E), 0, N_USER, dtype=jnp.int64)
    W_clicks = jax.random.normal(k5, (D, D), dtype=jnp.float32) * (D ** -0.5)
    W_rev = jax.random.normal(k6, (D, D), dtype=jnp.float32) * (D ** -0.5)
    return {
        "x_user": x_user,
        "x_item": x_item,
        "edge_index_clicks": edge_index_clicks,
        "edge_index_rev": edge_index_rev,
        "W_clicks": W_clicks,
        "W_rev": W_rev,
    }


def reference(x_user, x_item, edge_index_clicks, edge_index_rev, W_clicks, W_rev):
    # HeteroGraphConv over canonical etypes:
    #   ('user','clicks','item')     -> contributes to item outputs
    #   ('item','rev_clicks','user') -> contributes to user outputs
    # aggregate='sum' over the (single) relation per dst ntype.
    out_item = _graph_conv(
        x_user, edge_index_clicks[0], edge_index_clicks[1], W_clicks, N_USER, N_ITEM
    )
    out_user = _graph_conv(
        x_item, edge_index_rev[0], edge_index_rev[1], W_rev, N_ITEM, N_USER
    )
    # dict {'user': out_user, 'item': out_item} returned as a tuple
    return (out_user, out_item)

if __name__ == "__main__":
    import jax
    _d = setup_inputs()
    print(jax.jit(kernel)(*tuple(_d.values())))

</pallas_src>

<mosaic_0001>
#map = affine_map<(d0, d1) -> (0, 0, 0)>
#map1 = affine_map<(d0, d1) -> (0, 0, 0, 0)>
#map2 = affine_map<(d0, d1) -> (0, 0)>
module attributes {stable_mosaic.version = 14 : i64} {
  func.func @_agg_kernel(%arg0: i32, %arg1: i32, %arg2: memref<2x10240x128xf32, #tpu.memory_space<hbm>>, %arg3: memref<2x16x160x128xi32, #tpu.memory_space<hbm>>, %arg4: memref<2x16x160x128xi32, #tpu.memory_space<hbm>>, %arg5: memref<640x128xf32, #tpu.memory_space<hbm>>, %arg6: memref<2x10240x128xf32, #tpu.memory_space<hbm>>, %arg7: memref<2x16x128xi32, #tpu.memory_space<vmem>>, %arg8: memref<2x16x128xi32, #tpu.memory_space<vmem>>, %arg9: memref<2x128x128xf32, #tpu.memory_space<vmem>>, %arg10: memref<10240x128xf32, #tpu.memory_space<vmem_shared>>, %arg11: memref<!tpu.dma_semaphore, #tpu.memory_space<semaphore_mem>>, %arg12: memref<!tpu.dma_semaphore, #tpu.memory_space<semaphore_mem>>, %arg13: memref<!tpu.dma_semaphore, #tpu.memory_space<semaphore_mem>>, %arg14: memref<!tpu.dma_semaphore, #tpu.memory_space<semaphore_mem>>, %arg15: memref<!tpu.dma_semaphore, #tpu.memory_space<semaphore_mem>>) attributes {dimension_semantics = [#tpu.dimension_semantics<core_parallel>, #tpu.dimension_semantics<subcore_parallel>], iteration_bounds = array<i64: 2, 16>, scalar_prefetch = 0 : i64, scratch_operands = 9 : i64, tpu.core_type = #tpu.core_type<sc_vector_subcore>, window_params = [{transform_indices = #map}, {transform_indices = #map1}, {transform_indices = #map1}, {transform_indices = #map2}, {transform_indices = #map}]} {
    %mul3A = arith.constant 640 : i32
    %mul3A_0 = arith.muli %arg1, %mul3A : i32
    "tpu.region"() ({
      %run_scoped3A_35 = tpu.sem_alloc : memref<!tpu.dma_semaphore, #tpu.memory_space<semaphore_mem>>
      %dma_start3A = arith.constant 0 : i32
      %dma_start3A_36 = tpu.memref_slice %arg10[%mul3A_0, %dma_start3A] : memref<10240x128xf32, #tpu.memory_space<vmem_shared>> -> memref<640x128xf32, #tpu.memory_space<vmem_shared>>
      tpu.enqueue_dma source(%arg5 : memref<640x128xf32, #tpu.memory_space<hbm>>) target(%dma_start3A_36 : memref<640x128xf32, #tpu.memory_space<vmem_shared>>) target_semaphore(%run_scoped3A_35 : memref<!tpu.dma_semaphore, #tpu.memory_space<semaphore_mem>>)
      %dma_wait3A_37 = arith.constant 0 : i32
      %dma_wait3A_38 = tpu.memref_slice %arg10[%mul3A_0, %dma_wait3A_37] : memref<10240x128xf32, #tpu.memory_space<vmem_shared>> -> memref<640x128xf32, #tpu.memory_space<vmem_shared>>
      tpu.wait_dma2 semaphore(%run_scoped3A_35 : memref<!tpu.dma_semaphore, #tpu.memory_space<semaphore_mem>>) src(%arg5 : memref<640x128xf32, #tpu.memory_space<hbm>>) dst(%dma_wait3A_38 : memref<640x128xf32, #tpu.memory_space<vmem_shared>>)
      tpu.yield
    }) : () -> ()
    %run_scoped3A = arith.constant 0 : i32
    "tpu.region"() ({
      %run_scoped3A_35 = tpu.sem_alloc : memref<!tpu.dma_semaphore, #tpu.memory_space<semaphore_mem>>
      %dma_start3A = arith.constant 0 : i32
      %dma_start3A_36 = arith.constant 0 : i32
      %dma_start3A_37 = tpu.memref_slice %arg7[%run_scoped3A, %dma_start3A, %dma_start3A_36] : memref<2x16x128xi32, #tpu.memory_space<vmem>> -> memref<1x16x128xi32, #tpu.memory_space<vmem>>
      %dma_start3A_38 = tpu.memref_squeeze %dma_start3A_37 : memref<1x16x128xi32, #tpu.memory_space<vmem>> -> memref<16x128xi32, #tpu.memory_space<vmem>>
      %dma_start3A_39 = arith.constant 0 : i32
      %dma_start3A_40 = arith.constant 0 : i32
      %dma_start3A_41 = tpu.memref_slice %arg3[%arg0, %arg1, %dma_start3A_39, %dma_start3A_40] : memref<2x16x160x128xi32, #tpu.memory_space<hbm>> -> memref<1x1x16x128xi32, #tpu.memory_space<hbm>>
      %dma_start3A_42 = tpu.memref_squeeze %dma_start3A_41 : memref<1x1x16x128xi32, #tpu.memory_space<hbm>> -> memref<16x128xi32, #tpu.memory_space<hbm>>
      %dma_start3A_43 = arith.constant 0 : i32
      %dma_start3A_44 = arith.constant 0 : i32
      %dma_start3A_45 = tpu.memref_slice %arg7[%run_scoped3A, %dma_start3A_43, %dma_start3A_44] : memref<2x16x128xi32, #tpu.memory_space<vmem>> -> memref<1x16x128xi32, #tpu.memory_space<vmem>>
      %dma_start3A_46 = tpu.memref_squeeze %dma_start3A_45 : memref<1x16x128xi32, #tpu.memory_space<vmem>> -> memref<16x128xi32, #tpu.memory_space<vmem>>
      %dma_start3A_47 = arith.constant 0 : i32
      %dma_start3A_48 = arith.constant 0 : i32
      %dma_start3A_49 = tpu.memref_slice %arg3[%arg0, %arg1, %dma_start3A_47, %dma_start3A_48] : memref<2x16x160x128xi32, #tpu.memory_space<hbm>> -> memref<1x1x16x128xi32, #tpu.memory_space<hbm>>
      %dma_start3A_50 = tpu.memref_squeeze %dma_start3A_49 : memref<1x1x16x128xi32, #tpu.memory_space<hbm>> -> memref<16x128xi32, #tpu.memory_space<hbm>>
      tpu.enqueue_dma source(%dma_start3A_50 : memref<16x128xi32, #tpu.memory_space<hbm>>) target(%dma_start3A_46 : memref<16x128xi32, #tpu.memory_space<vmem>>) target_semaphore(%run_scoped3A_35 : memref<!tpu.dma_semaphore, #tpu.memory_space<semaphore_mem>>)
      %dma_wait3A_51 = arith.constant 0 : i32
      %dma_wait3A_52 = arith.constant 0 : i32
      %dma_wait3A_53 = tpu.memref_slice %arg7[%run_scoped3A, %dma_wait3A_51, %dma_wait3A_52] : memref<2x16x128xi32, #tpu.memory_space<vmem>> -> memref<1x16x128xi32, #tpu.memory_space<vmem>>
      %dma_wait3A_54 = tpu.memref_squeeze %dma_wait3A_53 : memref<1x16x128xi32, #tpu.memory_space<vmem>> -> memref<16x128xi32, #tpu.memory_space<vmem>>
      %dma_wait3A_55 = arith.constant 0 : i32
      %dma_wait3A_56 = arith.constant 0 : i32
      %dma_wait3A_57 = tpu.memref_slice %arg3[%arg0, %arg1, %dma_wait3A_55, %dma_wait3A_56] : memref<2x16x160x128xi32, #tpu.memory_space<hbm>> -> memref<1x1x16x128xi32, #tpu.memory_space<hbm>>
      %dma_wait3A_58 = tpu.memref_squeeze %dma_wait3A_57 : memref<1x1x16x128xi32, #tpu.memory_space<hbm>> -> memref<16x128xi32, #tpu.memory_space<hbm>>
      %dma_wait3A_59 = arith.constant 0 : i32
      %dma_wait3A_60 = arith.constant 0 : i32
      %dma_wait3A_61 = tpu.memref_slice %arg7[%run_scoped3A, %dma_wait3A_59, %dma_wait3A_60] : memref<2x16x128xi32, #tpu.memory_space<vmem>> -> memref<1x16x128xi32, #tpu.memory_space<vmem>>
      %dma_wait3A_62 = tpu.memref_squeeze %dma_wait3A_61 : memref<1x16x128xi32, #tpu.memory_space<vmem>> -> memref<16x128xi32, #tpu.memory_space<vmem>>
      %dma_wait3A_63 = arith.constant 0 : i32
      %dma_wait3A_64 = arith.constant 0 : i32
      %dma_wait3A_65 = tpu.memref_slice %arg3[%arg0, %arg1, %dma_wait3A_63, %dma_wait3A_64] : memref<2x16x160x128xi32, #tpu.memory_space<hbm>> -> memref<1x1x16x128xi32, #tpu.memory_space<hbm>>
      %dma_wait3A_66 = tpu.memref_squeeze %dma_wait3A_65 : memref<1x1x16x128xi32, #tpu.memory_space<hbm>> -> memref<16x128xi32, #tpu.memory_space<hbm>>
      tpu.wait_dma2 semaphore(%run_scoped3A_35 : memref<!tpu.dma_semaphore, #tpu.memory_space<semaphore_mem>>) src(%dma_wait3A_66 : memref<16x128xi32, #tpu.memory_space<hbm>>) dst(%dma_wait3A_62 : memref<16x128xi32, #tpu.memory_space<vmem>>)
      tpu.yield
    }) : () -> ()
    %run_scoped3A_1 = arith.constant 0 : i32
    "tpu.region"() ({
      %run_scoped3A_35 = tpu.sem_alloc : memref<!tpu.dma_semaphore, #tpu.memory_space<semaphore_mem>>
      %dma_start3A = arith.constant 0 : i32
      %dma_start3A_36 = arith.constant 0 : i32
      %dma_start3A_37 = tpu.memref_slice %arg8[%run_scoped3A_1, %dma_start3A, %dma_start3A_36] : memref<2x16x128xi32, #tpu.memory_space<vmem>> -> memref<1x16x128xi32, #tpu.memory_space<vmem>>
      %dma_start3A_38 = tpu.memref_squeeze %dma_start3A_37 : memref<1x16x128xi32, #tpu.memory_space<vmem>> -> memref<16x128xi32, #tpu.memory_space<vmem>>
      %dma_start3A_39 = arith.constant 0 : i32
      %dma_start3A_40 = arith.constant 0 : i32
      %dma_start3A_41 = tpu.memref_slice %arg4[%arg0, %arg1, %dma_start3A_39, %dma_start3A_40] : memref<2x16x160x128xi32, #tpu.memory_space<hbm>> -> memref<1x1x16x128xi32, #tpu.memory_space<hbm>>
      %dma_start3A_42 = tpu.memref_squeeze %dma_start3A_41 : memref<1x1x16x128xi32, #tpu.memory_space<hbm>> -> memref<16x128xi32, #tpu.memory_space<hbm>>
      %dma_start3A_43 = arith.constant 0 : i32
      %dma_start3A_44 = arith.constant 0 : i32
      %dma_start3A_45 = tpu.memref_slice %arg8[%run_scoped3A_1, %dma_start3A_43, %dma_start3A_44] : memref<2x16x128xi32, #tpu.memory_space<vmem>> -> memref<1x16x128xi32, #tpu.memory_space<vmem>>
      %dma_start3A_46 = tpu.memref_squeeze %dma_start3A_45 : memref<1x16x128xi32, #tpu.memory_space<vmem>> -> memref<16x128xi32, #tpu.memory_space<vmem>>
      %dma_start3A_47 = arith.constant 0 : i32
      %dma_start3A_48 = arith.constant 0 : i32
      %dma_start3A_49 = tpu.memref_slice %arg4[%arg0, %arg1, %dma_start3A_47, %dma_start3A_48] : memref<2x16x160x128xi32, #tpu.memory_space<hbm>> -> memref<1x1x16x128xi32, #tpu.memory_space<hbm>>
      %dma_start3A_50 = tpu.memref_squeeze %dma_start3A_49 : memref<1x1x16x128xi32, #tpu.memory_space<hbm>> -> memref<16x128xi32, #tpu.memory_space<hbm>>
      tpu.enqueue_dma source(%dma_start3A_50 : memref<16x128xi32, #tpu.memory_space<hbm>>) target(%dma_start3A_46 : memref<16x128xi32, #tpu.memory_space<vmem>>) target_semaphore(%run_scoped3A_35 : memref<!tpu.dma_semaphore, #tpu.memory_space<semaphore_mem>>)
      %dma_wait3A_51 = arith.constant 0 : i32
      %dma_wait3A_52 = arith.constant 0 : i32
      %dma_wait3A_53 = tpu.memref_slice %arg8[%run_scoped3A_1, %dma_wait3A_51, %dma_wait3A_52] : memref<2x16x128xi32, #tpu.memory_space<vmem>> -> memref<1x16x128xi32, #tpu.memory_space<vmem>>
      %dma_wait3A_54 = tpu.memref_squeeze %dma_wait3A_53 : memref<1x16x128xi32, #tpu.memory_space<vmem>> -> memref<16x128xi32, #tpu.memory_space<vmem>>
      %dma_wait3A_55 = arith.constant 0 : i32
      %dma_wait3A_56 = arith.constant 0 : i32
      %dma_wait3A_57 = tpu.memref_slice %arg4[%arg0, %arg1, %dma_wait3A_55, %dma_wait3A_56] : memref<2x16x160x128xi32, #tpu.memory_space<hbm>> -> memref<1x1x16x128xi32, #tpu.memory_space<hbm>>
      %dma_wait3A_58 = tpu.memref_squeeze %dma_wait3A_57 : memref<1x1x16x128xi32, #tpu.memory_space<hbm>> -> memref<16x128xi32, #tpu.memory_space<hbm>>
      %dma_wait3A_59 = arith.constant 0 : i32
      %dma_wait3A_60 = arith.constant 0 : i32
      %dma_wait3A_61 = tpu.memref_slice %arg8[%run_scoped3A_1, %dma_wait3A_59, %dma_wait3A_60] : memref<2x16x128xi32, #tpu.memory_space<vmem>> -> memref<1x16x128xi32, #tpu.memory_space<vmem>>
      %dma_wait3A_62 = tpu.memref_squeeze %dma_wait3A_61 : memref<1x16x128xi32, #tpu.memory_space<vmem>> -> memref<16x128xi32, #tpu.memory_space<vmem>>
      %dma_wait3A_63 = arith.constant 0 : i32
      %dma_wait3A_64 = arith.constant 0 : i32
      %dma_wait3A_65 = tpu.memref_slice %arg4[%arg0, %arg1, %dma_wait3A_63, %dma_wait3A_64] : memref<2x16x160x128xi32, #tpu.memory_space<hbm>> -> memref<1x1x16x128xi32, #tpu.memory_space<hbm>>
      %dma_wait3A_66 = tpu.memref_squeeze %dma_wait3A_65 : memref<1x1x16x128xi32, #tpu.memory_space<hbm>> -> memref<16x128xi32, #tpu.memory_space<hbm>>
      tpu.wait_dma2 semaphore(%run_scoped3A_35 : memref<!tpu.dma_semaphore, #tpu.memory_space<semaphore_mem>>) src(%dma_wait3A_66 : memref<16x128xi32, #tpu.memory_space<hbm>>) dst(%dma_wait3A_62 : memref<16x128xi32, #tpu.memory_space<vmem>>)
      tpu.yield
    }) : () -> ()
    %barrier3A = arith.constant 0 : index
    tpu.barrier barrier_id(%barrier3A)
    %scan3A = arith.constant 0 : i32
    %scan3A_2 = arith.constant 0 : i32
    %scan3A_3 = arith.constant 1 : i32
    %scan3A_4 = arith.constant 0 : i32
    %scan3A_5 = arith.constant 10 : i32
    %scan3A_6 = arith.addi %scan3A_4, %scan3A_5 : i32
    %scan3A_7 = arith.constant 1 : i32
    scf.for %scan3A_35 = %scan3A_4 to %scan3A_6 step %scan3A_7  : i32 {
      %rem3A = arith.constant 2 : i32
      %rem3A_36 = arith.remsi %scan3A_35, %rem3A : i32
      %sub3A = arith.constant 1 : i32
      %sub3A_37 = arith.subi %sub3A, %rem3A_36 : i32
      %ge3A = arith.constant 1 : i32
      %ge3A_38 = arith.cmpi sge, %scan3A_35, %ge3A : i32
      %convert_element_type3A = arith.extui %ge3A_38 : i1 to i32
      %cond3A = arith.constant 0 : i32
      %cond3A_39 = arith.cmpi ne, %convert_element_type3A, %cond3A : i32
      scf.if %cond3A_39 {
        %dma_wait3A_861 = arith.constant 14 : i32
        %dma_wait3A_862 = arith.constant 0 : i32
        %dma_wait3A_863 = arith.constant 0 : i32
        %dma_wait3A_864 = tpu.memref_slice %arg9[%scan3A_2, %dma_wait3A_862, %dma_wait3A_863] : memref<2x128x128xf32, #tpu.memory_space<vmem>> -> memref<1x128x128xf32, #tpu.memory_space<vmem>>
        %dma_wait3A_865 = tpu.memref_squeeze %dma_wait3A_864 : memref<1x128x128xf32, #tpu.memory_space<vmem>> -> memref<128x128xf32, #tpu.memory_space<vmem>>
        %dma_wait3A_866 = arith.constant 0 : i32
        %dma_wait3A_867 = tpu.memref_slice %arg8[%sub3A_37, %dma_wait3A_861, %dma_wait3A_866] : memref<2x16x128xi32, #tpu.memory_space<vmem>> -> memref<1x1x128xi32, #tpu.memory_space<vmem>>
        %dma_wait3A_868 = tpu.memref_squeeze %dma_wait3A_867 : memref<1x1x128xi32, #tpu.memory_space<vmem>> -> memref<128xi32, #tpu.memory_space<vmem>>
        %dma_wait3A_869 = arith.constant 0 : i32
        %dma_wait3A_870 = arith.constant 0 : i32
        %dma_wait3A_871 = tpu.memref_slice %arg10[%dma_wait3A_869, %dma_wait3A_870] : memref<10240x128xf32, #tpu.memory_space<vmem_shared>> -> memref<10240x128xf32, #tpu.memory_space<vmem_shared>>
        tpu.wait_indirect_dma semaphore(%arg14 : memref<!tpu.dma_semaphore, #tpu.memory_space<semaphore_mem>>) src(%dma_wait3A_865 : memref<128x128xf32, #tpu.memory_space<vmem>>) dst(%dma_wait3A_871 : memref<10240x128xf32, #tpu.memory_space<vmem_shared>>)
        %dma_wait3A_872 = arith.constant 15 : i32
        %dma_wait3A_873 = arith.constant 0 : i32
        %dma_wait3A_874 = arith.constant 0 : i32
        %dma_wait3A_875 = tpu.memref_slice %arg9[%scan3A_3, %dma_wait3A_873, %dma_wait3A_874] : memref<2x128x128xf32, #tpu.memory_space<vmem>> -> memref<1x128x128xf32, #tpu.memory_space<vmem>>
        %dma_wait3A_876 = tpu.memref_squeeze %dma_wait3A_875 : memref<1x128x128xf32, #tpu.memory_space<vmem>> -> memref<128x128xf32, #tpu.memory_space<vmem>>
        %dma_wait3A_877 = arith.constant 0 : i32
        %dma_wait3A_878 = tpu.memref_slice %arg8[%sub3A_37, %dma_wait3A_872, %dma_wait3A_877] : memref<2x16x128xi32, #tpu.memory_space<vmem>> -> memref<1x1x128xi32, #tpu.memory_space<vmem>>
        %dma_wait3A_879 = tpu.memref_squeeze %dma_wait3A_878 : memref<1x1x128xi32, #tpu.memory_space<vmem>> -> memref<128xi32, #tpu.memory_space<vmem>>
        %dma_wait3A_880 = arith.constant 0 : i32
        %dma_wait3A_881 = arith.constant 0 : i32
        %dma_wait3A_882 = tpu.memref_slice %arg10[%dma_wait3A_880, %dma_wait3A_881] : memref<10240x128xf32, #tpu.memory_space<vmem_shared>> -> memref<10240x128xf32, #tpu.memory_space<vmem_shared>>
        tpu.wait_indirect_dma semaphore(%arg15 : memref<!tpu.dma_semaphore, #tpu.memory_space<semaphore_mem>>) src(%dma_wait3A_876 : memref<128x128xf32, #tpu.memory_space<vmem>>) dst(%dma_wait3A_882 : memref<10240x128xf32, #tpu.memory_space<vmem_shared>>)
      } else {
      }
      %add3A = arith.constant 1 : i32
      %add3A_40 = arith.addi %scan3A_35, %add3A : i32
      %lt3A = arith.constant 10 : i32
      %lt3A_41 = arith.cmpi slt, %add3A_40, %lt3A : i32
      %convert_element_type3A_42 = arith.extui %lt3A_41 : i1 to i32
      %cond3A_43 = arith.constant 0 : i32
      %cond3A_44 = arith.cmpi ne, %convert_element_type3A_42, %cond3A_43 : i32
      scf.if %cond3A_44 {
        %add3A_861 = arith.constant 1 : i32
        %add3A_862 = arith.addi %scan3A_35, %add3A_861 : i32
        %mul3A_863 = arith.constant 16 : i32
        %mul3A_864 = arith.muli %add3A_862, %mul3A_863 : i32
        %dma_start3A_865 = arith.constant 0 : i32
        %dma_start3A_866 = arith.constant 0 : i32
        %dma_start3A_867 = tpu.memref_slice %arg7[%sub3A_37, %dma_start3A_865, %dma_start3A_866] : memref<2x16x128xi32, #tpu.memory_space<vmem>> -> memref<1x16x128xi32, #tpu.memory_space<vmem>>
        %dma_start3A_868 = tpu.memref_squeeze %dma_start3A_867 : memref<1x16x128xi32, #tpu.memory_space<vmem>> -> memref<16x128xi32, #tpu.memory_space<vmem>>
        %dma_start3A_869 = arith.constant 0 : i32
        %dma_start3A_870 = tpu.memref_slice %arg3[%arg0, %arg1, %mul3A_864, %dma_start3A_869] : memref<2x16x160x128xi32, #tpu.memory_space<hbm>> -> memref<1x1x16x128xi32, #tpu.memory_space<hbm>>
        %dma_start3A_871 = tpu.memref_squeeze %dma_start3A_870 : memref<1x1x16x128xi32, #tpu.memory_space<hbm>> -> memref<16x128xi32, #tpu.memory_space<hbm>>
        %dma_start3A_872 = arith.constant 0 : i32
        %dma_start3A_873 = arith.constant 0 : i32
        %dma_start3A_874 = tpu.memref_slice %arg7[%sub3A_37, %dma_start3A_872, %dma_start3A_873] : memref<2x16x128xi32, #tpu.memory_space<vmem>> -> memref<1x16x128xi32, #tpu.memory_space<vmem>>
        %dma_start3A_875 = tpu.memref_squeeze %dma_start3A_874 : memref<1x16x128xi32, #tpu.memory_space<vmem>> -> memref<16x128xi32, #tpu.memory_space<vmem>>
        %dma_start3A_876 = arith.constant 0 : i32
        %dma_start3A_877 = tpu.memref_slice %arg3[%arg0, %arg1, %mul3A_864, %dma_start3A_876] : memref<2x16x160x128xi32, #tpu.memory_space<hbm>> -> memref<1x1x16x128xi32, #tpu.memory_space<hbm>>
        %dma_start3A_878 = tpu.memref_squeeze %dma_start3A_877 : memref<1x1x16x128xi32, #tpu.memory_space<hbm>> -> memref<16x128xi32, #tpu.memory_space<hbm>>
        tpu.enqueue_dma source(%dma_start3A_878 : memref<16x128xi32, #tpu.memory_space<hbm>>) target(%dma_start3A_875 : memref<16x128xi32, #tpu.memory_space<vmem>>) target_semaphore(%arg11 : memref<!tpu.dma_semaphore, #tpu.memory_space<semaphore_mem>>)
        %dma_start3A_879 = arith.constant 0 : i32
        %dma_start3A_880 = arith.constant 0 : i32
        %dma_start3A_881 = tpu.memref_slice %arg8[%sub3A_37, %dma_start3A_879, %dma_start3A_880] : memref<2x16x128xi32, #tpu.memory_space<vmem>> -> memref<1x16x128xi32, #tpu.memory_space<vmem>>
        %dma_start3A_882 = tpu.memref_squeeze %dma_start3A_881 : memref<1x16x128xi32, #tpu.memory_space<vmem>> -> memref<16x128xi32, #tpu.memory_space<vmem>>
        %dma_start3A_883 = arith.constant 0 : i32
        %dma_start3A_884 = tpu.memref_slice %arg4[%arg0, %arg1, %mul3A_864, %dma_start3A_883] : memref<2x16x160x128xi32, #tpu.memory_space<hbm>> -> memref<1x1x16x128xi32, #tpu.memory_space<hbm>>
        %dma_start3A_885 = tpu.memref_squeeze %dma_start3A_884 : memref<1x1x16x128xi32, #tpu.memory_space<hbm>> -> memref<16x128xi32, #tpu.memory_space<hbm>>
        %dma_start3A_886 = arith.constant 0 : i32
        %dma_start3A_887 = arith.constant 0 : i32
        %dma_start3A_888 = tpu.memref_slice %arg8[%sub3A_37, %dma_start3A_886, %dma_start3A_887] : memref<2x16x128xi32, #tpu.memory_space<vmem>> -> memref<1x16x128xi32, #tpu.memory_space<vmem>>
        %dma_start3A_889 = tpu.memref_squeeze %dma_start3A_888 : memref<1x16x128xi32, #tpu.memory_space<vmem>> -> memref<16x128xi32, #tpu.memory_space<vmem>>
        %dma_start3A_890 = arith.constant 0 : i32
        %dma_start3A_891 = tpu.memref_slice %arg4[%arg0, %arg1, %mul3A_864, %dma_start3A_890] : memref<2x16x160x128xi32, #tpu.memory_space<hbm>> -> memref<1x1x16x128xi32, #tpu.memory_space<hbm>>
        %dma_start3A_892 = tpu.memref_squeeze %dma_start3A_891 : memref<1x1x16x128xi32, #tpu.memory_space<hbm>> -> memref<16x128xi32, #tpu.memory_space<hbm>>
        tpu.enqueue_dma source(%dma_start3A_892 : memref<16x128xi32, #tpu.memory_space<hbm>>) target(%dma_start3A_889 : memref<16x128xi32, #tpu.memory_space<vmem>>) target_semaphore(%arg11 : memref<!tpu.dma_semaphore, #tpu.memory_space<semaphore_mem>>)
      } else {
      }
      %dma_start3A = arith.constant 0 : i32
      %dma_start3A_45 = arith.constant 0 : i32
      %dma_start3A_46 = arith.constant 0 : i32
      %dma_start3A_47 = tpu.memref_slice %arg9[%scan3A_2, %dma_start3A_45, %dma_start3A_46] : memref<2x128x128xf32, #tpu.memory_space<vmem>> -> memref<1x128x128xf32, #tpu.memory_space<vmem>>
      %dma_start3A_48 = tpu.memref_squeeze %dma_start3A_47 : memref<1x128x128xf32, #tpu.memory_space<vmem>> -> memref<128x128xf32, #tpu.memory_space<vmem>>
      %dma_start3A_49 = arith.constant 0 : i32
      %dma_start3A_50 = tpu.memref_slice %arg7[%rem3A_36, %dma_start3A, %dma_start3A_49] : memref<2x16x128xi32, #tpu.memory_space<vmem>> -> memref<1x1x128xi32, #tpu.memory_space<vmem>>
      %dma_start3A_51 = tpu.memref_squeeze %dma_start3A_50 : memref<1x1x128xi32, #tpu.memory_space<vmem>> -> memref<128xi32, #tpu.memory_space<vmem>>
      %dma_start3A_52 = arith.constant 0 : i32
      %dma_start3A_53 = arith.constant 0 : i32
      %dma_start3A_54 = tpu.memref_slice %arg2[%arg0, %dma_start3A_52, %dma_start3A_53] : memref<2x10240x128xf32, #tpu.memory_space<hbm>> -> memref<1x10240x128xf32, #tpu.memory_space<hbm>>
      %dma_start3A_55 = tpu.memref_squeeze %dma_start3A_54 : memref<1x10240x128xf32, #tpu.memory_space<hbm>> -> memref<10240x128xf32, #tpu.memory_space<hbm>>
      %dma_start3A_56 = arith.constant 0 : i32
      %dma_start3A_57 = arith.constant 0 : i32
      %dma_start3A_58 = tpu.memref_slice %dma_start3A_55[%dma_start3A_56, %dma_start3A_57] : memref<10240x128xf32, #tpu.memory_space<hbm>> -> memref<10240x128xf32, #tpu.memory_space<hbm>>
      tpu.enqueue_indirect_dma source(%dma_start3A_58 : memref<10240x128xf32, #tpu.memory_space<hbm>>) target(%dma_start3A_48 : memref<128x128xf32, #tpu.memory_space<vmem>>) offsets(%dma_start3A_51 : memref<128xi32, #tpu.memory_space<vmem>>) semaphore(%arg12 : memref<!tpu.dma_semaphore, #tpu.memory_space<semaphore_mem>>)
      %dma_wait3A_59 = arith.constant 0 : i32
      %dma_wait3A_60 = arith.constant 0 : i32
      %dma_wait3A_61 = arith.constant 0 : i32
      %dma_wait3A_62 = tpu.memref_slice %arg9[%scan3A_2, %dma_wait3A_60, %dma_wait3A_61] : memref<2x128x128xf32, #tpu.memory_space<vmem>> -> memref<1x128x128xf32, #tpu.memory_space<vmem>>
      %dma_wait3A_63 = tpu.memref_squeeze %dma_wait3A_62 : memref<1x128x128xf32, #tpu.memory_space<vmem>> -> memref<128x128xf32, #tpu.memory_space<vmem>>
      %dma_wait3A_64 = arith.constant 0 : i32
      %dma_wait3A_65 = tpu.memref_slice %arg7[%rem3A_36, %dma_wait3A_59, %dma_wait3A_64] : memref<2x16x128xi32, #tpu.memory_space<vmem>> -> memref<1x1x128xi32, #tpu.memory_space<vmem>>
      %dma_wait3A_66 = tpu.memref_squeeze %dma_wait3A_65 : memref<1x1x128xi32, #tpu.memory_space<vmem>> -> memref<128xi32, #tpu.memory_space<vmem>>
      %dma_wait3A_67 = arith.constant 0 : i32
      %dma_wait3A_68 = arith.constant 0 : i32
      %dma_wait3A_69 = tpu.memref_slice %arg2[%arg0, %dma_wait3A_67, %dma_wait3A_68] : memref<2x10240x128xf32, #tpu.memory_space<hbm>> -> memref<1x10240x128xf32, #tpu.memory_space<hbm>>
      %dma_wait3A_70 = tpu.memref_squeeze %dma_wait3A_69 : memref<1x10240x128xf32, #tpu.memory_space<hbm>> -> memref<10240x128xf32, #tpu.memory_space<hbm>>
      %dma_wait3A_71 = arith.constant 0 : i32
      %dma_wait3A_72 = arith.constant 0 : i32
      %dma_wait3A_73 = tpu.memref_slice %dma_wait3A_70[%dma_wait3A_71, %dma_wait3A_72] : memref<10240x128xf32, #tpu.memory_space<hbm>> -> memref<10240x128xf32, #tpu.memory_space<hbm>>
      tpu.wait_indirect_dma semaphore(%arg12 : memref<!tpu.dma_semaphore, #tpu.memory_space<semaphore_mem>>) src(%dma_wait3A_73 : memref<10240x128xf32, #tpu.memory_space<hbm>>) dst(%dma_wait3A_63 : memref<128x128xf32, #tpu.memory_space<vmem>>)
      %dma_start3A_74 = arith.constant 1 : i32
      %dma_start3A_75 = arith.constant 0 : i32
      %dma_start3A_76 = arith.constant 0 : i32
      %dma_start3A_77 = tpu.memref_slice %arg9[%scan3A_3, %dma_start3A_75, %dma_start3A_76] : memref<2x128x128xf32, #tpu.memory_space<vmem>> -> memref<1x128x128xf32, #tpu.memory_space<vmem>>
      %dma_start3A_78 = tpu.memref_squeeze %dma_start3A_77 : memref<1x128x128xf32, #tpu.memory_space<vmem>> -> memref<128x128xf32, #tpu.memory_space<vmem>>
      %dma_start3A_79 = arith.constant 0 : i32
      %dma_start3A_80 = tpu.memref_slice %arg7[%rem3A_36, %dma_start3A_74, %dma_start3A_79] : memref<2x16x128xi32, #tpu.memory_space<vmem>> -> memref<1x1x128xi32, #tpu.memory_space<vmem>>
      %dma_start3A_81 = tpu.memref_squeeze %dma_start3A_80 : memref<1x1x128xi32, #tpu.memory_space<vmem>> -> memref<128xi32, #tpu.memory_space<vmem>>
      %dma_start3A_82 = arith.constant 0 : i32
      %dma_start3A_83 = arith.constant 0 : i32
      %dma_start3A_84 = tpu.memref_slice %arg2[%arg0, %dma_start3A_82, %dma_start3A_83] : memref<2x10240x128xf32, #tpu.memory_space<hbm>> -> memref<1x10240x128xf32, #tpu.memory_space<hbm>>
      %dma_start3A_85 = tpu.memref_squeeze %dma_start3A_84 : memref<1x10240x128xf32, #tpu.memory_space<hbm>> -> memref<10240x128xf32, #tpu.memory_space<hbm>>
      %dma_start3A_86 = arith.constant 0 : i32
      %dma_start3A_87 = arith.constant 0 : i32
      %dma_start3A_88 = tpu.memref_slice %dma_start3A_85[%dma_start3A_86, %dma_start3A_87] : memref<10240x128xf32, #tpu.memory_space<hbm>> -> memref<10240x128xf32, #tpu.memory_space<hbm>>
      tpu.enqueue_indirect_dma source(%dma_start3A_88 : memref<10240x128xf32, #tpu.memory_space<hbm>>) target(%dma_start3A_78 : memref<128x128xf32, #tpu.memory_space<vmem>>) offsets(%dma_start3A_81 : memref<128xi32, #tpu.memory_space<vmem>>) semaphore(%arg13 : memref<!tpu.dma_semaphore, #tpu.memory_space<semaphore_mem>>)
      %dma_start3A_89 = arith.constant 0 : i32
      %dma_start3A_90 = arith.constant 0 : i32
      %dma_start3A_91 = arith.constant 0 : i32
      %dma_start3A_92 = tpu.memref_slice %arg9[%scan3A_2, %dma_start3A_90, %dma_start3A_91] : memref<2x128x128xf32, #tpu.memory_space<vmem>> -> memref<1x128x128xf32, #tpu.memory_space<vmem>>
      %dma_start3A_93 = tpu.memref_squeeze %dma_start3A_92 : memref<1x128x128xf32, #tpu.memory_space<vmem>> -> memref<128x128xf32, #tpu.memory_space<vmem>>
      %dma_start3A_94 = arith.constant 0 : i32
      %dma_start3A_95 = tpu.memref_slice %arg8[%rem3A_36, %dma_start3A_89, %dma_start3A_94] : memref<2x16x128xi32, #tpu.memory_space<vmem>> -> memref<1x1x128xi32, #tpu.memory_space<vmem>>
      %dma_start3A_96 = tpu.memref_squeeze %dma_start3A_95 : memref<1x1x128xi32, #tpu.memory_space<vmem>> -> memref<128xi32, #tpu.memory_space<vmem>>
      %dma_start3A_97 = arith.constant 0 : i32
      %dma_start3A_98 = arith.constant 0 : i32
      %dma_start3A_99 = tpu.memref_slice %arg10[%dma_start3A_97, %dma_start3A_98] : memref<10240x128xf32, #tpu.memory_space<vmem_shared>> -> memref<10240x128xf32, #tpu.memory_space<vmem_shared>>
      tpu.enqueue_indirect_dma source(%dma_start3A_93 : memref<128x128xf32, #tpu.memory_space<vmem>>) target(%dma_start3A_99 : memref<10240x128xf32, #tpu.memory_space<vmem_shared>>) offsets(%dma_start3A_96 : memref<128xi32, #tpu.memory_space<vmem>>) semaphore(%arg14 : memref<!tpu.dma_semaphore, #tpu.memory_space<semaphore_mem>>) {add = true}
      %dma_wait3A_100 = arith.constant 1 : i32
      %dma_wait3A_101 = arith.constant 0 : i32
      %dma_wait3A_102 = arith.constant 0 : i32
      %dma_wait3A_103 = tpu.memref_slice %arg9[%scan3A_3, %dma_wait3A_101, %dma_wait3A_102] : memref<2x128x128xf32, #tpu.memory_space<vmem>> -> memref<1x128x128xf32, #tpu.memory_space<vmem>>
      %dma_wait3A_104 = tpu.memref_squeeze %dma_wait3A_103 : memref<1x128x128xf32, #tpu.memory_space<vmem>> -> memref<128x128xf32, #tpu.memory_space<vmem>>
      %dma_wait3A_105 = arith.constant 0 : i32
      %dma_wait3A_106 = tpu.memref_slice %arg7[%rem3A_36, %dma_wait3A_100, %dma_wait3A_105] : memref<2x16x128xi32, #tpu.memory_space<vmem>> -> memref<1x1x128xi32, #tpu.memory_space<vmem>>
      %dma_wait3A_107 = tpu.memref_squeeze %dma_wait3A_106 : memref<1x1x128xi32, #tpu.memory_space<vmem>> -> memref<128xi32, #tpu.memory_space<vmem>>
      %dma_wait3A_108 = arith.constant 0 : i32
      %dma_wait3A_109 = arith.constant 0 : i32
      %dma_wait3A_110 = tpu.memref_slice %arg2[%arg0, %dma_wait3A_108, %dma_wait3A_109] : memref<2x10240x128xf32, #tpu.memory_space<hbm>> -> memref<1x10240x128xf32, #tpu.memory_space<hbm>>
      %dma_wait3A_111 = tpu.memref_squeeze %dma_wait3A_110 : memref<1x10240x128xf32, #tpu.memory_space<hbm>> -> memref<10240x128xf32, #tpu.memory_space<hbm>>
      %dma_wait3A_112 = arith.constant 0 : i32
      %dma_wait3A_113 = arith.constant 0 : i32
      %dma_wait3A_114 = tpu.memref_slice %dma_wait3A_111[%dma_wait3A_112, %dma_wait3A_113] : memref<10240x128xf32, #tpu.memory_space<hbm>> -> memref<10240x128xf32, #tpu.memory_space<hbm>>
      tpu.wait_indirect_dma semaphore(%arg13 : memref<!tpu.dma_semaphore, #tpu.memory_space<semaphore_mem>>) src(%dma_wait3A_114 : memref<10240x128xf32, #tpu.memory_space<hbm>>) dst(%dma_wait3A_104 : memref<128x128xf32, #tpu.memory_space<vmem>>)
      %dma_wait3A_115 = arith.constant 0 : i32
      %dma_wait3A_116 = arith.constant 0 : i32
      %dma_wait3A_117 = arith.constant 0 : i32
      %dma_wait3A_118 = tpu.memref_slice %arg9[%scan3A_2, %dma_wait3A_116, %dma_wait3A_117] : memref<2x128x128xf32, #tpu.memory_space<vmem>> -> memref<1x128x128xf32, #tpu.memory_space<vmem>>
      %dma_wait3A_119 = tpu.memref_squeeze %dma_wait3A_118 : memref<1x128x128xf32, #tpu.memory_space<vmem>> -> memref<128x128xf32, #tpu.memory_space<vmem>>
      %dma_wait3A_120 = arith.constant 0 : i32
      %dma_wait3A_121 = tpu.memref_slice %arg8[%rem3A_36, %dma_wait3A_115, %dma_wait3A_120] : memref<2x16x128xi32, #tpu.memory_space<vmem>> -> memref<1x1x128xi32, #tpu.memory_space<vmem>>
      %dma_wait3A_122 = tpu.memref_squeeze %dma_wait3A_121 : memref<1x1x128xi32, #tpu.memory_space<vmem>> -> memref<128xi32, #tpu.memory_space<vmem>>
      %dma_wait3A_123 = arith.constant 0 : i32
      %dma_wait3A_124 = arith.constant 0 : i32
      %dma_wait3A_125 = tpu.memref_slice %arg10[%dma_wait3A_123, %dma_wait3A_124] : memref<10240x128xf32, #tpu.memory_space<vmem_shared>> -> memref<10240x128xf32, #tpu.memory_space<vmem_shared>>
      tpu.wait_indirect_dma semaphore(%arg14 : memref<!tpu.dma_semaphore, #tpu.memory_space<semaphore_mem>>) src(%dma_wait3A_119 : memref<128x128xf32, #tpu.memory_space<vmem>>) dst(%dma_wait3A_125 : memref<10240x128xf32, #tpu.memory_space<vmem_shared>>)
      %dma_start3A_126 = arith.constant 2 : i32
      %dma_start3A_127 = arith.constant 0 : i32
      %dma_start3A_128 = arith.constant 0 : i32
      %dma_start3A_129 = tpu.memref_slice %arg9[%scan3A_2, %dma_start3A_127, %dma_start3A_128] : memref<2x128x128xf32, #tpu.memory_space<vmem>> -> memref<1x128x128xf32, #tpu.memory_space<vmem>>
      %dma_start3A_130 = tpu.memref_squeeze %dma_start3A_129 : memref<1x128x128xf32, #tpu.memory_space<vmem>> -> memref<128x128xf32, #tpu.memory_space<vmem>>
      %dma_start3A_131 = arith.constant 0 : i32
      %dma_start3A_132 = tpu.memref_slice %arg7[%rem3A_36, %dma_start3A_126, %dma_start3A_131] : memref<2x16x128xi32, #tpu.memory_space<vmem>> -> memref<1x1x128xi32, #tpu.memory_space<vmem>>
      %dma_start3A_133 = tpu.memref_squeeze %dma_start3A_132 : memref<1x1x128xi32, #tpu.memory_space<vmem>> -> memref<128xi32, #tpu.memory_space<vmem>>
      %dma_start3A_134 = arith.constant 0 : i32
      %dma_start3A_135 = arith.constant 0 : i32
      %dma_start3A_136 = tpu.memref_slice %arg2[%arg0, %dma_start3A_134, %dma_start3A_135] : memref<2x10240x128xf32, #tpu.memory_space<hbm>> -> memref<1x10240x128xf32, #tpu.memory_space<hbm>>
      %dma_start3A_137 = tpu.memref_squeeze %dma_start3A_136 : memref<1x10240x128xf32, #tpu.memory_space<hbm>> -> memref<10240x128xf32, #tpu.memory_space<hbm>>
      %dma_start3A_138 = arith.constant 0 : i32
      %dma_start3A_139 = arith.constant 0 : i32
      %dma_start3A_140 = tpu.memref_slice %dma_start3A_137[%dma_start3A_138, %dma_start3A_139] : memref<10240x128xf32, #tpu.memory_space<hbm>> -> memref<10240x128xf32, #tpu.memory_space<hbm>>
      tpu.enqueue_indirect_dma source(%dma_start3A_140 : memref<10240x128xf32, #tpu.memory_space<hbm>>) target(%dma_start3A_130 : memref<128x128xf32, #tpu.memory_space<vmem>>) offsets(%dma_start3A_133 : memref<128xi32, #tpu.memory_space<vmem>>) semaphore(%arg12 : memref<!tpu.dma_semaphore, #tpu.memory_space<semaphore_mem>>)
      %dma_start3A_141 = arith.constant 1 : i32
      %dma_start3A_142 = arith.constant 0 : i32
      %dma_start3A_143 = arith.constant 0 : i32
      %dma_start3A_144 = tpu.memref_slice %arg9[%scan3A_3, %dma_start3A_142, %dma_start3A_143] : memref<2x128x128xf32, #tpu.memory_space<vmem>> -> memref<1x128x128xf32, #tpu.memory_space<vmem>>
      %dma_start3A_145 = tpu.memref_squeeze %dma_start3A_144 : memref<1x128x128xf32, #tpu.memory_space<vmem>> -> memref<128x128xf32, #tpu.memory_space<vmem>>
      %dma_start3A_146 = arith.constant 0 : i32
      %dma_start3A_147 = tpu.memref_slice %arg8[%rem3A_36, %dma_start3A_141, %dma_start3A_146] : memref<2x16x128xi32, #tpu.memory_space<vmem>> -> memref<1x1x128xi32, #tpu.memory_space<vmem>>
      %dma_start3A_148 = tpu.memref_squeeze %dma_start3A_147 : memref<1x1x128xi32, #tpu.memory_space<vmem>> -> memref<128xi32, #tpu.memory_space<vmem>>
      %dma_start3A_149 = arith.constant 0 : i32
      %dma_start3A_150 = arith.constant 0 : i32
      %dma_start3A_151 = tpu.memref_slice %arg10[%dma_start3A_149, %dma_start3A_150] : memref<10240x128xf32, #tpu.memory_space<vmem_shared>> -> memref<10240x128xf32, #tpu.memory_space<vmem_shared>>
      tpu.enqueue_indirect_dma source(%dma_start3A_145 : memref<128x128xf32, #tpu.memory_space<vmem>>) target(%dma_start3A_151 : memref<10240x128xf32, #tpu.memory_space<vmem_shared>>) offsets(%dma_start3A_148 : memref<128xi32, #tpu.memory_space<vmem>>) semaphore(%arg15 : memref<!tpu.dma_semaphore, #tpu.memory_space<semaphore_mem>>) {add = true}
      %dma_wait3A_152 = arith.constant 2 : i32
      %dma_wait3A_153 = arith.constant 0 : i32
      %dma_wait3A_154 = arith.constant 0 : i32
      %dma_wait3A_155 = tpu.memref_slice %arg9[%scan3A_2, %dma_wait3A_153, %dma_wait3A_154] : memref<2x128x128xf32, #tpu.memory_space<vmem>> -> memref<1x128x128xf32, #tpu.memory_space<vmem>>
      %dma_wait3A_156 = tpu.memref_squeeze %dma_wait3A_155 : memref<1x128x128xf32, #tpu.memory_space<vmem>> -> memref<128x128xf32, #tpu.memory_space<vmem>>
      %dma_wait3A_157 = arith.constant 0 : i32
      %dma_wait3A_158 = tpu.memref_slice %arg7[%rem3A_36, %dma_wait3A_152, %dma_wait3A_157] : memref<2x16x128xi32, #tpu.memory_space<vmem>> -> memref<1x1x128xi32, #tpu.memory_space<vmem>>
      %dma_wait3A_159 = tpu.memref_squeeze %dma_wait3A_158 : memref<1x1x128xi32, #tpu.memory_space<vmem>> -> memref<128xi32, #tpu.memory_space<vmem>>
      %dma_wait3A_160 = arith.constant 0 : i32
      %dma_wait3A_161 = arith.constant 0 : i32
      %dma_wait3A_162 = tpu.memref_slice %arg2[%arg0, %dma_wait3A_160, %dma_wait3A_161] : memref<2x10240x128xf32, #tpu.memory_space<hbm>> -> memref<1x10240x128xf32, #tpu.memory_space<hbm>>
      %dma_wait3A_163 = tpu.memref_squeeze %dma_wait3A_162 : memref<1x10240x128xf32, #tpu.memory_space<hbm>> -> memref<10240x128xf32, #tpu.memory_space<hbm>>
      %dma_wait3A_164 = arith.constant 0 : i32
      %dma_wait3A_165 = arith.constant 0 : i32
      %dma_wait3A_166 = tpu.memref_slice %dma_wait3A_163[%dma_wait3A_164, %dma_wait3A_165] : memref<10240x128xf32, #tpu.memory_space<hbm>> -> memref<10240x128xf32, #tpu.memory_space<hbm>>
      tpu.wait_indirect_dma semaphore(%arg12 : memref<!tpu.dma_semaphore, #tpu.memory_space<semaphore_mem>>) src(%dma_wait3A_166 : memref<10240x128xf32, #tpu.memory_space<hbm>>) dst(%dma_wait3A_156 : memref<128x128xf32, #tpu.memory_space<vmem>>)
      %dma_wait3A_167 = arith.constant 1 : i32
      %dma_wait3A_168 = arith.constant 0 : i32
      %dma_wait3A_169 = arith.constant 0 : i32
      %dma_wait3A_170 = tpu.memref_slice %arg9[%scan3A_3, %dma_wait3A_168, %dma_wait3A_169] : memref<2x128x128xf32, #tpu.memory_space<vmem>> -> memref<1x128x128xf32, #tpu.memory_space<vmem>>
      %dma_wait3A_171 = tpu.memref_squeeze %dma_wait3A_170 : memref<1x128x128xf32, #tpu.memory_space<vmem>> -> memref<128x128xf32, #tpu.memory_space<vmem>>
      %dma_wait3A_172 = arith.constant 0 : i32
      %dma_wait3A_173 = tpu.memref_slice %arg8[%rem3A_36, %dma_wait3A_167, %dma_wait3A_172] : memref<2x16x128xi32, #tpu.memory_space<vmem>> -> memref<1x1x128xi32, #tpu.memory_space<vmem>>
      %dma_wait3A_174 = tpu.memref_squeeze %dma_wait3A_173 : memref<1x1x128xi32, #tpu.memory_space<vmem>> -> memref<128xi32, #tpu.memory_space<vmem>>
      %dma_wait3A_175 = arith.constant 0 : i32
      %dma_wait3A_176 = arith.constant 0 : i32
      %dma_wait3A_177 = tpu.memref_slice %arg10[%dma_wait3A_175, %dma_wait3A_176] : memref<10240x128xf32, #tpu.memory_space<vmem_shared>> -> memref<10240x128xf32, #tpu.memory_space<vmem_shared>>
      tpu.wait_indirect_dma semaphore(%arg15 : memref<!tpu.dma_semaphore, #tpu.memory_space<semaphore_mem>>) src(%dma_wait3A_171 : memref<128x128xf32, #tpu.memory_space<vmem>>) dst(%dma_wait3A_177 : memref<10240x128xf32, #tpu.memory_space<vmem_shared>>)
      %dma_start3A_178 = arith.constant 3 : i32
      %dma_start3A_179 = arith.constant 0 : i32
      %dma_start3A_180 = arith.constant 0 : i32
      %dma_start3A_181 = tpu.memref_slice %arg9[%scan3A_3, %dma_start3A_179, %dma_start3A_180] : memref<2x128x128xf32, #tpu.memory_space<vmem>> -> memref<1x128x128xf32, #tpu.memory_space<vmem>>
      %dma_start3A_182 = tpu.memref_squeeze %dma_start3A_181 : memref<1x128x128xf32, #tpu.memory_space<vmem>> -> memref<128x128xf32, #tpu.memory_space<vmem>>
      %dma_start3A_183 = arith.constant 0 : i32
      %dma_start3A_184 = tpu.memref_slice %arg7[%rem3A_36, %dma_start3A_178, %dma_start3A_183] : memref<2x16x128xi32, #tpu.memory_space<vmem>> -> memref<1x1x128xi32, #tpu.memory_space<vmem>>
      %dma_start3A_185 = tpu.memref_squeeze %dma_start3A_184 : memref<1x1x128xi32, #tpu.memory_space<vmem>> -> memref<128xi32, #tpu.memory_space<vmem>>
      %dma_start3A_186 = arith.constant 0 : i32
      %dma_start3A_187 = arith.constant 0 : i32
      %dma_start3A_188 = tpu.memref_slice %arg2[%arg0, %dma_start3A_186, %dma_start3A_187] : memref<2x10240x128xf32, #tpu.memory_space<hbm>> -> memref<1x10240x128xf32, #tpu.memory_space<hbm>>
      %dma_start3A_189 = tpu.memref_squeeze %dma_start3A_188 : memref<1x10240x128xf32, #tpu.memory_space<hbm>> -> memref<10240x128xf32, #tpu.memory_space<hbm>>
      %dma_start3A_190 = arith.constant 0 : i32
      %dma_start3A_191 = arith.constant 0 : i32
      %dma_start3A_192 = tpu.memref_slice %dma_start3A_189[%dma_start3A_190, %dma_start3A_191] : memref<10240x128xf32, #tpu.memory_space<hbm>> -> memref<10240x128xf32, #tpu.memory_space<hbm>>
      tpu.enqueue_indirect_dma source(%dma_start3A_192 : memref<10240x128xf32, #tpu.memory_space<hbm>>) target(%dma_start3A_182 : memref<128x128xf32, #tpu.memory_space<vmem>>) offsets(%dma_start3A_185 : memref<128xi32, #tpu.memory_space<vmem>>) semaphore(%arg13 : memref<!tpu.dma_semaphore, #tpu.memory_space<semaphore_mem>>)
      %dma_start3A_193 = arith.constant 2 : i32
      %dma_start3A_194 = arith.constant 0 : i32
      %dma_start3A_195 = arith.constant 0 : i32
      %dma_start3A_196 = tpu.memref_slice %arg9[%scan3A_2, %dma_start3A_194, %dma_start3A_195] : memref<2x128x128xf32, #tpu.memory_space<vmem>> -> memref<1x128x128xf32, #tpu.memory_space<vmem>>
      %dma_start3A_197 = tpu.memref_squeeze %dma_start3A_196 : memref<1x128x128xf32, #tpu.memory_space<vmem>> -> memref<128x128xf32, #tpu.memory_space<vmem>>
      %dma_start3A_198 = arith.constant 0 : i32
      %dma_start3A_199 = tpu.memref_slice %arg8[%rem3A_36, %dma_start3A_193, %dma_start3A_198] : memref<2x16x128xi32, #tpu.memory_space<vmem>> -> memref<1x1x128xi32, #tpu.memory_space<vmem>>
      %dma_start3A_200 = tpu.memref_squeeze %dma_start3A_199 : memref<1x1x128xi32, #tpu.memory_space<vmem>> -> memref<128xi32, #tpu.memory_space<vmem>>
      %dma_start3A_201 = arith.constant 0 : i32
      %dma_start3A_202 = arith.constant 0 : i32
      %dma_start3A_203 = tpu.memref_slice %arg10[%dma_start3A_201, %dma_start3A_202] : memref<10240x128xf32, #tpu.memory_space<vmem_shared>> -> memref<10240x128xf32, #tpu.memory_space<vmem_shared>>
      tpu.enqueue_indirect_dma source(%dma_start3A_197 : memref<128x128xf32, #tpu.memory_space<vmem>>) target(%dma_start3A_203 : memref<10240x128xf32, #tpu.memory_space<vmem_shared>>) offsets(%dma_start3A_200 : memref<128xi32, #tpu.memory_space<vmem>>) semaphore(%arg14 : memref<!tpu.dma_semaphore, #tpu.memory_space<semaphore_mem>>) {add = true}
      %dma_wait3A_204 = arith.constant 3 : i32
      %dma_wait3A_205 = arith.constant 0 : i32
      %dma_wait3A_206 = arith.constant 0 : i32
      %dma_wait3A_207 = tpu.memref_slice %arg9[%scan3A_3, %dma_wait3A_205, %dma_wait3A_206] : memref<2x128x128xf32, #tpu.memory_space<vmem>> -> memref<1x128x128xf32, #tpu.memory_space<vmem>>
      %dma_wait3A_208 = tpu.memref_squeeze %dma_wait3A_207 : memref<1x128x128xf32, #tpu.memory_space<vmem>> -> memref<128x128xf32, #tpu.memory_space<vmem>>
      %dma_wait3A_209 = arith.constant 0 : i32
      %dma_wait3A_210 = tpu.memref_slice %arg7[%rem3A_36, %dma_wait3A_204, %dma_wait3A_209] : memref<2x16x128xi32, #tpu.memory_space<vmem>> -> memref<1x1x128xi32, #tpu.memory_space<vmem>>
      %dma_wait3A_211 = tpu.memref_squeeze %dma_wait3A_210 : memref<1x1x128xi32, #tpu.memory_space<vmem>> -> memref<128xi32, #tpu.memory_space<vmem>>
      %dma_wait3A_212 = arith.constant 0 : i32
      %dma_wait3A_213 = arith.constant 0 : i32
      %dma_wait3A_214 = tpu.memref_slice %arg2[%arg0, %dma_wait3A_212, %dma_wait3A_213] : memref<2x10240x128xf32, #tpu.memory_space<hbm>> -> memref<1x10240x128xf32, #tpu.memory_space<hbm>>
      %dma_wait3A_215 = tpu.memref_squeeze %dma_wait3A_214 : memref<1x10240x128xf32, #tpu.memory_space<hbm>> -> memref<10240x128xf32, #tpu.memory_space<hbm>>
      %dma_wait3A_216 = arith.constant 0 : i32
      %dma_wait3A_217 = arith.constant 0 : i32
      %dma_wait3A_218 = tpu.memref_slice %dma_wait3A_215[%dma_wait3A_216, %dma_wait3A_217] : memref<10240x128xf32, #tpu.memory_space<hbm>> -> memref<10240x128xf32, #tpu.memory_space<hbm>>
      tpu.wait_indirect_dma semaphore(%arg13 : memref<!tpu.dma_semaphore, #tpu.memory_space<semaphore_mem>>) src(%dma_wait3A_218 : memref<10240x128xf32, #tpu.memory_space<hbm>>) dst(%dma_wait3A_208 : memref<128x128xf32, #tpu.memory_space<vmem>>)
      %dma_wait3A_219 = arith.constant 2 : i32
      %dma_wait3A_220 = arith.constant 0 : i32
      %dma_wait3A_221 = arith.constant 0 : i32
      %dma_wait3A_222 = tpu.memref_slice %arg9[%scan3A_2, %dma_wait3A_220, %dma_wait3A_221] : memref<2x128x128xf32, #tpu.memory_space<vmem>> -> memref<1x128x128xf32, #tpu.memory_space<vmem>>
      %dma_wait3A_223 = tpu.memref_squeeze %dma_wait3A_222 : memref<1x128x128xf32, #tpu.memory_space<vmem>> -> memref<128x128xf32, #tpu.memory_space<vmem>>
      %dma_wait3A_224 = arith.constant 0 : i32
      %dma_wait3A_225 = tpu.memref_slice %arg8[%rem3A_36, %dma_wait3A_219, %dma_wait3A_224] : memref<2x16x128xi32, #tpu.memory_space<vmem>> -> memref<1x1x128xi32, #tpu.memory_space<vmem>>
      %dma_wait3A_226 = tpu.memref_squeeze %dma_wait3A_225 : memref<1x1x128xi32, #tpu.memory_space<vmem>> -> memref<128xi32, #tpu.memory_space<vmem>>
      %dma_wait3A_227 = arith.constant 0 : i32
      %dma_wait3A_228 = arith.constant 0 : i32
      %dma_wait3A_229 = tpu.memref_slice %arg10[%dma_wait3A_227, %dma_wait3A_228] : memref<10240x128xf32, #tpu.memory_space<vmem_shared>> -> memref<10240x128xf32, #tpu.memory_space<vmem_shared>>
      tpu.wait_indirect_dma semaphore(%arg14 : memref<!tpu.dma_semaphore, #tpu.memory_space<semaphore_mem>>) src(%dma_wait3A_223 : memref<128x128xf32, #tpu.memory_space<vmem>>) dst(%dma_wait3A_229 : memref<10240x128xf32, #tpu.memory_space<vmem_shared>>)
      %dma_start3A_230 = arith.constant 4 : i32
      %dma_start3A_231 = arith.constant 0 : i32
      %dma_start3A_232 = arith.constant 0 : i32
      %dma_start3A_233 = tpu.memref_slice %arg9[%scan3A_2, %dma_start3A_231, %dma_start3A_232] : memref<2x128x128xf32, #tpu.memory_space<vmem>> -> memref<1x128x128xf32, #tpu.memory_space<vmem>>
      %dma_start3A_234 = tpu.memref_squeeze %dma_start3A_233 : memref<1x128x128xf32, #tpu.memory_space<vmem>> -> memref<128x128xf32, #tpu.memory_space<vmem>>
      %dma_start3A_235 = arith.constant 0 : i32
      %dma_start3A_236 = tpu.memref_slice %arg7[%rem3A_36, %dma_start3A_230, %dma_start3A_235] : memref<2x16x128xi32, #tpu.memory_space<vmem>> -> memref<1x1x128xi32, #tpu.memory_space<vmem>>
      %dma_start3A_237 = tpu.memref_squeeze %dma_start3A_236 : memref<1x1x128xi32, #tpu.memory_space<vmem>> -> memref<128xi32, #tpu.memory_space<vmem>>
      %dma_start3A_238 = arith.constant 0 : i32
      %dma_start3A_239 = arith.constant 0 : i32
      %dma_start3A_240 = tpu.memref_slice %arg2[%arg0, %dma_start3A_238, %dma_start3A_239] : memref<2x10240x128xf32, #tpu.memory_space<hbm>> -> memref<1x10240x128xf32, #tpu.memory_space<hbm>>
      %dma_start3A_241 = tpu.memref_squeeze %dma_start3A_240 : memref<1x10240x128xf32, #tpu.memory_space<hbm>> -> memref<10240x128xf32, #tpu.memory_space<hbm>>
      %dma_start3A_242 = arith.constant 0 : i32
      %dma_start3A_243 = arith.constant 0 : i32
      %dma_start3A_244 = tpu.memref_slice %dma_start3A_241[%dma_start3A_242, %dma_start3A_243] : memref<10240x128xf32, #tpu.memory_space<hbm>> -> memref<10240x128xf32, #tpu.memory_space<hbm>>
      tpu.enqueue_indirect_dma source(%dma_start3A_244 : memref<10240x128xf32, #tpu.memory_space<hbm>>) target(%dma_start3A_234 : memref<128x128xf32, #tpu.memory_space<vmem>>) offsets(%dma_start3A_237 : memref<128xi32, #tpu.memory_space<vmem>>) semaphore(%arg12 : memref<!tpu.dma_semaphore, #tpu.memory_space<semaphore_mem>>)
      %dma_start3A_245 = arith.constant 3 : i32
      %dma_start3A_246 = arith.constant 0 : i32
      %dma_start3A_247 = arith.constant 0 : i32
      %dma_start3A_248 = tpu.memref_slice %arg9[%scan3A_3, %dma_start3A_246, %dma_start3A_247] : memref<2x128x128xf32, #tpu.memory_space<vmem>> -> memref<1x128x128xf32, #tpu.memory_space<vmem>>
      %dma_start3A_249 = tpu.memref_squeeze %dma_start3A_248 : memref<1x128x128xf32, #tpu.memory_space<vmem>> -> memref<128x128xf32, #tpu.memory_space<vmem>>
      %dma_start3A_250 = arith.constant 0 : i32
      %dma_start3A_251 = tpu.memref_slice %arg8[%rem3A_36, %dma_start3A_245, %dma_start3A_250] : memref<2x16x128xi32, #tpu.memory_space<vmem>> -> memref<1x1x128xi32, #tpu.memory_space<vmem>>
      %dma_start3A_252 = tpu.memref_squeeze %dma_start3A_251 : memref<1x1x128xi32, #tpu.memory_space<vmem>> -> memref<128xi32, #tpu.memory_space<vmem>>
      %dma_start3A_253 = arith.constant 0 : i32
      %dma_start3A_254 = arith.constant 0 : i32
      %dma_start3A_255 = tpu.memref_slice %arg10[%dma_start3A_253, %dma_start3A_254] : memref<10240x128xf32, #tpu.memory_space<vmem_shared>> -> memref<10240x128xf32, #tpu.memory_space<vmem_shared>>
      tpu.enqueue_indirect_dma source(%dma_start3A_249 : memref<128x128xf32, #tpu.memory_space<vmem>>) target(%dma_start3A_255 : memref<10240x128xf32, #tpu.memory_space<vmem_shared>>) offsets(%dma_start3A_252 : memref<128xi32, #tpu.memory_space<vmem>>) semaphore(%arg15 : memref<!tpu.dma_semaphore, #tpu.memory_space<semaphore_mem>>) {add = true}
      %dma_wait3A_256 = arith.constant 4 : i32
      %dma_wait3A_257 = arith.constant 0 : i32
      %dma_wait3A_258 = arith.constant 0 : i32
      %dma_wait3A_259 = tpu.memref_slice %arg9[%scan3A_2, %dma_wait3A_257, %dma_wait3A_258] : memref<2x128x128xf32, #tpu.memory_space<vmem>> -> memref<1x128x128xf32, #tpu.memory_space<vmem>>
      %dma_wait3A_260 = tpu.memref_squeeze %dma_wait3A_259 : memref<1x128x128xf32, #tpu.memory_space<vmem>> -> memref<128x128xf32, #tpu.memory_space<vmem>>
      %dma_wait3A_261 = arith.constant 0 : i32
      %dma_wait3A_262 = tpu.memref_slice %arg7[%rem3A_36, %dma_wait3A_256, %dma_wait3A_261] : memref<2x16x128xi32, #tpu.memory_space<vmem>> -> memref<1x1x128xi32, #tpu.memory_space<vmem>>
      %dma_wait3A_263 = tpu.memref_squeeze %dma_wait3A_262 : memref<1x1x128xi32, #tpu.memory_space<vmem>> -> memref<128xi32, #tpu.memory_space<vmem>>
      %dma_wait3A_264 = arith.constant 0 : i32
      %dma_wait3A_265 = arith.constant 0 : i32
      %dma_wait3A_266 = tpu.memref_slice %arg2[%arg0, %dma_wait3A_264, %dma_wait3A_265] : memref<2x10240x128xf32, #tpu.memory_space<hbm>> -> memref<1x10240x128xf32, #tpu.memory_space<hbm>>
      %dma_wait3A_267 = tpu.memref_squeeze %dma_wait3A_266 : memref<1x10240x128xf32, #tpu.memory_space<hbm>> -> memref<10240x128xf32, #tpu.memory_space<hbm>>
      %dma_wait3A_268 = arith.constant 0 : i32
      %dma_wait3A_269 = arith.constant 0 : i32
      %dma_wait3A_270 = tpu.memref_slice %dma_wait3A_267[%dma_wait3A_268, %dma_wait3A_269] : memref<10240x128xf32, #tpu.memory_space<hbm>> -> memref<10240x128xf32, #tpu.memory_space<hbm>>
      tpu.wait_indirect_dma semaphore(%arg12 : memref<!tpu.dma_semaphore, #tpu.memory_space<semaphore_mem>>) src(%dma_wait3A_270 : memref<10240x128xf32, #tpu.memory_space<hbm>>) dst(%dma_wait3A_260 : memref<128x128xf32, #tpu.memory_space<vmem>>)
      %dma_wait3A_271 = arith.constant 3 : i32
      %dma_wait3A_272 = arith.constant 0 : i32
      %dma_wait3A_273 = arith.constant 0 : i32
      %dma_wait3A_274 = tpu.memref_slice %arg9[%scan3A_3, %dma_wait3A_272, %dma_wait3A_273] : memref<2x128x128xf32, #tpu.memory_space<vmem>> -> memref<1x128x128xf32, #tpu.memory_space<vmem>>
      %dma_wait3A_275 = tpu.memref_squeeze %dma_wait3A_274 : memref<1x128x128xf32, #tpu.memory_space<vmem>> -> memref<128x128xf32, #tpu.memory_space<vmem>>
      %dma_wait3A_276 = arith.constant 0 : i32
      %dma_wait3A_277 = tpu.memref_slice %arg8[%rem3A_36, %dma_wait3A_271, %dma_wait3A_276] : memref<2x16x128xi32, #tpu.memory_space<vmem>> -> memref<1x1x128xi32, #tpu.memory_space<vmem>>
      %dma_wait3A_278 = tpu.memref_squeeze %dma_wait3A_277 : memref<1x1x128xi32, #tpu.memory_space<vmem>> -> memref<128xi32, #tpu.memory_space<vmem>>
      %dma_wait3A_279 = arith.constant 0 : i32
      %dma_wait3A_280 = arith.constant 0 : i32
      %dma_wait3A_281 = tpu.memref_slice %arg10[%dma_wait3A_279, %dma_wait3A_280] : memref<10240x128xf32, #tpu.memory_space<vmem_shared>> -> memref<10240x128xf32, #tpu.memory_space<vmem_shared>>
      tpu.wait_indirect_dma semaphore(%arg15 : memref<!tpu.dma_semaphore, #tpu.memory_space<semaphore_mem>>) src(%dma_wait3A_275 : memref<128x128xf32, #tpu.memory_space<vmem>>) dst(%dma_wait3A_281 : memref<10240x128xf32, #tpu.memory_space<vmem_shared>>)
      %dma_start3A_282 = arith.constant 5 : i32
      %dma_start3A_283 = arith.constant 0 : i32
      %dma_start3A_284 = arith.constant 0 : i32
      %dma_start3A_285 = tpu.memref_slice %arg9[%scan3A_3, %dma_start3A_283, %dma_start3A_284] : memref<2x128x128xf32, #tpu.memory_space<vmem>> -> memref<1x128x128xf32, #tpu.memory_space<vmem>>
      %dma_start3A_286 = tpu.memref_squeeze %dma_start3A_285 : memref<1x128x128xf32, #tpu.memory_space<vmem>> -> memref<128x128xf32, #tpu.memory_space<vmem>>
      %dma_start3A_287 = arith.constant 0 : i32
      %dma_start3A_288 = tpu.memref_slice %arg7[%rem3A_36, %dma_start3A_282, %dma_start3A_287] : memref<2x16x128xi32, #tpu.memory_space<vmem>> -> memref<1x1x128xi32, #tpu.memory_space<vmem>>
      %dma_start3A_289 = tpu.memref_squeeze %dma_start3A_288 : memref<1x1x128xi32, #tpu.memory_space<vmem>> -> memref<128xi32, #tpu.memory_space<vmem>>
      %dma_start3A_290 = arith.constant 0 : i32
      %dma_start3A_291 = arith.constant 0 : i32
      %dma_start3A_292 = tpu.memref_slice %arg2[%arg0, %dma_start3A_290, %dma_start3A_291] : memref<2x10240x128xf32, #tpu.memory_space<hbm>> -> memref<1x10240x128xf32, #tpu.memory_space<hbm>>
      %dma_start3A_293 = tpu.memref_squeeze %dma_start3A_292 : memref<1x10240x128xf32, #tpu.memory_space<hbm>> -> memref<10240x128xf32, #tpu.memory_space<hbm>>
      %dma_start3A_294 = arith.constant 0 : i32
      %dma_start3A_295 = arith.constant 0 : i32
      %dma_start3A_296 = tpu.memref_slice %dma_start3A_293[%dma_start3A_294, %dma_start3A_295] : memref<10240x128xf32, #tpu.memory_space<hbm>> -> memref<10240x128xf32, #tpu.memory_space<hbm>>
      tpu.enqueue_indirect_dma source(%dma_start3A_296 : memref<10240x128xf32, #tpu.memory_space<hbm>>) target(%dma_start3A_286 : memref<128x128xf32, #tpu.memory_space<vmem>>) offsets(%dma_start3A_289 : memref<128xi32, #tpu.memory_space<vmem>>) semaphore(%arg13 : memref<!tpu.dma_semaphore, #tpu.memory_space<semaphore_mem>>)
      %dma_start3A_297 = arith.constant 4 : i32
      %dma_start3A_298 = arith.constant 0 : i32
      %dma_start3A_299 = arith.constant 0 : i32
      %dma_start3A_300 = tpu.memref_slice %arg9[%scan3A_2, %dma_start3A_298, %dma_start3A_299] : memref<2x128x128xf32, #tpu.memory_space<vmem>> -> memref<1x128x128xf32, #tpu.memory_space<vmem>>
      %dma_start3A_301 = tpu.memref_squeeze %dma_start3A_300 : memref<1x128x128xf32, #tpu.memory_space<vmem>> -> memref<128x128xf32, #tpu.memory_space<vmem>>
      %dma_start3A_302 = arith.constant 0 : i32
      %dma_start3A_303 = tpu.memref_slice %arg8[%rem3A_36, %dma_start3A_297, %dma_start3A_302] : memref<2x16x128xi32, #tpu.memory_space<vmem>> -> memref<1x1x128xi32, #tpu.memory_space<vmem>>
      %dma_start3A_304 = tpu.memref_squeeze %dma_start3A_303 : memref<1x1x128xi32, #tpu.memory_space<vmem>> -> memref<128xi32, #tpu.memory_space<vmem>>
      %dma_start3A_305 = arith.constant 0 : i32
      %dma_start3A_306 = arith.constant 0 : i32
      %dma_start3A_307 = tpu.memref_slice %arg10[%dma_start3A_305, %dma_start3A_306] : memref<10240x128xf32, #tpu.memory_space<vmem_shared>> -> memref<10240x128xf32, #tpu.memory_space<vmem_shared>>
      tpu.enqueue_indirect_dma source(%dma_start3A_301 : memref<128x128xf32, #tpu.memory_space<vmem>>) target(%dma_start3A_307 : memref<10240x128xf32, #tpu.memory_space<vmem_shared>>) offsets(%dma_start3A_304 : memref<128xi32, #tpu.memory_space<vmem>>) semaphore(%arg14 : memref<!tpu.dma_semaphore, #tpu.memory_space<semaphore_mem>>) {add = true}
      %dma_wait3A_308 = arith.constant 5 : i32
      %dma_wait3A_309 = arith.constant 0 : i32
      %dma_wait3A_310 = arith.constant 0 : i32
      %dma_wait3A_311 = tpu.memref_slice %arg9[%scan3A_3, %dma_wait3A_309, %dma_wait3A_310] : memref<2x128x128xf32, #tpu.memory_space<vmem>> -> memref<1x128x128xf32, #tpu.memory_space<vmem>>
      %dma_wait3A_312 = tpu.memref_squeeze %dma_wait3A_311 : memref<1x128x128xf32, #tpu.memory_space<vmem>> -> memref<128x128xf32, #tpu.memory_space<vmem>>
      %dma_wait3A_313 = arith.constant 0 : i32
      %dma_wait3A_314 = tpu.memref_slice %arg7[%rem3A_36, %dma_wait3A_308, %dma_wait3A_313] : memref<2x16x128xi32, #tpu.memory_space<vmem>> -> memref<1x1x128xi32, #tpu.memory_space<vmem>>
      %dma_wait3A_315 = tpu.memref_squeeze %dma_wait3A_314 : memref<1x1x128xi32, #tpu.memory_space<vmem>> -> memref<128xi32, #tpu.memory_space<vmem>>
      %dma_wait3A_316 = arith.constant 0 : i32
      %dma_wait3A_317 = arith.constant 0 : i32
      %dma_wait3A_318 = tpu.memref_slice %arg2[%arg0, %dma_wait3A_316, %dma_wait3A_317] : memref<2x10240x128xf32, #tpu.memory_space<hbm>> -> memref<1x10240x128xf32, #tpu.memory_space<hbm>>
      %dma_wait3A_319 = tpu.memref_squeeze %dma_wait3A_318 : memref<1x10240x128xf32, #tpu.memory_space<hbm>> -> memref<10240x128xf32, #tpu.memory_space<hbm>>
      %dma_wait3A_320 = arith.constant 0 : i32
      %dma_wait3A_321 = arith.constant 0 : i32
      %dma_wait3A_322 = tpu.memref_slice %dma_wait3A_319[%dma_wait3A_320, %dma_wait3A_321] : memref<10240x128xf32, #tpu.memory_space<hbm>> -> memref<10240x128xf32, #tpu.memory_space<hbm>>
      tpu.wait_indirect_dma semaphore(%arg13 : memref<!tpu.dma_semaphore, #tpu.memory_space<semaphore_mem>>) src(%dma_wait3A_322 : memref<10240x128xf32, #tpu.memory_space<hbm>>) dst(%dma_wait3A_312 : memref<128x128xf32, #tpu.memory_space<vmem>>)
      %dma_wait3A_323 = arith.constant 4 : i32
      %dma_wait3A_324 = arith.constant 0 : i32
      %dma_wait3A_325 = arith.constant 0 : i32
      %dma_wait3A_326 = tpu.memref_slice %arg9[%scan3A_2, %dma_wait3A_324, %dma_wait3A_325] : memref<2x128x128xf32, #tpu.memory_space<vmem>> -> memref<1x128x128xf32, #tpu.memory_space<vmem>>
      %dma_wait3A_327 = tpu.memref_squeeze %dma_wait3A_326 : memref<1x128x128xf32, #tpu.memory_space<vmem>> -> memref<128x128xf32, #tpu.memory_space<vmem>>
      %dma_wait3A_328 = arith.constant 0 : i32
      %dma_wait3A_329 = tpu.memref_slice %arg8[%rem3A_36, %dma_wait3A_323, %dma_wait3A_328] : memref<2x16x128xi32, #tpu.memory_space<vmem>> -> memref<1x1x128xi32, #tpu.memory_space<vmem>>
      %dma_wait3A_330 = tpu.memref_squeeze %dma_wait3A_329 : memref<1x1x128xi32, #tpu.memory_space<vmem>> -> memref<128xi32, #tpu.memory_space<vmem>>
      %dma_wait3A_331 = arith.constant 0 : i32
      %dma_wait3A_332 = arith.constant 0 : i32
      %dma_wait3A_333 = tpu.memref_slice %arg10[%dma_wait3A_331, %dma_wait3A_332] : memref<10240x128xf32, #tpu.memory_space<vmem_shared>> -> memref<10240x128xf32, #tpu.memory_space<vmem_shared>>
      tpu.wait_indirect_dma semaphore(%arg14 : memref<!tpu.dma_semaphore, #tpu.memory_space<semaphore_mem>>) src(%dma_wait3A_327 : memref<128x128xf32, #tpu.memory_space<vmem>>) dst(%dma_wait3A_333 : memref<10240x128xf32, #tpu.memory_space<vmem_shared>>)
      %dma_start3A_334 = arith.constant 6 : i32
      %dma_start3A_335 = arith.constant 0 : i32
      %dma_start3A_336 = arith.constant 0 : i32
      %dma_start3A_337 = tpu.memref_slice %arg9[%scan3A_2, %dma_start3A_335, %dma_start3A_336] : memref<2x128x128xf32, #tpu.memory_space<vmem>> -> memref<1x128x128xf32, #tpu.memory_space<vmem>>
      %dma_start3A_338 = tpu.memref_squeeze %dma_start3A_337 : memref<1x128x128xf32, #tpu.memory_space<vmem>> -> memref<128x128xf32, #tpu.memory_space<vmem>>
      %dma_start3A_339 = arith.constant 0 : i32
      %dma_start3A_340 = tpu.memref_slice %arg7[%rem3A_36, %dma_start3A_334, %dma_start3A_339] : memref<2x16x128xi32, #tpu.memory_space<vmem>> -> memref<1x1x128xi32, #tpu.memory_space<vmem>>
      %dma_start3A_341 = tpu.memref_squeeze %dma_start3A_340 : memref<1x1x128xi32, #tpu.memory_space<vmem>> -> memref<128xi32, #tpu.memory_space<vmem>>
      %dma_start3A_342 = arith.constant 0 : i32
      %dma_start3A_343 = arith.constant 0 : i32
      %dma_start3A_344 = tpu.memref_slice %arg2[%arg0, %dma_start3A_342, %dma_start3A_343] : memref<2x10240x128xf32, #tpu.memory_space<hbm>> -> memref<1x10240x128xf32, #tpu.memory_space<hbm>>
      %dma_start3A_345 = tpu.memref_squeeze %dma_start3A_344 : memref<1x10240x128xf32, #tpu.memory_space<hbm>> -> memref<10240x128xf32, #tpu.memory_space<hbm>>
      %dma_start3A_346 = arith.constant 0 : i32
      %dma_start3A_347 = arith.constant 0 : i32
      %dma_start3A_348 = tpu.memref_slice %dma_start3A_345[%dma_start3A_346, %dma_start3A_347] : memref<10240x128xf32, #tpu.memory_space<hbm>> -> memref<10240x128xf32, #tpu.memory_space<hbm>>
      tpu.enqueue_indirect_dma source(%dma_start3A_348 : memref<10240x128xf32, #tpu.memory_space<hbm>>) target(%dma_start3A_338 : memref<128x128xf32, #tpu.memory_space<vmem>>) offsets(%dma_start3A_341 : memref<128xi32, #tpu.memory_space<vmem>>) semaphore(%arg12 : memref<!tpu.dma_semaphore, #tpu.memory_space<semaphore_mem>>)
      %dma_start3A_349 = arith.constant 5 : i32
      %dma_start3A_350 = arith.constant 0 : i32
      %dma_start3A_351 = arith.constant 0 : i32
      %dma_start3A_352 = tpu.memref_slice %arg9[%scan3A_3, %dma_start3A_350, %dma_start3A_351] : memref<2x128x128xf32, #tpu.memory_space<vmem>> -> memref<1x128x128xf32, #tpu.memory_space<vmem>>
      %dma_start3A_353 = tpu.memref_squeeze %dma_start3A_352 : memref<1x128x128xf32, #tpu.memory_space<vmem>> -> memref<128x128xf32, #tpu.memory_space<vmem>>
      %dma_start3A_354 = arith.constant 0 : i32
      %dma_start3A_355 = tpu.memref_slice %arg8[%rem3A_36, %dma_start3A_349, %dma_start3A_354] : memref<2x16x128xi32, #tpu.memory_space<vmem>> -> memref<1x1x128xi32, #tpu.memory_space<vmem>>
      %dma_start3A_356 = tpu.memref_squeeze %dma_start3A_355 : memref<1x1x128xi32, #tpu.memory_space<vmem>> -> memref<128xi32, #tpu.memory_space<vmem>>
      %dma_start3A_357 = arith.constant 0 : i32
      %dma_start3A_358 = arith.constant 0 : i32
      %dma_start3A_359 = tpu.memref_slice %arg10[%dma_start3A_357, %dma_start3A_358] : memref<10240x128xf32, #tpu.memory_space<vmem_shared>> -> memref<10240x128xf32, #tpu.memory_space<vmem_shared>>
      tpu.enqueue_indirect_dma source(%dma_start3A_353 : memref<128x128xf32, #tpu.memory_space<vmem>>) target(%dma_start3A_359 : memref<10240x128xf32, #tpu.memory_space<vmem_shared>>) offsets(%dma_start3A_356 : memref<128xi32, #tpu.memory_space<vmem>>) semaphore(%arg15 : memref<!tpu.dma_semaphore, #tpu.memory_space<semaphore_mem>>) {add = true}
      %dma_wait3A_360 = arith.constant 6 : i32
      %dma_wait3A_361 = arith.constant 0 : i32
      %dma_wait3A_362 = arith.constant 0 : i32
      %dma_wait3A_363 = tpu.memref_slice %arg9[%scan3A_2, %dma_wait3A_361, %dma_wait3A_362] : memref<2x128x128xf32, #tpu.memory_space<vmem>> -> memref<1x128x128xf32, #tpu.memory_space<vmem>>
      %dma_wait3A_364 = tpu.memref_squeeze %dma_wait3A_363 : memref<1x128x128xf32, #tpu.memory_space<vmem>> -> memref<128x128xf32, #tpu.memory_space<vmem>>
      %dma_wait3A_365 = arith.constant 0 : i32
      %dma_wait3A_366 = tpu.memref_slice %arg7[%rem3A_36, %dma_wait3A_360, %dma_wait3A_365] : memref<2x16x128xi32, #tpu.memory_space<vmem>> -> memref<1x1x128xi32, #tpu.memory_space<vmem>>
      %dma_wait3A_367 = tpu.memref_squeeze %dma_wait3A_366 : memref<1x1x128xi32, #tpu.memory_space<vmem>> -> memref<128xi32, #tpu.memory_space<vmem>>
      %dma_wait3A_368 = arith.constant 0 : i32
      %dma_wait3A_369 = arith.constant 0 : i32
      %dma_wait3A_370 = tpu.memref_slice %arg2[%arg0, %dma_wait3A_368, %dma_wait3A_369] : memref<2x10240x128xf32, #tpu.memory_space<hbm>> -> memref<1x10240x128xf32, #tpu.memory_space<hbm>>
      %dma_wait3A_371 = tpu.memref_squeeze %dma_wait3A_370 : memref<1x10240x128xf32, #tpu.memory_space<hbm>> -> memref<10240x128xf32, #tpu.memory_space<hbm>>
      %dma_wait3A_372 = arith.constant 0 : i32
      %dma_wait3A_373 = arith.constant 0 : i32
      %dma_wait3A_374 = tpu.memref_slice %dma_wait3A_371[%dma_wait3A_372, %dma_wait3A_373] : memref<10240x128xf32, #tpu.memory_space<hbm>> -> memref<10240x128xf32, #tpu.memory_space<hbm>>
      tpu.wait_indirect_dma semaphore(%arg12 : memref<!tpu.dma_semaphore, #tpu.memory_space<semaphore_mem>>) src(%dma_wait3A_374 : memref<10240x128xf32, #tpu.memory_space<hbm>>) dst(%dma_wait3A_364 : memref<128x128xf32, #tpu.memory_space<vmem>>)
      %dma_wait3A_375 = arith.constant 5 : i32
      %dma_wait3A_376 = arith.constant 0 : i32
      %dma_wait3A_377 = arith.constant 0 : i32
      %dma_wait3A_378 = tpu.memref_slice %arg9[%scan3A_3, %dma_wait3A_376, %dma_wait3A_377] : memref<2x128x128xf32, #tpu.memory_space<vmem>> -> memref<1x128x128xf32, #tpu.memory_space<vmem>>
      %dma_wait3A_379 = tpu.memref_squeeze %dma_wait3A_378 : memref<1x128x128xf32, #tpu.memory_space<vmem>> -> memref<128x128xf32, #tpu.memory_space<vmem>>
      %dma_wait3A_380 = arith.constant 0 : i32
      %dma_wait3A_381 = tpu.memref_slice %arg8[%rem3A_36, %dma_wait3A_375, %dma_wait3A_380] : memref<2x16x128xi32, #tpu.memory_space<vmem>> -> memref<1x1x128xi32, #tpu.memory_space<vmem>>
      %dma_wait3A_382 = tpu.memref_squeeze %dma_wait3A_381 : memref<1x1x128xi32, #tpu.memory_space<vmem>> -> memref<128xi32, #tpu.memory_space<vmem>>
      %dma_wait3A_383 = arith.constant 0 : i32
      %dma_wait3A_384 = arith.constant 0 : i32
      %dma_wait3A_385 = tpu.memref_slice %arg10[%dma_wait3A_383, %dma_wait3A_384] : memref<10240x128xf32, #tpu.memory_space<vmem_shared>> -> memref<10240x128xf32, #tpu.memory_space<vmem_shared>>
      tpu.wait_indirect_dma semaphore(%arg15 : memref<!tpu.dma_semaphore, #tpu.memory_space<semaphore_mem>>) src(%dma_wait3A_379 : memref<128x128xf32, #tpu.memory_space<vmem>>) dst(%dma_wait3A_385 : memref<10240x128xf32, #tpu.memory_space<vmem_shared>>)
      %dma_start3A_386 = arith.constant 7 : i32
      %dma_start3A_387 = arith.constant 0 : i32
      %dma_start3A_388 = arith.constant 0 : i32
      %dma_start3A_389 = tpu.memref_slice %arg9[%scan3A_3, %dma_start3A_387, %dma_start3A_388] : memref<2x128x128xf32, #tpu.memory_space<vmem>> -> memref<1x128x128xf32, #tpu.memory_space<vmem>>
      %dma_start3A_390 = tpu.memref_squeeze %dma_start3A_389 : memref<1x128x128xf32, #tpu.memory_space<vmem>> -> memref<128x128xf32, #tpu.memory_space<vmem>>
      %dma_start3A_391 = arith.constant 0 : i32
      %dma_start3A_392 = tpu.memref_slice %arg7[%rem3A_36, %dma_start3A_386, %dma_start3A_391] : memref<2x16x128xi32, #tpu.memory_space<vmem>> -> memref<1x1x128xi32, #tpu.memory_space<vmem>>
      %dma_start3A_393 = tpu.memref_squeeze %dma_start3A_392 : memref<1x1x128xi32, #tpu.memory_space<vmem>> -> memref<128xi32, #tpu.memory_space<vmem>>
      %dma_start3A_394 = arith.constant 0 : i32
      %dma_start3A_395 = arith.constant 0 : i32
      %dma_start3A_396 = tpu.memref_slice %arg2[%arg0, %dma_start3A_394, %dma_start3A_395] : memref<2x10240x128xf32, #tpu.memory_space<hbm>> -> memref<1x10240x128xf32, #tpu.memory_space<hbm>>
      %dma_start3A_397 = tpu.memref_squeeze %dma_start3A_396 : memref<1x10240x128xf32, #tpu.memory_space<hbm>> -> memref<10240x128xf32, #tpu.memory_space<hbm>>
      %dma_start3A_398 = arith.constant 0 : i32
      %dma_start3A_399 = arith.constant 0 : i32
      %dma_start3A_400 = tpu.memref_slice %dma_start3A_397[%dma_start3A_398, %dma_start3A_399] : memref<10240x128xf32, #tpu.memory_space<hbm>> -> memref<10240x128xf32, #tpu.memory_space<hbm>>
      tpu.enqueue_indirect_dma source(%dma_start3A_400 : memref<10240x128xf32, #tpu.memory_space<hbm>>) target(%dma_start3A_390 : memref<128x128xf32, #tpu.memory_space<vmem>>) offsets(%dma_start3A_393 : memref<128xi32, #tpu.memory_space<vmem>>) semaphore(%arg13 : memref<!tpu.dma_semaphore, #tpu.memory_space<semaphore_mem>>)
      %dma_start3A_401 = arith.constant 6 : i32
      %dma_start3A_402 = arith.constant 0 : i32
      %dma_start3A_403 = arith.constant 0 : i32
      %dma_start3A_404 = tpu.memref_slice %arg9[%scan3A_2, %dma_start3A_402, %dma_start3A_403] : memref<2x128x128xf32, #tpu.memory_space<vmem>> -> memref<1x128x128xf32, #tpu.memory_space<vmem>>
      %dma_start3A_405 = tpu.memref_squeeze %dma_start3A_404 : memref<1x128x128xf32, #tpu.memory_space<vmem>> -> memref<128x128xf32, #tpu.memory_space<vmem>>
      %dma_start3A_406 = arith.constant 0 : i32
      %dma_start3A_407 = tpu.memref_slice %arg8[%rem3A_36, %dma_start3A_401, %dma_start3A_406] : memref<2x16x128xi32, #tpu.memory_space<vmem>> -> memref<1x1x128xi32, #tpu.memory_space<vmem>>
      %dma_start3A_408 = tpu.memref_squeeze %dma_start3A_407 : memref<1x1x128xi32, #tpu.memory_space<vmem>> -> memref<128xi32, #tpu.memory_space<vmem>>
      %dma_start3A_409 = arith.constant 0 : i32
      %dma_start3A_410 = arith.constant 0 : i32
      %dma_start3A_411 = tpu.memref_slice %arg10[%dma_start3A_409, %dma_start3A_410] : memref<10240x128xf32, #tpu.memory_space<vmem_shared>> -> memref<10240x128xf32, #tpu.memory_space<vmem_shared>>
      tpu.enqueue_indirect_dma source(%dma_start3A_405 : memref<128x128xf32, #tpu.memory_space<vmem>>) target(%dma_start3A_411 : memref<10240x128xf32, #tpu.memory_space<vmem_shared>>) offsets(%dma_start3A_408 : memref<128xi32, #tpu.memory_space<vmem>>) semaphore(%arg14 : memref<!tpu.dma_semaphore, #tpu.memory_space<semaphore_mem>>) {add = true}
      %dma_wait3A_412 = arith.constant 7 : i32
      %dma_wait3A_413 = arith.constant 0 : i32
      %dma_wait3A_414 = arith.constant 0 : i32
      %dma_wait3A_415 = tpu.memref_slice %arg9[%scan3A_3, %dma_wait3A_413, %dma_wait3A_414] : memref<2x128x128xf32, #tpu.memory_space<vmem>> -> memref<1x128x128xf32, #tpu.memory_space<vmem>>
      %dma_wait3A_416 = tpu.memref_squeeze %dma_wait3A_415 : memref<1x128x128xf32, #tpu.memory_space<vmem>> -> memref<128x128xf32, #tpu.memory_space<vmem>>
      %dma_wait3A_417 = arith.constant 0 : i32
      %dma_wait3A_418 = tpu.memref_slice %arg7[%rem3A_36, %dma_wait3A_412, %dma_wait3A_417] : memref<2x16x128xi32, #tpu.memory_space<vmem>> -> memref<1x1x128xi32, #tpu.memory_space<vmem>>
      %dma_wait3A_419 = tpu.memref_squeeze %dma_wait3A_418 : memref<1x1x128xi32, #tpu.memory_space<vmem>> -> memref<128xi32, #tpu.memory_space<vmem>>
      %dma_wait3A_420 = arith.constant 0 : i32
      %dma_wait3A_421 = arith.constant 0 : i32
      %dma_wait3A_422 = tpu.memref_slice %arg2[%arg0, %dma_wait3A_420, %dma_wait3A_421] : memref<2x10240x128xf32, #tpu.memory_space<hbm>> -> memref<1x10240x128xf32, #tpu.memory_space<hbm>>
      %dma_wait3A_423 = tpu.memref_squeeze %dma_wait3A_422 : memref<1x10240x128xf32, #tpu.memory_space<hbm>> -> memref<10240x128xf32, #tpu.memory_space<hbm>>
      %dma_wait3A_424 = arith.constant 0 : i32
      %dma_wait3A_425 = arith.constant 0 : i32
      %dma_wait3A_426 = tpu.memref_slice %dma_wait3A_423[%dma_wait3A_424, %dma_wait3A_425] : memref<10240x128xf32, #tpu.memory_space<hbm>> -> memref<10240x128xf32, #tpu.memory_space<hbm>>
      tpu.wait_indirect_dma semaphore(%arg13 : memref<!tpu.dma_semaphore, #tpu.memory_space<semaphore_mem>>) src(%dma_wait3A_426 : memref<10240x128xf32, #tpu.memory_space<hbm>>) dst(%dma_wait3A_416 : memref<128x128xf32, #tpu.memory_space<vmem>>)
      %dma_wait3A_427 = arith.constant 6 : i32
      %dma_wait3A_428 = arith.constant 0 : i32
      %dma_wait3A_429 = arith.constant 0 : i32
      %dma_wait3A_430 = tpu.memref_slice %arg9[%scan3A_2, %dma_wait3A_428, %dma_wait3A_429] : memref<2x128x128xf32, #tpu.memory_space<vmem>> -> memref<1x128x128xf32, #tpu.memory_space<vmem>>
      %dma_wait3A_431 = tpu.memref_squeeze %dma_wait3A_430 : memref<1x128x128xf32, #tpu.memory_space<vmem>> -> memref<128x128xf32, #tpu.memory_space<vmem>>
      %dma_wait3A_432 = arith.constant 0 : i32
      %dma_wait3A_433 = tpu.memref_slice %arg8[%rem3A_36, %dma_wait3A_427, %dma_wait3A_432] : memref<2x16x128xi32, #tpu.memory_space<vmem>> -> memref<1x1x128xi32, #tpu.memory_space<vmem>>
      %dma_wait3A_434 = tpu.memref_squeeze %dma_wait3A_433 : memref<1x1x128xi32, #tpu.memory_space<vmem>> -> memref<128xi32, #tpu.memory_space<vmem>>
      %dma_wait3A_435 = arith.constant 0 : i32
      %dma_wait3A_436 = arith.constant 0 : i32
      %dma_wait3A_437 = tpu.memref_slice %arg10[%dma_wait3A_435, %dma_wait3A_436] : memref<10240x128xf32, #tpu.memory_space<vmem_shared>> -> memref<10240x128xf32, #tpu.memory_space<vmem_shared>>
      tpu.wait_indirect_dma semaphore(%arg14 : memref<!tpu.dma_semaphore, #tpu.memory_space<semaphore_mem>>) src(%dma_wait3A_431 : memref<128x128xf32, #tpu.memory_space<vmem>>) dst(%dma_wait3A_437 : memref<10240x128xf32, #tpu.memory_space<vmem_shared>>)
      %dma_start3A_438 = arith.constant 8 : i32
      %dma_start3A_439 = arith.constant 0 : i32
      %dma_start3A_440 = arith.constant 0 : i32
      %dma_start3A_441 = tpu.memref_slice %arg9[%scan3A_2, %dma_start3A_439, %dma_start3A_440] : memref<2x128x128xf32, #tpu.memory_space<vmem>> -> memref<1x128x128xf32, #tpu.memory_space<vmem>>
      %dma_start3A_442 = tpu.memref_squeeze %dma_start3A_441 : memref<1x128x128xf32, #tpu.memory_space<vmem>> -> memref<128x128xf32, #tpu.memory_space<vmem>>
      %dma_start3A_443 = arith.constant 0 : i32
      %dma_start3A_444 = tpu.memref_slice %arg7[%rem3A_36, %dma_start3A_438, %dma_start3A_443] : memref<2x16x128xi32, #tpu.memory_space<vmem>> -> memref<1x1x128xi32, #tpu.memory_space<vmem>>
      %dma_start3A_445 = tpu.memref_squeeze %dma_start3A_444 : memref<1x1x128xi32, #tpu.memory_space<vmem>> -> memref<128xi32, #tpu.memory_space<vmem>>
      %dma_start3A_446 = arith.constant 0 : i32
      %dma_start3A_447 = arith.constant 0 : i32
      %dma_start3A_448 = tpu.memref_slice %arg2[%arg0, %dma_start3A_446, %dma_start3A_447] : memref<2x10240x128xf32, #tpu.memory_space<hbm>> -> memref<1x10240x128xf32, #tpu.memory_space<hbm>>
      %dma_start3A_449 = tpu.memref_squeeze %dma_start3A_448 : memref<1x10240x128xf32, #tpu.memory_space<hbm>> -> memref<10240x128xf32, #tpu.memory_space<hbm>>
      %dma_start3A_450 = arith.constant 0 : i32
      %dma_start3A_451 = arith.constant 0 : i32
      %dma_start3A_452 = tpu.memref_slice %dma_start3A_449[%dma_start3A_450, %dma_start3A_451] : memref<10240x128xf32, #tpu.memory_space<hbm>> -> memref<10240x128xf32, #tpu.memory_space<hbm>>
      tpu.enqueue_indirect_dma source(%dma_start3A_452 : memref<10240x128xf32, #tpu.memory_space<hbm>>) target(%dma_start3A_442 : memref<128x128xf32, #tpu.memory_space<vmem>>) offsets(%dma_start3A_445 : memref<128xi32, #tpu.memory_space<vmem>>) semaphore(%arg12 : memref<!tpu.dma_semaphore, #tpu.memory_space<semaphore_mem>>)
      %dma_start3A_453 = arith.constant 7 : i32
      %dma_start3A_454 = arith.constant 0 : i32
      %dma_start3A_455 = arith.constant 0 : i32
      %dma_start3A_456 = tpu.memref_slice %arg9[%scan3A_3, %dma_start3A_454, %dma_start3A_455] : memref<2x128x128xf32, #tpu.memory_space<vmem>> -> memref<1x128x128xf32, #tpu.memory_space<vmem>>
      %dma_start3A_457 = tpu.memref_squeeze %dma_start3A_456 : memref<1x128x128xf32, #tpu.memory_space<vmem>> -> memref<128x128xf32, #tpu.memory_space<vmem>>
      %dma_start3A_458 = arith.constant 0 : i32
      %dma_start3A_459 = tpu.memref_slice %arg8[%rem3A_36, %dma_start3A_453, %dma_start3A_458] : memref<2x16x128xi32, #tpu.memory_space<vmem>> -> memref<1x1x128xi32, #tpu.memory_space<vmem>>
      %dma_start3A_460 = tpu.memref_squeeze %dma_start3A_459 : memref<1x1x128xi32, #tpu.memory_space<vmem>> -> memref<128xi32, #tpu.memory_space<vmem>>
      %dma_start3A_461 = arith.constant 0 : i32
      %dma_start3A_462 = arith.constant 0 : i32
      %dma_start3A_463 = tpu.memref_slice %arg10[%dma_start3A_461, %dma_start3A_462] : memref<10240x128xf32, #tpu.memory_space<vmem_shared>> -> memref<10240x128xf32, #tpu.memory_space<vmem_shared>>
      tpu.enqueue_indirect_dma source(%dma_start3A_457 : memref<128x128xf32, #tpu.memory_space<vmem>>) target(%dma_start3A_463 : memref<10240x128xf32, #tpu.memory_space<vmem_shared>>) offsets(%dma_start3A_460 : memref<128xi32, #tpu.memory_space<vmem>>) semaphore(%arg15 : memref<!tpu.dma_semaphore, #tpu.memory_space<semaphore_mem>>) {add = true}
      %dma_wait3A_464 = arith.constant 8 : i32
      %dma_wait3A_465 = arith.constant 0 : i32
      %dma_wait3A_466 = arith.constant 0 : i32
      %dma_wait3A_467 = tpu.memref_slice %arg9[%scan3A_2, %dma_wait3A_465, %dma_wait3A_466] : memref<2x128x128xf32, #tpu.memory_space<vmem>> -> memref<1x128x128xf32, #tpu.memory_space<vmem>>
      %dma_wait3A_468 = tpu.memref_squeeze %dma_wait3A_467 : memref<1x128x128xf32, #tpu.memory_space<vmem>> -> memref<128x128xf32, #tpu.memory_space<vmem>>
      %dma_wait3A_469 = arith.constant 0 : i32
      %dma_wait3A_470 = tpu.memref_slice %arg7[%rem3A_36, %dma_wait3A_464, %dma_wait3A_469] : memref<2x16x128xi32, #tpu.memory_space<vmem>> -> memref<1x1x128xi32, #tpu.memory_space<vmem>>
      %dma_wait3A_471 = tpu.memref_squeeze %dma_wait3A_470 : memref<1x1x128xi32, #tpu.memory_space<vmem>> -> memref<128xi32, #tpu.memory_space<vmem>>
      %dma_wait3A_472 = arith.constant 0 : i32
      %dma_wait3A_473 = arith.constant 0 : i32
      %dma_wait3A_474 = tpu.memref_slice %arg2[%arg0, %dma_wait3A_472, %dma_wait3A_473] : memref<2x10240x128xf32, #tpu.memory_space<hbm>> -> memref<1x10240x128xf32, #tpu.memory_space<hbm>>
      %dma_wait3A_475 = tpu.memref_squeeze %dma_wait3A_474 : memref<1x10240x128xf32, #tpu.memory_space<hbm>> -> memref<10240x128xf32, #tpu.memory_space<hbm>>
      %dma_wait3A_476 = arith.constant 0 : i32
      %dma_wait3A_477 = arith.constant 0 : i32
      %dma_wait3A_478 = tpu.memref_slice %dma_wait3A_475[%dma_wait3A_476, %dma_wait3A_477] : memref<10240x128xf32, #tpu.memory_space<hbm>> -> memref<10240x128xf32, #tpu.memory_space<hbm>>
      tpu.wait_indirect_dma semaphore(%arg12 : memref<!tpu.dma_semaphore, #tpu.memory_space<semaphore_mem>>) src(%dma_wait3A_478 : memref<10240x128xf32, #tpu.memory_space<hbm>>) dst(%dma_wait3A_468 : memref<128x128xf32, #tpu.memory_space<vmem>>)
      %dma_wait3A_479 = arith.constant 7 : i32
      %dma_wait3A_480 = arith.constant 0 : i32
      %dma_wait3A_481 = arith.constant 0 : i32
      %dma_wait3A_482 = tpu.memref_slice %arg9[%scan3A_3, %dma_wait3A_480, %dma_wait3A_481] : memref<2x128x128xf32, #tpu.memory_space<vmem>> -> memref<1x128x128xf32, #tpu.memory_space<vmem>>
      %dma_wait3A_483 = tpu.memref_squeeze %dma_wait3A_482 : memref<1x128x128xf32, #tpu.memory_space<vmem>> -> memref<128x128xf32, #tpu.memory_space<vmem>>
      %dma_wait3A_484 = arith.constant 0 : i32
      %dma_wait3A_485 = tpu.memref_slice %arg8[%rem3A_36, %dma_wait3A_479, %dma_wait3A_484] : memref<2x16x128xi32, #tpu.memory_space<vmem>> -> memref<1x1x128xi32, #tpu.memory_space<vmem>>
      %dma_wait3A_486 = tpu.memref_squeeze %dma_wait3A_485 : memref<1x1x128xi32, #tpu.memory_space<vmem>> -> memref<128xi32, #tpu.memory_space<vmem>>
      %dma_wait3A_487 = arith.constant 0 : i32
      %dma_wait3A_488 = arith.constant 0 : i32
      %dma_wait3A_489 = tpu.memref_slice %arg10[%dma_wait3A_487, %dma_wait3A_488] : memref<10240x128xf32, #tpu.memory_space<vmem_shared>> -> memref<10240x128xf32, #tpu.memory_space<vmem_shared>>
      tpu.wait_indirect_dma semaphore(%arg15 : memref<!tpu.dma_semaphore, #tpu.memory_space<semaphore_mem>>) src(%dma_wait3A_483 : memref<128x128xf32, #tpu.memory_space<vmem>>) dst(%dma_wait3A_489 : memref<10240x128xf32, #tpu.memory_space<vmem_shared>>)
      %dma_start3A_490 = arith.constant 9 : i32
      %dma_start3A_491 = arith.constant 0 : i32
      %dma_start3A_492 = arith.constant 0 : i32
      %dma_start3A_493 = tpu.memref_slice %arg9[%scan3A_3, %dma_start3A_491, %dma_start3A_492] : memref<2x128x128xf32, #tpu.memory_space<vmem>> -> memref<1x128x128xf32, #tpu.memory_space<vmem>>
      %dma_start3A_494 = tpu.memref_squeeze %dma_start3A_493 : memref<1x128x128xf32, #tpu.memory_space<vmem>> -> memref<128x128xf32, #tpu.memory_space<vmem>>
      %dma_start3A_495 = arith.constant 0 : i32
      %dma_start3A_496 = tpu.memref_slice %arg7[%rem3A_36, %dma_start3A_490, %dma_start3A_495] : memref<2x16x128xi32, #tpu.memory_space<vmem>> -> memref<1x1x128xi32, #tpu.memory_space<vmem>>
      %dma_start3A_497 = tpu.memref_squeeze %dma_start3A_496 : memref<1x1x128xi32, #tpu.memory_space<vmem>> -> memref<128xi32, #tpu.memory_space<vmem>>
      %dma_start3A_498 = arith.constant 0 : i32
      %dma_start3A_499 = arith.constant 0 : i32
      %dma_start3A_500 = tpu.memref_slice %arg2[%arg0, %dma_start3A_498, %dma_start3A_499] : memref<2x10240x128xf32, #tpu.memory_space<hbm>> -> memref<1x10240x128xf32, #tpu.memory_space<hbm>>
      %dma_start3A_501 = tpu.memref_squeeze %dma_start3A_500 : memref<1x10240x128xf32, #tpu.memory_space<hbm>> -> memref<10240x128xf32, #tpu.memory_space<hbm>>
      %dma_start3A_502 = arith.constant 0 : i32
      %dma_start3A_503 = arith.constant 0 : i32
      %dma_start3A_504 = tpu.memref_slice %dma_start3A_501[%dma_start3A_502, %dma_start3A_503] : memref<10240x128xf32, #tpu.memory_space<hbm>> -> memref<10240x128xf32, #tpu.memory_space<hbm>>
      tpu.enqueue_indirect_dma source(%dma_start3A_504 : memref<10240x128xf32, #tpu.memory_space<hbm>>) target(%dma_start3A_494 : memref<128x128xf32, #tpu.memory_space<vmem>>) offsets(%dma_start3A_497 : memref<128xi32, #tpu.memory_space<vmem>>) semaphore(%arg13 : memref<!tpu.dma_semaphore, #tpu.memory_space<semaphore_mem>>)
      %dma_start3A_505 = arith.constant 8 : i32
      %dma_start3A_506 = arith.constant 0 : i32
      %dma_start3A_507 = arith.constant 0 : i32
      %dma_start3A_508 = tpu.memref_slice %arg9[%scan3A_2, %dma_start3A_506, %dma_start3A_507] : memref<2x128x128xf32, #tpu.memory_space<vmem>> -> memref<1x128x128xf32, #tpu.memory_space<vmem>>
      %dma_start3A_509 = tpu.memref_squeeze %dma_start3A_508 : memref<1x128x128xf32, #tpu.memory_space<vmem>> -> memref<128x128xf32, #tpu.memory_space<vmem>>
      %dma_start3A_510 = arith.constant 0 : i32
      %dma_start3A_511 = tpu.memref_slice %arg8[%rem3A_36, %dma_start3A_505, %dma_start3A_510] : memref<2x16x128xi32, #tpu.memory_space<vmem>> -> memref<1x1x128xi32, #tpu.memory_space<vmem>>
      %dma_start3A_512 = tpu.memref_squeeze %dma_start3A_511 : memref<1x1x128xi32, #tpu.memory_space<vmem>> -> memref<128xi32, #tpu.memory_space<vmem>>
      %dma_start3A_513 = arith.constant 0 : i32
      %dma_start3A_514 = arith.constant 0 : i32
      %dma_start3A_515 = tpu.memref_slice %arg10[%dma_start3A_513, %dma_start3A_514] : memref<10240x128xf32, #tpu.memory_space<vmem_shared>> -> memref<10240x128xf32, #tpu.memory_space<vmem_shared>>
      tpu.enqueue_indirect_dma source(%dma_start3A_509 : memref<128x128xf32, #tpu.memory_space<vmem>>) target(%dma_start3A_515 : memref<10240x128xf32, #tpu.memory_space<vmem_shared>>) offsets(%dma_start3A_512 : memref<128xi32, #tpu.memory_space<vmem>>) semaphore(%arg14 : memref<!tpu.dma_semaphore, #tpu.memory_space<semaphore_mem>>) {add = true}
      %dma_wait3A_516 = arith.constant 9 : i32
      %dma_wait3A_517 = arith.constant 0 : i32
      %dma_wait3A_518 = arith.constant 0 : i32
      %dma_wait3A_519 = tpu.memref_slice %arg9[%scan3A_3, %dma_wait3A_517, %dma_wait3A_518] : memref<2x128x128xf32, #tpu.memory_space<vmem>> -> memref<1x128x128xf32, #tpu.memory_space<vmem>>
      %dma_wait3A_520 = tpu.memref_squeeze %dma_wait3A_519 : memref<1x128x128xf32, #tpu.memory_space<vmem>> -> memref<128x128xf32, #tpu.memory_space<vmem>>
      %dma_wait3A_521 = arith.constant 0 : i32
      %dma_wait3A_522 = tpu.memref_slice %arg7[%rem3A_36, %dma_wait3A_516, %dma_wait3A_521] : memref<2x16x128xi32, #tpu.memory_space<vmem>> -> memref<1x1x128xi32, #tpu.memory_space<vmem>>
      %dma_wait3A_523 = tpu.memref_squeeze %dma_wait3A_522 : memref<1x1x128xi32, #tpu.memory_space<vmem>> -> memref<128xi32, #tpu.memory_space<vmem>>
      %dma_wait3A_524 = arith.constant 0 : i32
      %dma_wait3A_525 = arith.constant 0 : i32
      %dma_wait3A_526 = tpu.memref_slice %arg2[%arg0, %dma_wait3A_524, %dma_wait3A_525] : memref<2x10240x128xf32, #tpu.memory_space<hbm>> -> memref<1x10240x128xf32, #tpu.memory_space<hbm>>
      %dma_wait3A_527 = tpu.memref_squeeze %dma_wait3A_526 : memref<1x10240x128xf32, #tpu.memory_space<hbm>> -> memref<10240x128xf32, #tpu.memory_space<hbm>>
      %dma_wait3A_528 = arith.constant 0 : i32
      %dma_wait3A_529 = arith.constant 0 : i32
      %dma_wait3A_530 = tpu.memref_slice %dma_wait3A_527[%dma_wait3A_528, %dma_wait3A_529] : memref<10240x128xf32, #tpu.memory_space<hbm>> -> memref<10240x128xf32, #tpu.memory_space<hbm>>
      tpu.wait_indirect_dma semaphore(%arg13 : memref<!tpu.dma_semaphore, #tpu.memory_space<semaphore_mem>>) src(%dma_wait3A_530 : memref<10240x128xf32, #tpu.memory_space<hbm>>) dst(%dma_wait3A_520 : memref<128x128xf32, #tpu.memory_space<vmem>>)
      %dma_wait3A_531 = arith.constant 8 : i32
      %dma_wait3A_532 = arith.constant 0 : i32
      %dma_wait3A_533 = arith.constant 0 : i32
      %dma_wait3A_534 = tpu.memref_slice %arg9[%scan3A_2, %dma_wait3A_532, %dma_wait3A_533] : memref<2x128x128xf32, #tpu.memory_space<vmem>> -> memref<1x128x128xf32, #tpu.memory_space<vmem>>
      %dma_wait3A_535 = tpu.memref_squeeze %dma_wait3A_534 : memref<1x128x128xf32, #tpu.memory_space<vmem>> -> memref<128x128xf32, #tpu.memory_space<vmem>>
      %dma_wait3A_536 = arith.constant 0 : i32
      %dma_wait3A_537 = tpu.memref_slice %arg8[%rem3A_36, %dma_wait3A_531, %dma_wait3A_536] : memref<2x16x128xi32, #tpu.memory_space<vmem>> -> memref<1x1x128xi32, #tpu.memory_space<vmem>>
      %dma_wait3A_538 = tpu.memref_squeeze %dma_wait3A_537 : memref<1x1x128xi32, #tpu.memory_space<vmem>> -> memref<128xi32, #tpu.memory_space<vmem>>
      %dma_wait3A_539 = arith.constant 0 : i32
      %dma_wait3A_540 = arith.constant 0 : i32
      %dma_wait3A_541 = tpu.memref_slice %arg10[%dma_wait3A_539, %dma_wait3A_540] : memref<10240x128xf32, #tpu.memory_space<vmem_shared>> -> memref<10240x128xf32, #tpu.memory_space<vmem_shared>>
      tpu.wait_indirect_dma semaphore(%arg14 : memref<!tpu.dma_semaphore, #tpu.memory_space<semaphore_mem>>) src(%dma_wait3A_535 : memref<128x128xf32, #tpu.memory_space<vmem>>) dst(%dma_wait3A_541 : memref<10240x128xf32, #tpu.memory_space<vmem_shared>>)
      %dma_start3A_542 = arith.constant 10 : i32
      %dma_start3A_543 = arith.constant 0 : i32
      %dma_start3A_544 = arith.constant 0 : i32
      %dma_start3A_545 = tpu.memref_slice %arg9[%scan3A_2, %dma_start3A_543, %dma_start3A_544] : memref<2x128x128xf32, #tpu.memory_space<vmem>> -> memref<1x128x128xf32, #tpu.memory_space<vmem>>
      %dma_start3A_546 = tpu.memref_squeeze %dma_start3A_545 : memref<1x128x128xf32, #tpu.memory_space<vmem>> -> memref<128x128xf32, #tpu.memory_space<vmem>>
      %dma_start3A_547 = arith.constant 0 : i32
      %dma_start3A_548 = tpu.memref_slice %arg7[%rem3A_36, %dma_start3A_542, %dma_start3A_547] : memref<2x16x128xi32, #tpu.memory_space<vmem>> -> memref<1x1x128xi32, #tpu.memory_space<vmem>>
      %dma_start3A_549 = tpu.memref_squeeze %dma_start3A_548 : memref<1x1x128xi32, #tpu.memory_space<vmem>> -> memref<128xi32, #tpu.memory_space<vmem>>
      %dma_start3A_550 = arith.constant 0 : i32
      %dma_start3A_551 = arith.constant 0 : i32
      %dma_start3A_552 = tpu.memref_slice %arg2[%arg0, %dma_start3A_550, %dma_start3A_551] : memref<2x10240x128xf32, #tpu.memory_space<hbm>> -> memref<1x10240x128xf32, #tpu.memory_space<hbm>>
      %dma_start3A_553 = tpu.memref_squeeze %dma_start3A_552 : memref<1x10240x128xf32, #tpu.memory_space<hbm>> -> memref<10240x128xf32, #tpu.memory_space<hbm>>
      %dma_start3A_554 = arith.constant 0 : i32
      %dma_start3A_555 = arith.constant 0 : i32
      %dma_start3A_556 = tpu.memref_slice %dma_start3A_553[%dma_start3A_554, %dma_start3A_555] : memref<10240x128xf32, #tpu.memory_space<hbm>> -> memref<10240x128xf32, #tpu.memory_space<hbm>>
      tpu.enqueue_indirect_dma source(%dma_start3A_556 : memref<10240x128xf32, #tpu.memory_space<hbm>>) target(%dma_start3A_546 : memref<128x128xf32, #tpu.memory_space<vmem>>) offsets(%dma_start3A_549 : memref<128xi32, #tpu.memory_space<vmem>>) semaphore(%arg12 : memref<!tpu.dma_semaphore, #tpu.memory_space<semaphore_mem>>)
      %dma_start3A_557 = arith.constant 9 : i32
      %dma_start3A_558 = arith.constant 0 : i32
      %dma_start3A_559 = arith.constant 0 : i32
      %dma_start3A_560 = tpu.memref_slice %arg9[%scan3A_3, %dma_start3A_558, %dma_start3A_559] : memref<2x128x128xf32, #tpu.memory_space<vmem>> -> memref<1x128x128xf32, #tpu.memory_space<vmem>>
      %dma_start3A_561 = tpu.memref_squeeze %dma_start3A_560 : memref<1x128x128xf32, #tpu.memory_space<vmem>> -> memref<128x128xf32, #tpu.memory_space<vmem>>
      %dma_start3A_562 = arith.constant 0 : i32
      %dma_start3A_563 = tpu.memref_slice %arg8[%rem3A_36, %dma_start3A_557, %dma_start3A_562] : memref<2x16x128xi32, #tpu.memory_space<vmem>> -> memref<1x1x128xi32, #tpu.memory_space<vmem>>
      %dma_start3A_564 = tpu.memref_squeeze %dma_start3A_563 : memref<1x1x128xi32, #tpu.memory_space<vmem>> -> memref<128xi32, #tpu.memory_space<vmem>>
      %dma_start3A_565 = arith.constant 0 : i32
      %dma_start3A_566 = arith.constant 0 : i32
      %dma_start3A_567 = tpu.memref_slice %arg10[%dma_start3A_565, %dma_start3A_566] : memref<10240x128xf32, #tpu.memory_space<vmem_shared>> -> memref<10240x128xf32, #tpu.memory_space<vmem_shared>>
      tpu.enqueue_indirect_dma source(%dma_start3A_561 : memref<128x128xf32, #tpu.memory_space<vmem>>) target(%dma_start3A_567 : memref<10240x128xf32, #tpu.memory_space<vmem_shared>>) offsets(%dma_start3A_564 : memref<128xi32, #tpu.memory_space<vmem>>) semaphore(%arg15 : memref<!tpu.dma_semaphore, #tpu.memory_space<semaphore_mem>>) {add = true}
      %dma_wait3A_568 = arith.constant 10 : i32
      %dma_wait3A_569 = arith.constant 0 : i32
      %dma_wait3A_570 = arith.constant 0 : i32
      %dma_wait3A_571 = tpu.memref_slice %arg9[%scan3A_2, %dma_wait3A_569, %dma_wait3A_570] : memref<2x128x128xf32, #tpu.memory_space<vmem>> -> memref<1x128x128xf32, #tpu.memory_space<vmem>>
      %dma_wait3A_572 = tpu.memref_squeeze %dma_wait3A_571 : memref<1x128x128xf32, #tpu.memory_space<vmem>> -> memref<128x128xf32, #tpu.memory_space<vmem>>
      %dma_wait3A_573 = arith.constant 0 : i32
      %dma_wait3A_574 = tpu.memref_slice %arg7[%rem3A_36, %dma_wait3A_568, %dma_wait3A_573] : memref<2x16x128xi32, #tpu.memory_space<vmem>> -> memref<1x1x128xi32, #tpu.memory_space<vmem>>
      %dma_wait3A_575 = tpu.memref_squeeze %dma_wait3A_574 : memref<1x1x128xi32, #tpu.memory_space<vmem>> -> memref<128xi32, #tpu.memory_space<vmem>>
      %dma_wait3A_576 = arith.constant 0 : i32
      %dma_wait3A_577 = arith.constant 0 : i32
      %dma_wait3A_578 = tpu.memref_slice %arg2[%arg0, %dma_wait3A_576, %dma_wait3A_577] : memref<2x10240x128xf32, #tpu.memory_space<hbm>> -> memref<1x10240x128xf32, #tpu.memory_space<hbm>>
      %dma_wait3A_579 = tpu.memref_squeeze %dma_wait3A_578 : memref<1x10240x128xf32, #tpu.memory_space<hbm>> -> memref<10240x128xf32, #tpu.memory_space<hbm>>
      %dma_wait3A_580 = arith.constant 0 : i32
      %dma_wait3A_581 = arith.constant 0 : i32
      %dma_wait3A_582 = tpu.memref_slice %dma_wait3A_579[%dma_wait3A_580, %dma_wait3A_581] : memref<10240x128xf32, #tpu.memory_space<hbm>> -> memref<10240x128xf32, #tpu.memory_space<hbm>>
      tpu.wait_indirect_dma semaphore(%arg12 : memref<!tpu.dma_semaphore, #tpu.memory_space<semaphore_mem>>) src(%dma_wait3A_582 : memref<10240x128xf32, #tpu.memory_space<hbm>>) dst(%dma_wait3A_572 : memref<128x128xf32, #tpu.memory_space<vmem>>)
      %dma_wait3A_583 = arith.constant 9 : i32
      %dma_wait3A_584 = arith.constant 0 : i32
      %dma_wait3A_585 = arith.constant 0 : i32
      %dma_wait3A_586 = tpu.memref_slice %arg9[%scan3A_3, %dma_wait3A_584, %dma_wait3A_585] : memref<2x128x128xf32, #tpu.memory_space<vmem>> -> memref<1x128x128xf32, #tpu.memory_space<vmem>>
      %dma_wait3A_587 = tpu.memref_squeeze %dma_wait3A_586 : memref<1x128x128xf32, #tpu.memory_space<vmem>> -> memref<128x128xf32, #tpu.memory_space<vmem>>
      %dma_wait3A_588 = arith.constant 0 : i32
      %dma_wait3A_589 = tpu.memref_slice %arg8[%rem3A_36, %dma_wait3A_583, %dma_wait3A_588] : memref<2x16x128xi32, #tpu.memory_space<vmem>> -> memref<1x1x128xi32, #tpu.memory_space<vmem>>
      %dma_wait3A_590 = tpu.memref_squeeze %dma_wait3A_589 : memref<1x1x128xi32, #tpu.memory_space<vmem>> -> memref<128xi32, #tpu.memory_space<vmem>>
      %dma_wait3A_591 = arith.constant 0 : i32
      %dma_wait3A_592 = arith.constant 0 : i32
      %dma_wait3A_593 = tpu.memref_slice %arg10[%dma_wait3A_591, %dma_wait3A_592] : memref<10240x128xf32, #tpu.memory_space<vmem_shared>> -> memref<10240x128xf32, #tpu.memory_space<vmem_shared>>
      tpu.wait_indirect_dma semaphore(%arg15 : memref<!tpu.dma_semaphore, #tpu.memory_space<semaphore_mem>>) src(%dma_wait3A_587 : memref<128x128xf32, #tpu.memory_space<vmem>>) dst(%dma_wait3A_593 : memref<10240x128xf32, #tpu.memory_space<vmem_shared>>)
      %dma_start3A_594 = arith.constant 11 : i32
      %dma_start3A_595 = arith.constant 0 : i32
      %dma_start3A_596 = arith.constant 0 : i32
      %dma_start3A_597 = tpu.memref_slice %arg9[%scan3A_3, %dma_start3A_595, %dma_start3A_596] : memref<2x128x128xf32, #tpu.memory_space<vmem>> -> memref<1x128x128xf32, #tpu.memory_space<vmem>>
      %dma_start3A_598 = tpu.memref_squeeze %dma_start3A_597 : memref<1x128x128xf32, #tpu.memory_space<vmem>> -> memref<128x128xf32, #tpu.memory_space<vmem>>
      %dma_start3A_599 = arith.constant 0 : i32
      %dma_start3A_600 = tpu.memref_slice %arg7[%rem3A_36, %dma_start3A_594, %dma_start3A_599] : memref<2x16x128xi32, #tpu.memory_space<vmem>> -> memref<1x1x128xi32, #tpu.memory_space<vmem>>
      %dma_start3A_601 = tpu.memref_squeeze %dma_start3A_600 : memref<1x1x128xi32, #tpu.memory_space<vmem>> -> memref<128xi32, #tpu.memory_space<vmem>>
      %dma_start3A_602 = arith.constant 0 : i32
      %dma_start3A_603 = arith.constant 0 : i32
      %dma_start3A_604 = tpu.memref_slice %arg2[%arg0, %dma_start3A_602, %dma_start3A_603] : memref<2x10240x128xf32, #tpu.memory_space<hbm>> -> memref<1x10240x128xf32, #tpu.memory_space<hbm>>
      %dma_start3A_605 = tpu.memref_squeeze %dma_start3A_604 : memref<1x10240x128xf32, #tpu.memory_space<hbm>> -> memref<10240x128xf32, #tpu.memory_space<hbm>>
      %dma_start3A_606 = arith.constant 0 : i32
      %dma_start3A_607 = arith.constant 0 : i32
      %dma_start3A_608 = tpu.memref_slice %dma_start3A_605[%dma_start3A_606, %dma_start3A_607] : memref<10240x128xf32, #tpu.memory_space<hbm>> -> memref<10240x128xf32, #tpu.memory_space<hbm>>
      tpu.enqueue_indirect_dma source(%dma_start3A_608 : memref<10240x128xf32, #tpu.memory_space<hbm>>) target(%dma_start3A_598 : memref<128x128xf32, #tpu.memory_space<vmem>>) offsets(%dma_start3A_601 : memref<128xi32, #tpu.memory_space<vmem>>) semaphore(%arg13 : memref<!tpu.dma_semaphore, #tpu.memory_space<semaphore_mem>>)
      %dma_start3A_609 = arith.constant 10 : i32
      %dma_start3A_610 = arith.constant 0 : i32
      %dma_start3A_611 = arith.constant 0 : i32
      %dma_start3A_612 = tpu.memref_slice %arg9[%scan3A_2, %dma_start3A_610, %dma_start3A_611] : memref<2x128x128xf32, #tpu.memory_space<vmem>> -> memref<1x128x128xf32, #tpu.memory_space<vmem>>
      %dma_start3A_613 = tpu.memref_squeeze %dma_start3A_612 : memref<1x128x128xf32, #tpu.memory_space<vmem>> -> memref<128x128xf32, #tpu.memory_space<vmem>>
      %dma_start3A_614 = arith.constant 0 : i32
      %dma_start3A_615 = tpu.memref_slice %arg8[%rem3A_36, %dma_start3A_609, %dma_start3A_614] : memref<2x16x128xi32, #tpu.memory_space<vmem>> -> memref<1x1x128xi32, #tpu.memory_space<vmem>>
      %dma_start3A_616 = tpu.memref_squeeze %dma_start3A_615 : memref<1x1x128xi32, #tpu.memory_space<vmem>> -> memref<128xi32, #tpu.memory_space<vmem>>
      %dma_start3A_617 = arith.constant 0 : i32
      %dma_start3A_618 = arith.constant 0 : i32
      %dma_start3A_619 = tpu.memref_slice %arg10[%dma_start3A_617, %dma_start3A_618] : memref<10240x128xf32, #tpu.memory_space<vmem_shared>> -> memref<10240x128xf32, #tpu.memory_space<vmem_shared>>
      tpu.enqueue_indirect_dma source(%dma_start3A_613 : memref<128x128xf32, #tpu.memory_space<vmem>>) target(%dma_start3A_619 : memref<10240x128xf32, #tpu.memory_space<vmem_shared>>) offsets(%dma_start3A_616 : memref<128xi32, #tpu.memory_space<vmem>>) semaphore(%arg14 : memref<!tpu.dma_semaphore, #tpu.memory_space<semaphore_mem>>) {add = true}
      %dma_wait3A_620 = arith.constant 11 : i32
      %dma_wait3A_621 = arith.constant 0 : i32
      %dma_wait3A_622 = arith.constant 0 : i32
      %dma_wait3A_623 = tpu.memref_slice %arg9[%scan3A_3, %dma_wait3A_621, %dma_wait3A_622] : memref<2x128x128xf32, #tpu.memory_space<vmem>> -> memref<1x128x128xf32, #tpu.memory_space<vmem>>
      %dma_wait3A_624 = tpu.memref_squeeze %dma_wait3A_623 : memref<1x128x128xf32, #tpu.memory_space<vmem>> -> memref<128x128xf32, #tpu.memory_space<vmem>>
      %dma_wait3A_625 = arith.constant 0 : i32
      %dma_wait3A_626 = tpu.memref_slice %arg7[%rem3A_36, %dma_wait3A_620, %dma_wait3A_625] : memref<2x16x128xi32, #tpu.memory_space<vmem>> -> memref<1x1x128xi32, #tpu.memory_space<vmem>>
      %dma_wait3A_627 = tpu.memref_squeeze %dma_wait3A_626 : memref<1x1x128xi32, #tpu.memory_space<vmem>> -> memref<128xi32, #tpu.memory_space<vmem>>
      %dma_wait3A_628 = arith.constant 0 : i32
      %dma_wait3A_629 = arith.constant 0 : i32
      %dma_wait3A_630 = tpu.memref_slice %arg2[%arg0, %dma_wait3A_628, %dma_wait3A_629] : memref<2x10240x128xf32, #tpu.memory_space<hbm>> -> memref<1x10240x128xf32, #tpu.memory_space<hbm>>
      %dma_wait3A_631 = tpu.memref_squeeze %dma_wait3A_630 : memref<1x10240x128xf32, #tpu.memory_space<hbm>> -> memref<10240x128xf32, #tpu.memory_space<hbm>>
      %dma_wait3A_632 = arith.constant 0 : i32
      %dma_wait3A_633 = arith.constant 0 : i32
      %dma_wait3A_634 = tpu.memref_slice %dma_wait3A_631[%dma_wait3A_632, %dma_wait3A_633] : memref<10240x128xf32, #tpu.memory_space<hbm>> -> memref<10240x128xf32, #tpu.memory_space<hbm>>
      tpu.wait_indirect_dma semaphore(%arg13 : memref<!tpu.dma_semaphore, #tpu.memory_space<semaphore_mem>>) src(%dma_wait3A_634 : memref<10240x128xf32, #tpu.memory_space<hbm>>) dst(%dma_wait3A_624 : memref<128x128xf32, #tpu.memory_space<vmem>>)
      %dma_wait3A_635 = arith.constant 10 : i32
      %dma_wait3A_636 = arith.constant 0 : i32
      %dma_wait3A_637 = arith.constant 0 : i32
      %dma_wait3A_638 = tpu.memref_slice %arg9[%scan3A_2, %dma_wait3A_636, %dma_wait3A_637] : memref<2x128x128xf32, #tpu.memory_space<vmem>> -> memref<1x128x128xf32, #tpu.memory_space<vmem>>
      %dma_wait3A_639 = tpu.memref_squeeze %dma_wait3A_638 : memref<1x128x128xf32, #tpu.memory_space<vmem>> -> memref<128x128xf32, #tpu.memory_space<vmem>>
      %dma_wait3A_640 = arith.constant 0 : i32
      %dma_wait3A_641 = tpu.memref_slice %arg8[%rem3A_36, %dma_wait3A_635, %dma_wait3A_640] : memref<2x16x128xi32, #tpu.memory_space<vmem>> -> memref<1x1x128xi32, #tpu.memory_space<vmem>>
      %dma_wait3A_642 = tpu.memref_squeeze %dma_wait3A_641 : memref<1x1x128xi32, #tpu.memory_space<vmem>> -> memref<128xi32, #tpu.memory_space<vmem>>
      %dma_wait3A_643 = arith.constant 0 : i32
      %dma_wait3A_644 = arith.constant 0 : i32
      %dma_wait3A_645 = tpu.memref_slice %arg10[%dma_wait3A_643, %dma_wait3A_644] : memref<10240x128xf32, #tpu.memory_space<vmem_shared>> -> memref<10240x128xf32, #tpu.memory_space<vmem_shared>>
      tpu.wait_indirect_dma semaphore(%arg14 : memref<!tpu.dma_semaphore, #tpu.memory_space<semaphore_mem>>) src(%dma_wait3A_639 : memref<128x128xf32, #tpu.memory_space<vmem>>) dst(%dma_wait3A_645 : memref<10240x128xf32, #tpu.memory_space<vmem_shared>>)
      %dma_start3A_646 = arith.constant 12 : i32
      %dma_start3A_647 = arith.constant 0 : i32
      %dma_start3A_648 = arith.constant 0 : i32
      %dma_start3A_649 = tpu.memref_slice %arg9[%scan3A_2, %dma_start3A_647, %dma_start3A_648] : memref<2x128x128xf32, #tpu.memory_space<vmem>> -> memref<1x128x128xf32, #tpu.memory_space<vmem>>
      %dma_start3A_650 = tpu.memref_squeeze %dma_start3A_649 : memref<1x128x128xf32, #tpu.memory_space<vmem>> -> memref<128x128xf32, #tpu.memory_space<vmem>>
      %dma_start3A_651 = arith.constant 0 : i32
      %dma_start3A_652 = tpu.memref_slice %arg7[%rem3A_36, %dma_start3A_646, %dma_start3A_651] : memref<2x16x128xi32, #tpu.memory_space<vmem>> -> memref<1x1x128xi32, #tpu.memory_space<vmem>>
      %dma_start3A_653 = tpu.memref_squeeze %dma_start3A_652 : memref<1x1x128xi32, #tpu.memory_space<vmem>> -> memref<128xi32, #tpu.memory_space<vmem>>
      %dma_start3A_654 = arith.constant 0 : i32
      %dma_start3A_655 = arith.constant 0 : i32
      %dma_start3A_656 = tpu.memref_slice %arg2[%arg0, %dma_start3A_654, %dma_start3A_655] : memref<2x10240x128xf32, #tpu.memory_space<hbm>> -> memref<1x10240x128xf32, #tpu.memory_space<hbm>>
      %dma_start3A_657 = tpu.memref_squeeze %dma_start3A_656 : memref<1x10240x128xf32, #tpu.memory_space<hbm>> -> memref<10240x128xf32, #tpu.memory_space<hbm>>
      %dma_start3A_658 = arith.constant 0 : i32
      %dma_start3A_659 = arith.constant 0 : i32
      %dma_start3A_660 = tpu.memref_slice %dma_start3A_657[%dma_start3A_658, %dma_start3A_659] : memref<10240x128xf32, #tpu.memory_space<hbm>> -> memref<10240x128xf32, #tpu.memory_space<hbm>>
      tpu.enqueue_indirect_dma source(%dma_start3A_660 : memref<10240x128xf32, #tpu.memory_space<hbm>>) target(%dma_start3A_650 : memref<128x128xf32, #tpu.memory_space<vmem>>) offsets(%dma_start3A_653 : memref<128xi32, #tpu.memory_space<vmem>>) semaphore(%arg12 : memref<!tpu.dma_semaphore, #tpu.memory_space<semaphore_mem>>)
      %dma_start3A_661 = arith.constant 11 : i32
      %dma_start3A_662 = arith.constant 0 : i32
      %dma_start3A_663 = arith.constant 0 : i32
      %dma_start3A_664 = tpu.memref_slice %arg9[%scan3A_3, %dma_start3A_662, %dma_start3A_663] : memref<2x128x128xf32, #tpu.memory_space<vmem>> -> memref<1x128x128xf32, #tpu.memory_space<vmem>>
      %dma_start3A_665 = tpu.memref_squeeze %dma_start3A_664 : memref<1x128x128xf32, #tpu.memory_space<vmem>> -> memref<128x128xf32, #tpu.memory_space<vmem>>
      %dma_start3A_666 = arith.constant 0 : i32
      %dma_start3A_667 = tpu.memref_slice %arg8[%rem3A_36, %dma_start3A_661, %dma_start3A_666] : memref<2x16x128xi32, #tpu.memory_space<vmem>> -> memref<1x1x128xi32, #tpu.memory_space<vmem>>
      %dma_start3A_668 = tpu.memref_squeeze %dma_start3A_667 : memref<1x1x128xi32, #tpu.memory_space<vmem>> -> memref<128xi32, #tpu.memory_space<vmem>>
      %dma_start3A_669 = arith.constant 0 : i32
      %dma_start3A_670 = arith.constant 0 : i32
      %dma_start3A_671 = tpu.memref_slice %arg10[%dma_start3A_669, %dma_start3A_670] : memref<10240x128xf32, #tpu.memory_space<vmem_shared>> -> memref<10240x128xf32, #tpu.memory_space<vmem_shared>>
      tpu.enqueue_indirect_dma source(%dma_start3A_665 : memref<128x128xf32, #tpu.memory_space<vmem>>) target(%dma_start3A_671 : memref<10240x128xf32, #tpu.memory_space<vmem_shared>>) offsets(%dma_start3A_668 : memref<128xi32, #tpu.memory_space<vmem>>) semaphore(%arg15 : memref<!tpu.dma_semaphore, #tpu.memory_space<semaphore_mem>>) {add = true}
      %dma_wait3A_672 = arith.constant 12 : i32
      %dma_wait3A_673 = arith.constant 0 : i32
      %dma_wait3A_674 = arith.constant 0 : i32
      %dma_wait3A_675 = tpu.memref_slice %arg9[%scan3A_2, %dma_wait3A_673, %dma_wait3A_674] : memref<2x128x128xf32, #tpu.memory_space<vmem>> -> memref<1x128x128xf32, #tpu.memory_space<vmem>>
      %dma_wait3A_676 = tpu.memref_squeeze %dma_wait3A_675 : memref<1x128x128xf32, #tpu.memory_space<vmem>> -> memref<128x128xf32, #tpu.memory_space<vmem>>
      %dma_wait3A_677 = arith.constant 0 : i32
      %dma_wait3A_678 = tpu.memref_slice %arg7[%rem3A_36, %dma_wait3A_672, %dma_wait3A_677] : memref<2x16x128xi32, #tpu.memory_space<vmem>> -> memref<1x1x128xi32, #tpu.memory_space<vmem>>
      %dma_wait3A_679 = tpu.memref_squeeze %dma_wait3A_678 : memref<1x1x128xi32, #tpu.memory_space<vmem>> -> memref<128xi32, #tpu.memory_space<vmem>>
      %dma_wait3A_680 = arith.constant 0 : i32
      %dma_wait3A_681 = arith.constant 0 : i32
      %dma_wait3A_682 = tpu.memref_slice %arg2[%arg0, %dma_wait3A_680, %dma_wait3A_681] : memref<2x10240x128xf32, #tpu.memory_space<hbm>> -> memref<1x10240x128xf32, #tpu.memory_space<hbm>>
      %dma_wait3A_683 = tpu.memref_squeeze %dma_wait3A_682 : memref<1x10240x128xf32, #tpu.memory_space<hbm>> -> memref<10240x128xf32, #tpu.memory_space<hbm>>
      %dma_wait3A_684 = arith.constant 0 : i32
      %dma_wait3A_685 = arith.constant 0 : i32
      %dma_wait3A_686 = tpu.memref_slice %dma_wait3A_683[%dma_wait3A_684, %dma_wait3A_685] : memref<10240x128xf32, #tpu.memory_space<hbm>> -> memref<10240x128xf32, #tpu.memory_space<hbm>>
      tpu.wait_indirect_dma semaphore(%arg12 : memref<!tpu.dma_semaphore, #tpu.memory_space<semaphore_mem>>) src(%dma_wait3A_686 : memref<10240x128xf32, #tpu.memory_space<hbm>>) dst(%dma_wait3A_676 : memref<128x128xf32, #tpu.memory_space<vmem>>)
      %dma_wait3A_687 = arith.constant 11 : i32
      %dma_wait3A_688 = arith.constant 0 : i32
      %dma_wait3A_689 = arith.constant 0 : i32
      %dma_wait3A_690 = tpu.memref_slice %arg9[%scan3A_3, %dma_wait3A_688, %dma_wait3A_689] : memref<2x128x128xf32, #tpu.memory_space<vmem>> -> memref<1x128x128xf32, #tpu.memory_space<vmem>>
      %dma_wait3A_691 = tpu.memref_squeeze %dma_wait3A_690 : memref<1x128x128xf32, #tpu.memory_space<vmem>> -> memref<128x128xf32, #tpu.memory_space<vmem>>
      %dma_wait3A_692 = arith.constant 0 : i32
      %dma_wait3A_693 = tpu.memref_slice %arg8[%rem3A_36, %dma_wait3A_687, %dma_wait3A_692] : memref<2x16x128xi32, #tpu.memory_space<vmem>> -> memref<1x1x128xi32, #tpu.memory_space<vmem>>
      %dma_wait3A_694 = tpu.memref_squeeze %dma_wait3A_693 : memref<1x1x128xi32, #tpu.memory_space<vmem>> -> memref<128xi32, #tpu.memory_space<vmem>>
      %dma_wait3A_695 = arith.constant 0 : i32
      %dma_wait3A_696 = arith.constant 0 : i32
      %dma_wait3A_697 = tpu.memref_slice %arg10[%dma_wait3A_695, %dma_wait3A_696] : memref<10240x128xf32, #tpu.memory_space<vmem_shared>> -> memref<10240x128xf32, #tpu.memory_space<vmem_shared>>
      tpu.wait_indirect_dma semaphore(%arg15 : memref<!tpu.dma_semaphore, #tpu.memory_space<semaphore_mem>>) src(%dma_wait3A_691 : memref<128x128xf32, #tpu.memory_space<vmem>>) dst(%dma_wait3A_697 : memref<10240x128xf32, #tpu.memory_space<vmem_shared>>)
      %dma_start3A_698 = arith.constant 13 : i32
      %dma_start3A_699 = arith.constant 0 : i32
      %dma_start3A_700 = arith.constant 0 : i32
      %dma_start3A_701 = tpu.memref_slice %arg9[%scan3A_3, %dma_start3A_699, %dma_start3A_700] : memref<2x128x128xf32, #tpu.memory_space<vmem>> -> memref<1x128x128xf32, #tpu.memory_space<vmem>>
      %dma_start3A_702 = tpu.memref_squeeze %dma_start3A_701 : memref<1x128x128xf32, #tpu.memory_space<vmem>> -> memref<128x128xf32, #tpu.memory_space<vmem>>
      %dma_start3A_703 = arith.constant 0 : i32
      %dma_start3A_704 = tpu.memref_slice %arg7[%rem3A_36, %dma_start3A_698, %dma_start3A_703] : memref<2x16x128xi32, #tpu.memory_space<vmem>> -> memref<1x1x128xi32, #tpu.memory_space<vmem>>
      %dma_start3A_705 = tpu.memref_squeeze %dma_start3A_704 : memref<1x1x128xi32, #tpu.memory_space<vmem>> -> memref<128xi32, #tpu.memory_space<vmem>>
      %dma_start3A_706 = arith.constant 0 : i32
      %dma_start3A_707 = arith.constant 0 : i32
      %dma_start3A_708 = tpu.memref_slice %arg2[%arg0, %dma_start3A_706, %dma_start3A_707] : memref<2x10240x128xf32, #tpu.memory_space<hbm>> -> memref<1x10240x128xf32, #tpu.memory_space<hbm>>
      %dma_start3A_709 = tpu.memref_squeeze %dma_start3A_708 : memref<1x10240x128xf32, #tpu.memory_space<hbm>> -> memref<10240x128xf32, #tpu.memory_space<hbm>>
      %dma_start3A_710 = arith.constant 0 : i32
      %dma_start3A_711 = arith.constant 0 : i32
      %dma_start3A_712 = tpu.memref_slice %dma_start3A_709[%dma_start3A_710, %dma_start3A_711] : memref<10240x128xf32, #tpu.memory_space<hbm>> -> memref<10240x128xf32, #tpu.memory_space<hbm>>
      tpu.enqueue_indirect_dma source(%dma_start3A_712 : memref<10240x128xf32, #tpu.memory_space<hbm>>) target(%dma_start3A_702 : memref<128x128xf32, #tpu.memory_space<vmem>>) offsets(%dma_start3A_705 : memref<128xi32, #tpu.memory_space<vmem>>) semaphore(%arg13 : memref<!tpu.dma_semaphore, #tpu.memory_space<semaphore_mem>>)
      %dma_start3A_713 = arith.constant 12 : i32
      %dma_start3A_714 = arith.constant 0 : i32
      %dma_start3A_715 = arith.constant 0 : i32
      %dma_start3A_716 = tpu.memref_slice %arg9[%scan3A_2, %dma_start3A_714, %dma_start3A_715] : memref<2x128x128xf32, #tpu.memory_space<vmem>> -> memref<1x128x128xf32, #tpu.memory_space<vmem>>
      %dma_start3A_717 = tpu.memref_squeeze %dma_start3A_716 : memref<1x128x128xf32, #tpu.memory_space<vmem>> -> memref<128x128xf32, #tpu.memory_space<vmem>>
      %dma_start3A_718 = arith.constant 0 : i32
      %dma_start3A_719 = tpu.memref_slice %arg8[%rem3A_36, %dma_start3A_713, %dma_start3A_718] : memref<2x16x128xi32, #tpu.memory_space<vmem>> -> memref<1x1x128xi32, #tpu.memory_space<vmem>>
      %dma_start3A_720 = tpu.memref_squeeze %dma_start3A_719 : memref<1x1x128xi32, #tpu.memory_space<vmem>> -> memref<128xi32, #tpu.memory_space<vmem>>
      %dma_start3A_721 = arith.constant 0 : i32
      %dma_start3A_722 = arith.constant 0 : i32
      %dma_start3A_723 = tpu.memref_slice %arg10[%dma_start3A_721, %dma_start3A_722] : memref<10240x128xf32, #tpu.memory_space<vmem_shared>> -> memref<10240x128xf32, #tpu.memory_space<vmem_shared>>
      tpu.enqueue_indirect_dma source(%dma_start3A_717 : memref<128x128xf32, #tpu.memory_space<vmem>>) target(%dma_start3A_723 : memref<10240x128xf32, #tpu.memory_space<vmem_shared>>) offsets(%dma_start3A_720 : memref<128xi32, #tpu.memory_space<vmem>>) semaphore(%arg14 : memref<!tpu.dma_semaphore, #tpu.memory_space<semaphore_mem>>) {add = true}
      %dma_wait3A_724 = arith.constant 13 : i32
      %dma_wait3A_725 = arith.constant 0 : i32
      %dma_wait3A_726 = arith.constant 0 : i32
      %dma_wait3A_727 = tpu.memref_slice %arg9[%scan3A_3, %dma_wait3A_725, %dma_wait3A_726] : memref<2x128x128xf32, #tpu.memory_space<vmem>> -> memref<1x128x128xf32, #tpu.memory_space<vmem>>
      %dma_wait3A_728 = tpu.memref_squeeze %dma_wait3A_727 : memref<1x128x128xf32, #tpu.memory_space<vmem>> -> memref<128x128xf32, #tpu.memory_space<vmem>>
      %dma_wait3A_729 = arith.constant 0 : i32
      %dma_wait3A_730 = tpu.memref_slice %arg7[%rem3A_36, %dma_wait3A_724, %dma_wait3A_729] : memref<2x16x128xi32, #tpu.memory_space<vmem>> -> memref<1x1x128xi32, #tpu.memory_space<vmem>>
      %dma_wait3A_731 = tpu.memref_squeeze %dma_wait3A_730 : memref<1x1x128xi32, #tpu.memory_space<vmem>> -> memref<128xi32, #tpu.memory_space<vmem>>
      %dma_wait3A_732 = arith.constant 0 : i32
      %dma_wait3A_733 = arith.constant 0 : i32
      %dma_wait3A_734 = tpu.memref_slice %arg2[%arg0, %dma_wait3A_732, %dma_wait3A_733] : memref<2x10240x128xf32, #tpu.memory_space<hbm>> -> memref<1x10240x128xf32, #tpu.memory_space<hbm>>
      %dma_wait3A_735 = tpu.memref_squeeze %dma_wait3A_734 : memref<1x10240x128xf32, #tpu.memory_space<hbm>> -> memref<10240x128xf32, #tpu.memory_space<hbm>>
      %dma_wait3A_736 = arith.constant 0 : i32
      %dma_wait3A_737 = arith.constant 0 : i32
      %dma_wait3A_738 = tpu.memref_slice %dma_wait3A_735[%dma_wait3A_736, %dma_wait3A_737] : memref<10240x128xf32, #tpu.memory_space<hbm>> -> memref<10240x128xf32, #tpu.memory_space<hbm>>
      tpu.wait_indirect_dma semaphore(%arg13 : memref<!tpu.dma_semaphore, #tpu.memory_space<semaphore_mem>>) src(%dma_wait3A_738 : memref<10240x128xf32, #tpu.memory_space<hbm>>) dst(%dma_wait3A_728 : memref<128x128xf32, #tpu.memory_space<vmem>>)
      %dma_wait3A_739 = arith.constant 12 : i32
      %dma_wait3A_740 = arith.constant 0 : i32
      %dma_wait3A_741 = arith.constant 0 : i32
      %dma_wait3A_742 = tpu.memref_slice %arg9[%scan3A_2, %dma_wait3A_740, %dma_wait3A_741] : memref<2x128x128xf32, #tpu.memory_space<vmem>> -> memref<1x128x128xf32, #tpu.memory_space<vmem>>
      %dma_wait3A_743 = tpu.memref_squeeze %dma_wait3A_742 : memref<1x128x128xf32, #tpu.memory_space<vmem>> -> memref<128x128xf32, #tpu.memory_space<vmem>>
      %dma_wait3A_744 = arith.constant 0 : i32
      %dma_wait3A_745 = tpu.memref_slice %arg8[%rem3A_36, %dma_wait3A_739, %dma_wait3A_744] : memref<2x16x128xi32, #tpu.memory_space<vmem>> -> memref<1x1x128xi32, #tpu.memory_space<vmem>>
      %dma_wait3A_746 = tpu.memref_squeeze %dma_wait3A_745 : memref<1x1x128xi32, #tpu.memory_space<vmem>> -> memref<128xi32, #tpu.memory_space<vmem>>
      %dma_wait3A_747 = arith.constant 0 : i32
      %dma_wait3A_748 = arith.constant 0 : i32
      %dma_wait3A_749 = tpu.memref_slice %arg10[%dma_wait3A_747, %dma_wait3A_748] : memref<10240x128xf32, #tpu.memory_space<vmem_shared>> -> memref<10240x128xf32, #tpu.memory_space<vmem_shared>>
      tpu.wait_indirect_dma semaphore(%arg14 : memref<!tpu.dma_semaphore, #tpu.memory_space<semaphore_mem>>) src(%dma_wait3A_743 : memref<128x128xf32, #tpu.memory_space<vmem>>) dst(%dma_wait3A_749 : memref<10240x128xf32, #tpu.memory_space<vmem_shared>>)
      %dma_start3A_750 = arith.constant 14 : i32
      %dma_start3A_751 = arith.constant 0 : i32
      %dma_start3A_752 = arith.constant 0 : i32
      %dma_start3A_753 = tpu.memref_slice %arg9[%scan3A_2, %dma_start3A_751, %dma_start3A_752] : memref<2x128x128xf32, #tpu.memory_space<vmem>> -> memref<1x128x128xf32, #tpu.memory_space<vmem>>
      %dma_start3A_754 = tpu.memref_squeeze %dma_start3A_753 : memref<1x128x128xf32, #tpu.memory_space<vmem>> -> memref<128x128xf32, #tpu.memory_space<vmem>>
      %dma_start3A_755 = arith.constant 0 : i32
      %dma_start3A_756 = tpu.memref_slice %arg7[%rem3A_36, %dma_start3A_750, %dma_start3A_755] : memref<2x16x128xi32, #tpu.memory_space<vmem>> -> memref<1x1x128xi32, #tpu.memory_space<vmem>>
      %dma_start3A_757 = tpu.memref_squeeze %dma_start3A_756 : memref<1x1x128xi32, #tpu.memory_space<vmem>> -> memref<128xi32, #tpu.memory_space<vmem>>
      %dma_start3A_758 = arith.constant 0 : i32
      %dma_start3A_759 = arith.constant 0 : i32
      %dma_start3A_760 = tpu.memref_slice %arg2[%arg0, %dma_start3A_758, %dma_start3A_759] : memref<2x10240x128xf32, #tpu.memory_space<hbm>> -> memref<1x10240x128xf32, #tpu.memory_space<hbm>>
      %dma_start3A_761 = tpu.memref_squeeze %dma_start3A_760 : memref<1x10240x128xf32, #tpu.memory_space<hbm>> -> memref<10240x128xf32, #tpu.memory_space<hbm>>
      %dma_start3A_762 = arith.constant 0 : i32
      %dma_start3A_763 = arith.constant 0 : i32
      %dma_start3A_764 = tpu.memref_slice %dma_start3A_761[%dma_start3A_762, %dma_start3A_763] : memref<10240x128xf32, #tpu.memory_space<hbm>> -> memref<10240x128xf32, #tpu.memory_space<hbm>>
      tpu.enqueue_indirect_dma source(%dma_start3A_764 : memref<10240x128xf32, #tpu.memory_space<hbm>>) target(%dma_start3A_754 : memref<128x128xf32, #tpu.memory_space<vmem>>) offsets(%dma_start3A_757 : memref<128xi32, #tpu.memory_space<vmem>>) semaphore(%arg12 : memref<!tpu.dma_semaphore, #tpu.memory_space<semaphore_mem>>)
      %dma_start3A_765 = arith.constant 13 : i32
      %dma_start3A_766 = arith.constant 0 : i32
      %dma_start3A_767 = arith.constant 0 : i32
      %dma_start3A_768 = tpu.memref_slice %arg9[%scan3A_3, %dma_start3A_766, %dma_start3A_767] : memref<2x128x128xf32, #tpu.memory_space<vmem>> -> memref<1x128x128xf32, #tpu.memory_space<vmem>>
      %dma_start3A_769 = tpu.memref_squeeze %dma_start3A_768 : memref<1x128x128xf32, #tpu.memory_space<vmem>> -> memref<128x128xf32, #tpu.memory_space<vmem>>
      %dma_start3A_770 = arith.constant 0 : i32
      %dma_start3A_771 = tpu.memref_slice %arg8[%rem3A_36, %dma_start3A_765, %dma_start3A_770] : memref<2x16x128xi32, #tpu.memory_space<vmem>> -> memref<1x1x128xi32, #tpu.memory_space<vmem>>
      %dma_start3A_772 = tpu.memref_squeeze %dma_start3A_771 : memref<1x1x128xi32, #tpu.memory_space<vmem>> -> memref<128xi32, #tpu.memory_space<vmem>>
      %dma_start3A_773 = arith.constant 0 : i32
      %dma_start3A_774 = arith.constant 0 : i32
      %dma_start3A_775 = tpu.memref_slice %arg10[%dma_start3A_773, %dma_start3A_774] : memref<10240x128xf32, #tpu.memory_space<vmem_shared>> -> memref<10240x128xf32, #tpu.memory_space<vmem_shared>>
      tpu.enqueue_indirect_dma source(%dma_start3A_769 : memref<128x128xf32, #tpu.memory_space<vmem>>) target(%dma_start3A_775 : memref<10240x128xf32, #tpu.memory_space<vmem_shared>>) offsets(%dma_start3A_772 : memref<128xi32, #tpu.memory_space<vmem>>) semaphore(%arg15 : memref<!tpu.dma_semaphore, #tpu.memory_space<semaphore_mem>>) {add = true}
      %dma_wait3A_776 = arith.constant 14 : i32
      %dma_wait3A_777 = arith.constant 0 : i32
      %dma_wait3A_778 = arith.constant 0 : i32
      %dma_wait3A_779 = tpu.memref_slice %arg9[%scan3A_2, %dma_wait3A_777, %dma_wait3A_778] : memref<2x128x128xf32, #tpu.memory_space<vmem>> -> memref<1x128x128xf32, #tpu.memory_space<vmem>>
      %dma_wait3A_780 = tpu.memref_squeeze %dma_wait3A_779 : memref<1x128x128xf32, #tpu.memory_space<vmem>> -> memref<128x128xf32, #tpu.memory_space<vmem>>
      %dma_wait3A_781 = arith.constant 0 : i32
      %dma_wait3A_782 = tpu.memref_slice %arg7[%rem3A_36, %dma_wait3A_776, %dma_wait3A_781] : memref<2x16x128xi32, #tpu.memory_space<vmem>> -> memref<1x1x128xi32, #tpu.memory_space<vmem>>
      %dma_wait3A_783 = tpu.memref_squeeze %dma_wait3A_782 : memref<1x1x128xi32, #tpu.memory_space<vmem>> -> memref<128xi32, #tpu.memory_space<vmem>>
      %dma_wait3A_784 = arith.constant 0 : i32
      %dma_wait3A_785 = arith.constant 0 : i32
      %dma_wait3A_786 = tpu.memref_slice %arg2[%arg0, %dma_wait3A_784, %dma_wait3A_785] : memref<2x10240x128xf32, #tpu.memory_space<hbm>> -> memref<1x10240x128xf32, #tpu.memory_space<hbm>>
      %dma_wait3A_787 = tpu.memref_squeeze %dma_wait3A_786 : memref<1x10240x128xf32, #tpu.memory_space<hbm>> -> memref<10240x128xf32, #tpu.memory_space<hbm>>
      %dma_wait3A_788 = arith.constant 0 : i32
      %dma_wait3A_789 = arith.constant 0 : i32
      %dma_wait3A_790 = tpu.memref_slice %dma_wait3A_787[%dma_wait3A_788, %dma_wait3A_789] : memref<10240x128xf32, #tpu.memory_space<hbm>> -> memref<10240x128xf32, #tpu.memory_space<hbm>>
      tpu.wait_indirect_dma semaphore(%arg12 : memref<!tpu.dma_semaphore, #tpu.memory_space<semaphore_mem>>) src(%dma_wait3A_790 : memref<10240x128xf32, #tpu.memory_space<hbm>>) dst(%dma_wait3A_780 : memref<128x128xf32, #tpu.memory_space<vmem>>)
      %dma_wait3A_791 = arith.constant 13 : i32
      %dma_wait3A_792 = arith.constant 0 : i32
      %dma_wait3A_793 = arith.constant 0 : i32
      %dma_wait3A_794 = tpu.memref_slice %arg9[%scan3A_3, %dma_wait3A_792, %dma_wait3A_793] : memref<2x128x128xf32, #tpu.memory_space<vmem>> -> memref<1x128x128xf32, #tpu.memory_space<vmem>>
      %dma_wait3A_795 = tpu.memref_squeeze %dma_wait3A_794 : memref<1x128x128xf32, #tpu.memory_space<vmem>> -> memref<128x128xf32, #tpu.memory_space<vmem>>
      %dma_wait3A_796 = arith.constant 0 : i32
      %dma_wait3A_797 = tpu.memref_slice %arg8[%rem3A_36, %dma_wait3A_791, %dma_wait3A_796] : memref<2x16x128xi32, #tpu.memory_space<vmem>> -> memref<1x1x128xi32, #tpu.memory_space<vmem>>
      %dma_wait3A_798 = tpu.memref_squeeze %dma_wait3A_797 : memref<1x1x128xi32, #tpu.memory_space<vmem>> -> memref<128xi32, #tpu.memory_space<vmem>>
      %dma_wait3A_799 = arith.constant 0 : i32
      %dma_wait3A_800 = arith.constant 0 : i32
      %dma_wait3A_801 = tpu.memref_slice %arg10[%dma_wait3A_799, %dma_wait3A_800] : memref<10240x128xf32, #tpu.memory_space<vmem_shared>> -> memref<10240x128xf32, #tpu.memory_space<vmem_shared>>
      tpu.wait_indirect_dma semaphore(%arg15 : memref<!tpu.dma_semaphore, #tpu.memory_space<semaphore_mem>>) src(%dma_wait3A_795 : memref<128x128xf32, #tpu.memory_space<vmem>>) dst(%dma_wait3A_801 : memref<10240x128xf32, #tpu.memory_space<vmem_shared>>)
      %dma_start3A_802 = arith.constant 15 : i32
      %dma_start3A_803 = arith.constant 0 : i32
      %dma_start3A_804 = arith.constant 0 : i32
      %dma_start3A_805 = tpu.memref_slice %arg9[%scan3A_3, %dma_start3A_803, %dma_start3A_804] : memref<2x128x128xf32, #tpu.memory_space<vmem>> -> memref<1x128x128xf32, #tpu.memory_space<vmem>>
      %dma_start3A_806 = tpu.memref_squeeze %dma_start3A_805 : memref<1x128x128xf32, #tpu.memory_space<vmem>> -> memref<128x128xf32, #tpu.memory_space<vmem>>
      %dma_start3A_807 = arith.constant 0 : i32
      %dma_start3A_808 = tpu.memref_slice %arg7[%rem3A_36, %dma_start3A_802, %dma_start3A_807] : memref<2x16x128xi32, #tpu.memory_space<vmem>> -> memref<1x1x128xi32, #tpu.memory_space<vmem>>
      %dma_start3A_809 = tpu.memref_squeeze %dma_start3A_808 : memref<1x1x128xi32, #tpu.memory_space<vmem>> -> memref<128xi32, #tpu.memory_space<vmem>>
      %dma_start3A_810 = arith.constant 0 : i32
      %dma_start3A_811 = arith.constant 0 : i32
      %dma_start3A_812 = tpu.memref_slice %arg2[%arg0, %dma_start3A_810, %dma_start3A_811] : memref<2x10240x128xf32, #tpu.memory_space<hbm>> -> memref<1x10240x128xf32, #tpu.memory_space<hbm>>
      %dma_start3A_813 = tpu.memref_squeeze %dma_start3A_812 : memref<1x10240x128xf32, #tpu.memory_space<hbm>> -> memref<10240x128xf32, #tpu.memory_space<hbm>>
      %dma_start3A_814 = arith.constant 0 : i32
      %dma_start3A_815 = arith.constant 0 : i32
      %dma_start3A_816 = tpu.memref_slice %dma_start3A_813[%dma_start3A_814, %dma_start3A_815] : memref<10240x128xf32, #tpu.memory_space<hbm>> -> memref<10240x128xf32, #tpu.memory_space<hbm>>
      tpu.enqueue_indirect_dma source(%dma_start3A_816 : memref<10240x128xf32, #tpu.memory_space<hbm>>) target(%dma_start3A_806 : memref<128x128xf32, #tpu.memory_space<vmem>>) offsets(%dma_start3A_809 : memref<128xi32, #tpu.memory_space<vmem>>) semaphore(%arg13 : memref<!tpu.dma_semaphore, #tpu.memory_space<semaphore_mem>>)
      %dma_start3A_817 = arith.constant 14 : i32
      %dma_start3A_818 = arith.constant 0 : i32
      %dma_start3A_819 = arith.constant 0 : i32
      %dma_start3A_820 = tpu.memref_slice %arg9[%scan3A_2, %dma_start3A_818, %dma_start3A_819] : memref<2x128x128xf32, #tpu.memory_space<vmem>> -> memref<1x128x128xf32, #tpu.memory_space<vmem>>
      %dma_start3A_821 = tpu.memref_squeeze %dma_start3A_820 : memref<1x128x128xf32, #tpu.memory_space<vmem>> -> memref<128x128xf32, #tpu.memory_space<vmem>>
      %dma_start3A_822 = arith.constant 0 : i32
      %dma_start3A_823 = tpu.memref_slice %arg8[%rem3A_36, %dma_start3A_817, %dma_start3A_822] : memref<2x16x128xi32, #tpu.memory_space<vmem>> -> memref<1x1x128xi32, #tpu.memory_space<vmem>>
      %dma_start3A_824 = tpu.memref_squeeze %dma_start3A_823 : memref<1x1x128xi32, #tpu.memory_space<vmem>> -> memref<128xi32, #tpu.memory_space<vmem>>
      %dma_start3A_825 = arith.constant 0 : i32
      %dma_start3A_826 = arith.constant 0 : i32
      %dma_start3A_827 = tpu.memref_slice %arg10[%dma_start3A_825, %dma_start3A_826] : memref<10240x128xf32, #tpu.memory_space<vmem_shared>> -> memref<10240x128xf32, #tpu.memory_space<vmem_shared>>
      tpu.enqueue_indirect_dma source(%dma_start3A_821 : memref<128x128xf32, #tpu.memory_space<vmem>>) target(%dma_start3A_827 : memref<10240x128xf32, #tpu.memory_space<vmem_shared>>) offsets(%dma_start3A_824 : memref<128xi32, #tpu.memory_space<vmem>>) semaphore(%arg14 : memref<!tpu.dma_semaphore, #tpu.memory_space<semaphore_mem>>) {add = true}
      %dma_wait3A_828 = arith.constant 15 : i32
      %dma_wait3A_829 = arith.constant 0 : i32
      %dma_wait3A_830 = arith.constant 0 : i32
      %dma_wait3A_831 = tpu.memref_slice %arg9[%scan3A_3, %dma_wait3A_829, %dma_wait3A_830] : memref<2x128x128xf32, #tpu.memory_space<vmem>> -> memref<1x128x128xf32, #tpu.memory_space<vmem>>
      %dma_wait3A_832 = tpu.memref_squeeze %dma_wait3A_831 : memref<1x128x128xf32, #tpu.memory_space<vmem>> -> memref<128x128xf32, #tpu.memory_space<vmem>>
      %dma_wait3A_833 = arith.constant 0 : i32
      %dma_wait3A_834 = tpu.memref_slice %arg7[%rem3A_36, %dma_wait3A_828, %dma_wait3A_833] : memref<2x16x128xi32, #tpu.memory_space<vmem>> -> memref<1x1x128xi32, #tpu.memory_space<vmem>>
      %dma_wait3A_835 = tpu.memref_squeeze %dma_wait3A_834 : memref<1x1x128xi32, #tpu.memory_space<vmem>> -> memref<128xi32, #tpu.memory_space<vmem>>
      %dma_wait3A_836 = arith.constant 0 : i32
      %dma_wait3A_837 = arith.constant 0 : i32
      %dma_wait3A_838 = tpu.memref_slice %arg2[%arg0, %dma_wait3A_836, %dma_wait3A_837] : memref<2x10240x128xf32, #tpu.memory_space<hbm>> -> memref<1x10240x128xf32, #tpu.memory_space<hbm>>
      %dma_wait3A_839 = tpu.memref_squeeze %dma_wait3A_838 : memref<1x10240x128xf32, #tpu.memory_space<hbm>> -> memref<10240x128xf32, #tpu.memory_space<hbm>>
      %dma_wait3A_840 = arith.constant 0 : i32
      %dma_wait3A_841 = arith.constant 0 : i32
      %dma_wait3A_842 = tpu.memref_slice %dma_wait3A_839[%dma_wait3A_840, %dma_wait3A_841] : memref<10240x128xf32, #tpu.memory_space<hbm>> -> memref<10240x128xf32, #tpu.memory_space<hbm>>
      tpu.wait_indirect_dma semaphore(%arg13 : memref<!tpu.dma_semaphore, #tpu.memory_space<semaphore_mem>>) src(%dma_wait3A_842 : memref<10240x128xf32, #tpu.memory_space<hbm>>) dst(%dma_wait3A_832 : memref<128x128xf32, #tpu.memory_space<vmem>>)
      %dma_start3A_843 = arith.constant 15 : i32
      %dma_start3A_844 = arith.constant 0 : i32
      %dma_start3A_845 = arith.constant 0 : i32
      %dma_start3A_846 = tpu.memref_slice %arg9[%scan3A_3, %dma_start3A_844, %dma_start3A_845] : memref<2x128x128xf32, #tpu.memory_space<vmem>> -> memref<1x128x128xf32, #tpu.memory_space<vmem>>
      %dma_start3A_847 = tpu.memref_squeeze %dma_start3A_846 : memref<1x128x128xf32, #tpu.memory_space<vmem>> -> memref<128x128xf32, #tpu.memory_space<vmem>>
      %dma_start3A_848 = arith.constant 0 : i32
      %dma_start3A_849 = tpu.memref_slice %arg8[%rem3A_36, %dma_start3A_843, %dma_start3A_848] : memref<2x16x128xi32, #tpu.memory_space<vmem>> -> memref<1x1x128xi32, #tpu.memory_space<vmem>>
      %dma_start3A_850 = tpu.memref_squeeze %dma_start3A_849 : memref<1x1x128xi32, #tpu.memory_space<vmem>> -> memref<128xi32, #tpu.memory_space<vmem>>
      %dma_start3A_851 = arith.constant 0 : i32
      %dma_start3A_852 = arith.constant 0 : i32
      %dma_start3A_853 = tpu.memref_slice %arg10[%dma_start3A_851, %dma_start3A_852] : memref<10240x128xf32, #tpu.memory_space<vmem_shared>> -> memref<10240x128xf32, #tpu.memory_space<vmem_shared>>
      tpu.enqueue_indirect_dma source(%dma_start3A_847 : memref<128x128xf32, #tpu.memory_space<vmem>>) target(%dma_start3A_853 : memref<10240x128xf32, #tpu.memory_space<vmem_shared>>) offsets(%dma_start3A_850 : memref<128xi32, #tpu.memory_space<vmem>>) semaphore(%arg15 : memref<!tpu.dma_semaphore, #tpu.memory_space<semaphore_mem>>) {add = true}
      %add3A_854 = arith.constant 1 : i32
      %add3A_855 = arith.addi %scan3A_35, %add3A_854 : i32
      %lt3A_856 = arith.constant 10 : i32
      %lt3A_857 = arith.cmpi slt, %add3A_855, %lt3A_856 : i32
      %convert_element_type3A_858 = arith.extui %lt3A_857 : i1 to i32
      %cond3A_859 = arith.constant 0 : i32
      %cond3A_860 = arith.cmpi ne, %convert_element_type3A_858, %cond3A_859 : i32
      scf.if %cond3A_860 {
        %add3A_861 = arith.constant 1 : i32
        %add3A_862 = arith.addi %scan3A_35, %add3A_861 : i32
        %mul3A_863 = arith.constant 16 : i32
        %mul3A_864 = arith.muli %add3A_862, %mul3A_863 : i32
        %dma_wait3A_865 = arith.constant 0 : i32
        %dma_wait3A_866 = arith.constant 0 : i32
        %dma_wait3A_867 = tpu.memref_slice %arg7[%sub3A_37, %dma_wait3A_865, %dma_wait3A_866] : memref<2x16x128xi32, #tpu.memory_space<vmem>> -> memref<1x16x128xi32, #tpu.memory_space<vmem>>
        %dma_wait3A_868 = tpu.memref_squeeze %dma_wait3A_867 : memref<1x16x128xi32, #tpu.memory_space<vmem>> -> memref<16x128xi32, #tpu.memory_space<vmem>>
        %dma_wait3A_869 = arith.constant 0 : i32
        %dma_wait3A_870 = tpu.memref_slice %arg3[%arg0, %arg1, %mul3A_864, %dma_wait3A_869] : memref<2x16x160x128xi32, #tpu.memory_space<hbm>> -> memref<1x1x16x128xi32, #tpu.memory_space<hbm>>
        %dma_wait3A_871 = tpu.memref_squeeze %dma_wait3A_870 : memref<1x1x16x128xi32, #tpu.memory_space<hbm>> -> memref<16x128xi32, #tpu.memory_space<hbm>>
        %dma_wait3A_872 = arith.constant 0 : i32
        %dma_wait3A_873 = arith.constant 0 : i32
        %dma_wait3A_874 = tpu.memref_slice %arg7[%sub3A_37, %dma_wait3A_872, %dma_wait3A_873] : memref<2x16x128xi32, #tpu.memory_space<vmem>> -> memref<1x16x128xi32, #tpu.memory_space<vmem>>
        %dma_wait3A_875 = tpu.memref_squeeze %dma_wait3A_874 : memref<1x16x128xi32, #tpu.memory_space<vmem>> -> memref<16x128xi32, #tpu.memory_space<vmem>>
        %dma_wait3A_876 = arith.constant 0 : i32
        %dma_wait3A_877 = tpu.memref_slice %arg3[%arg0, %arg1, %mul3A_864, %dma_wait3A_876] : memref<2x16x160x128xi32, #tpu.memory_space<hbm>> -> memref<1x1x16x128xi32, #tpu.memory_space<hbm>>
        %dma_wait3A_878 = tpu.memref_squeeze %dma_wait3A_877 : memref<1x1x16x128xi32, #tpu.memory_space<hbm>> -> memref<16x128xi32, #tpu.memory_space<hbm>>
        tpu.wait_dma2 semaphore(%arg11 : memref<!tpu.dma_semaphore, #tpu.memory_space<semaphore_mem>>) src(%dma_wait3A_878 : memref<16x128xi32, #tpu.memory_space<hbm>>) dst(%dma_wait3A_875 : memref<16x128xi32, #tpu.memory_space<vmem>>)
        %dma_wait3A_879 = arith.constant 0 : i32
        %dma_wait3A_880 = arith.constant 0 : i32
        %dma_wait3A_881 = tpu.memref_slice %arg8[%sub3A_37, %dma_wait3A_879, %dma_wait3A_880] : memref<2x16x128xi32, #tpu.memory_space<vmem>> -> memref<1x16x128xi32, #tpu.memory_space<vmem>>
        %dma_wait3A_882 = tpu.memref_squeeze %dma_wait3A_881 : memref<1x16x128xi32, #tpu.memory_space<vmem>> -> memref<16x128xi32, #tpu.memory_space<vmem>>
        %dma_wait3A_883 = arith.constant 0 : i32
        %dma_wait3A_884 = tpu.memref_slice %arg4[%arg0, %arg1, %mul3A_864, %dma_wait3A_883] : memref<2x16x160x128xi32, #tpu.memory_space<hbm>> -> memref<1x1x16x128xi32, #tpu.memory_space<hbm>>
        %dma_wait3A_885 = tpu.memref_squeeze %dma_wait3A_884 : memref<1x1x16x128xi32, #tpu.memory_space<hbm>> -> memref<16x128xi32, #tpu.memory_space<hbm>>
        %dma_wait3A_886 = arith.constant 0 : i32
        %dma_wait3A_887 = arith.constant 0 : i32
        %dma_wait3A_888 = tpu.memref_slice %arg8[%sub3A_37, %dma_wait3A_886, %dma_wait3A_887] : memref<2x16x128xi32, #tpu.memory_space<vmem>> -> memref<1x16x128xi32, #tpu.memory_space<vmem>>
        %dma_wait3A_889 = tpu.memref_squeeze %dma_wait3A_888 : memref<1x16x128xi32, #tpu.memory_space<vmem>> -> memref<16x128xi32, #tpu.memory_space<vmem>>
        %dma_wait3A_890 = arith.constant 0 : i32
        %dma_wait3A_891 = tpu.memref_slice %arg4[%arg0, %arg1, %mul3A_864, %dma_wait3A_890] : memref<2x16x160x128xi32, #tpu.memory_space<hbm>> -> memref<1x1x16x128xi32, #tpu.memory_space<hbm>>
        %dma_wait3A_892 = tpu.memref_squeeze %dma_wait3A_891 : memref<1x1x16x128xi32, #tpu.memory_space<hbm>> -> memref<16x128xi32, #tpu.memory_space<hbm>>
        tpu.wait_dma2 semaphore(%arg11 : memref<!tpu.dma_semaphore, #tpu.memory_space<semaphore_mem>>) src(%dma_wait3A_892 : memref<16x128xi32, #tpu.memory_space<hbm>>) dst(%dma_wait3A_889 : memref<16x128xi32, #tpu.memory_space<vmem>>)
      } else {
      }
    }
    %scan3A_8 = arith.constant 10 : i32
    %dma_wait3A = arith.constant 0 : i32
    %dma_wait3A_9 = arith.constant 1 : i32
    %dma_wait3A_10 = arith.constant 14 : i32
    %dma_wait3A_11 = arith.constant 0 : i32
    %dma_wait3A_12 = arith.constant 0 : i32
    %dma_wait3A_13 = tpu.memref_slice %arg9[%dma_wait3A, %dma_wait3A_11, %dma_wait3A_12] : memref<2x128x128xf32, #tpu.memory_space<vmem>> -> memref<1x128x128xf32, #tpu.memory_space<vmem>>
    %dma_wait3A_14 = tpu.memref_squeeze %dma_wait3A_13 : memref<1x128x128xf32, #tpu.memory_space<vmem>> -> memref<128x128xf32, #tpu.memory_space<vmem>>
    %dma_wait3A_15 = arith.constant 0 : i32
    %dma_wait3A_16 = tpu.memref_slice %arg8[%dma_wait3A_9, %dma_wait3A_10, %dma_wait3A_15] : memref<2x16x128xi32, #tpu.memory_space<vmem>> -> memref<1x1x128xi32, #tpu.memory_space<vmem>>
    %dma_wait3A_17 = tpu.memref_squeeze %dma_wait3A_16 : memref<1x1x128xi32, #tpu.memory_space<vmem>> -> memref<128xi32, #tpu.memory_space<vmem>>
    %dma_wait3A_18 = arith.constant 0 : i32
    %dma_wait3A_19 = arith.constant 0 : i32
    %dma_wait3A_20 = tpu.memref_slice %arg10[%dma_wait3A_18, %dma_wait3A_19] : memref<10240x128xf32, #tpu.memory_space<vmem_shared>> -> memref<10240x128xf32, #tpu.memory_space<vmem_shared>>
    tpu.wait_indirect_dma semaphore(%arg14 : memref<!tpu.dma_semaphore, #tpu.memory_space<semaphore_mem>>) src(%dma_wait3A_14 : memref<128x128xf32, #tpu.memory_space<vmem>>) dst(%dma_wait3A_20 : memref<10240x128xf32, #tpu.memory_space<vmem_shared>>)
    %dma_wait3A_21 = arith.constant 1 : i32
    %dma_wait3A_22 = arith.constant 1 : i32
    %dma_wait3A_23 = arith.constant 15 : i32
    %dma_wait3A_24 = arith.constant 0 : i32
    %dma_wait3A_25 = arith.constant 0 : i32
    %dma_wait3A_26 = tpu.memref_slice %arg9[%dma_wait3A_21, %dma_wait3A_24, %dma_wait3A_25] : memref<2x128x128xf32, #tpu.memory_space<vmem>> -> memref<1x128x128xf32, #tpu.memory_space<vmem>>
    %dma_wait3A_27 = tpu.memref_squeeze %dma_wait3A_26 : memref<1x128x128xf32, #tpu.memory_space<vmem>> -> memref<128x128xf32, #tpu.memory_space<vmem>>
    %dma_wait3A_28 = arith.constant 0 : i32
    %dma_wait3A_29 = tpu.memref_slice %arg8[%dma_wait3A_22, %dma_wait3A_23, %dma_wait3A_28] : memref<2x16x128xi32, #tpu.memory_space<vmem>> -> memref<1x1x128xi32, #tpu.memory_space<vmem>>
    %dma_wait3A_30 = tpu.memref_squeeze %dma_wait3A_29 : memref<1x1x128xi32, #tpu.memory_space<vmem>> -> memref<128xi32, #tpu.memory_space<vmem>>
    %dma_wait3A_31 = arith.constant 0 : i32
    %dma_wait3A_32 = arith.constant 0 : i32
    %dma_wait3A_33 = tpu.memref_slice %arg10[%dma_wait3A_31, %dma_wait3A_32] : memref<10240x128xf32, #tpu.memory_space<vmem_shared>> -> memref<10240x128xf32, #tpu.memory_space<vmem_shared>>
    tpu.wait_indirect_dma semaphore(%arg15 : memref<!tpu.dma_semaphore, #tpu.memory_space<semaphore_mem>>) src(%dma_wait3A_27 : memref<128x128xf32, #tpu.memory_space<vmem>>) dst(%dma_wait3A_33 : memref<10240x128xf32, #tpu.memory_space<vmem_shared>>)
    %barrier3A_34 = arith.constant 0 : index
    tpu.barrier barrier_id(%barrier3A_34)
    "tpu.region"() ({
      %run_scoped3A_35 = tpu.sem_alloc : memref<!tpu.dma_semaphore, #tpu.memory_space<semaphore_mem>>
      %dma_start3A = arith.constant 0 : i32
      %dma_start3A_36 = arith.constant 0 : i32
      %dma_start3A_37 = tpu.memref_slice %arg6[%arg0, %dma_start3A, %dma_start3A_36] : memref<2x10240x128xf32, #tpu.memory_space<hbm>> -> memref<1x10240x128xf32, #tpu.memory_space<hbm>>
      %dma_start3A_38 = tpu.memref_squeeze %dma_start3A_37 : memref<1x10240x128xf32, #tpu.memory_space<hbm>> -> memref<10240x128xf32, #tpu.memory_space<hbm>>
      %dma_start3A_39 = arith.constant 0 : i32
      %dma_start3A_40 = tpu.memref_slice %dma_start3A_38[%mul3A_0, %dma_start3A_39] : memref<10240x128xf32, #tpu.memory_space<hbm>> -> memref<640x128xf32, #tpu.memory_space<hbm>>
      %dma_start3A_41 = arith.constant 0 : i32
      %dma_start3A_42 = tpu.memref_slice %arg10[%mul3A_0, %dma_start3A_41] : memref<10240x128xf32, #tpu.memory_space<vmem_shared>> -> memref<640x128xf32, #tpu.memory_space<vmem_shared>>
      tpu.enqueue_dma source(%dma_start3A_42 : memref<640x128xf32, #tpu.memory_space<vmem_shared>>) target(%dma_start3A_40 : memref<640x128xf32, #tpu.memory_space<hbm>>) target_semaphore(%run_scoped3A_35 : memref<!tpu.dma_semaphore, #tpu.memory_space<semaphore_mem>>)
      %dma_wait3A_43 = arith.constant 0 : i32
      %dma_wait3A_44 = arith.constant 0 : i32
      %dma_wait3A_45 = tpu.memref_slice %arg6[%arg0, %dma_wait3A_43, %dma_wait3A_44] : memref<2x10240x128xf32, #tpu.memory_space<hbm>> -> memref<1x10240x128xf32, #tpu.memory_space<hbm>>
      %dma_wait3A_46 = tpu.memref_squeeze %dma_wait3A_45 : memref<1x10240x128xf32, #tpu.memory_space<hbm>> -> memref<10240x128xf32, #tpu.memory_space<hbm>>
      %dma_wait3A_47 = arith.constant 0 : i32
      %dma_wait3A_48 = tpu.memref_slice %dma_wait3A_46[%mul3A_0, %dma_wait3A_47] : memref<10240x128xf32, #tpu.memory_space<hbm>> -> memref<640x128xf32, #tpu.memory_space<hbm>>
      %dma_wait3A_49 = arith.constant 0 : i32
      %dma_wait3A_50 = tpu.memref_slice %arg10[%mul3A_0, %dma_wait3A_49] : memref<10240x128xf32, #tpu.memory_space<vmem_shared>> -> memref<640x128xf32, #tpu.memory_space<vmem_shared>>
      tpu.wait_dma2 semaphore(%run_scoped3A_35 : memref<!tpu.dma_semaphore, #tpu.memory_space<semaphore_mem>>) src(%dma_wait3A_50 : memref<640x128xf32, #tpu.memory_space<vmem_shared>>) dst(%dma_wait3A_48 : memref<640x128xf32, #tpu.memory_space<hbm>>)
      tpu.yield
    }) : () -> ()
    return
  }
}

#map = affine_map<(d0, d1) -> (0, 0, 0, 0)>
#map1 = affine_map<(d0, d1) -> (0)>
#map2 = affine_map<(d0, d1) -> (0, 0)>
module attributes {stable_mosaic.version = 14 : i64} {
  func.func @_deg_kernel(%arg0: i32, %arg1: i32, %arg2: memref<2x16x160x128xi32, #tpu.memory_space<hbm>>, %arg3: memref<2x16x160x128xi32, #tpu.memory_space<hbm>>, %arg4: memref<640xf32, #tpu.memory_space<hbm>>, %arg5: memref<128xf32, #tpu.memory_space<hbm>>, %arg6: memref<2x10240xf32, #tpu.memory_space<hbm>>, %arg7: memref<2x10240xf32, #tpu.memory_space<hbm>>, %arg8: memref<160x128xi32, #tpu.memory_space<vmem>>, %arg9: memref<160x128xi32, #tpu.memory_space<vmem>>, %arg10: memref<128xf32, #tpu.memory_space<vmem>>, %arg11: memref<10240xf32, #tpu.memory_space<vmem_shared>>, %arg12: memref<10240xf32, #tpu.memory_space<vmem_shared>>, %arg13: memref<!tpu.dma_semaphore, #tpu.memory_space<semaphore_mem>>, %arg14: memref<!tpu.dma_semaphore, #tpu.memory_space<semaphore_mem>>) attributes {dimension_semantics = [#tpu.dimension_semantics<core_parallel>, #tpu.dimension_semantics<subcore_parallel>], iteration_bounds = array<i64: 2, 16>, scalar_prefetch = 0 : i64, scratch_operands = 7 : i64, tpu.core_type = #tpu.core_type<sc_vector_subcore>, window_params = [{transform_indices = #map}, {transform_indices = #map}, {transform_indices = #map1}, {transform_indices = #map1}, {transform_indices = #map2}, {transform_indices = #map2}]} {
    %mul3A = arith.constant 640 : i32
    %mul3A_0 = arith.muli %arg1, %mul3A : i32
    "tpu.region"() ({
      %run_scoped3A = tpu.sem_alloc : memref<!tpu.dma_semaphore, #tpu.memory_space<semaphore_mem>>
      %dma_start3A = tpu.memref_slice %arg11[%mul3A_0] : memref<10240xf32, #tpu.memory_space<vmem_shared>> -> memref<640xf32, #tpu.memory_space<vmem_shared>>
      tpu.enqueue_dma source(%arg4 : memref<640xf32, #tpu.memory_space<hbm>>) target(%dma_start3A : memref<640xf32, #tpu.memory_space<vmem_shared>>) target_semaphore(%run_scoped3A : memref<!tpu.dma_semaphore, #tpu.memory_space<semaphore_mem>>)
      %dma_wait3A_22 = tpu.memref_slice %arg11[%mul3A_0] : memref<10240xf32, #tpu.memory_space<vmem_shared>> -> memref<640xf32, #tpu.memory_space<vmem_shared>>
      tpu.wait_dma2 semaphore(%run_scoped3A : memref<!tpu.dma_semaphore, #tpu.memory_space<semaphore_mem>>) src(%arg4 : memref<640xf32, #tpu.memory_space<hbm>>) dst(%dma_wait3A_22 : memref<640xf32, #tpu.memory_space<vmem_shared>>)
      tpu.yield
    }) : () -> ()
    "tpu.region"() ({
      %run_scoped3A = tpu.sem_alloc : memref<!tpu.dma_semaphore, #tpu.memory_space<semaphore_mem>>
      %dma_start3A = tpu.memref_slice %arg12[%mul3A_0] : memref<10240xf32, #tpu.memory_space<vmem_shared>> -> memref<640xf32, #tpu.memory_space<vmem_shared>>
      tpu.enqueue_dma source(%arg4 : memref<640xf32, #tpu.memory_space<hbm>>) target(%dma_start3A : memref<640xf32, #tpu.memory_space<vmem_shared>>) target_semaphore(%run_scoped3A : memref<!tpu.dma_semaphore, #tpu.memory_space<semaphore_mem>>)
      %dma_wait3A_22 = tpu.memref_slice %arg12[%mul3A_0] : memref<10240xf32, #tpu.memory_space<vmem_shared>> -> memref<640xf32, #tpu.memory_space<vmem_shared>>
      tpu.wait_dma2 semaphore(%run_scoped3A : memref<!tpu.dma_semaphore, #tpu.memory_space<semaphore_mem>>) src(%arg4 : memref<640xf32, #tpu.memory_space<hbm>>) dst(%dma_wait3A_22 : memref<640xf32, #tpu.memory_space<vmem_shared>>)
      tpu.yield
    }) : () -> ()
    "tpu.region"() ({
      %run_scoped3A = tpu.sem_alloc : memref<!tpu.dma_semaphore, #tpu.memory_space<semaphore_mem>>
      tpu.enqueue_dma source(%arg5 : memref<128xf32, #tpu.memory_space<hbm>>) target(%arg10 : memref<128xf32, #tpu.memory_space<vmem>>) target_semaphore(%run_scoped3A : memref<!tpu.dma_semaphore, #tpu.memory_space<semaphore_mem>>)
      tpu.wait_dma2 semaphore(%run_scoped3A : memref<!tpu.dma_semaphore, #tpu.memory_space<semaphore_mem>>) src(%arg5 : memref<128xf32, #tpu.memory_space<hbm>>) dst(%arg10 : memref<128xf32, #tpu.memory_space<vmem>>)
      tpu.yield
    }) : () -> ()
    "tpu.region"() ({
      %run_scoped3A = tpu.sem_alloc : memref<!tpu.dma_semaphore, #tpu.memory_space<semaphore_mem>>
      %dma_start3A = arith.constant 0 : i32
      %dma_start3A_22 = arith.constant 0 : i32
      %dma_start3A_23 = tpu.memref_slice %arg2[%arg0, %arg1, %dma_start3A, %dma_start3A_22] : memref<2x16x160x128xi32, #tpu.memory_space<hbm>> -> memref<1x1x160x128xi32, #tpu.memory_space<hbm>>
      %dma_start3A_24 = tpu.memref_squeeze %dma_start3A_23 : memref<1x1x160x128xi32, #tpu.memory_space<hbm>> -> memref<160x128xi32, #tpu.memory_space<hbm>>
      %dma_start3A_25 = arith.constant 0 : i32
      %dma_start3A_26 = arith.constant 0 : i32
      %dma_start3A_27 = tpu.memref_slice %arg2[%arg0, %arg1, %dma_start3A_25, %dma_start3A_26] : memref<2x16x160x128xi32, #tpu.memory_space<hbm>> -> memref<1x1x160x128xi32, #tpu.memory_space<hbm>>
      %dma_start3A_28 = tpu.memref_squeeze %dma_start3A_27 : memref<1x1x160x128xi32, #tpu.memory_space<hbm>> -> memref<160x128xi32, #tpu.memory_space<hbm>>
      tpu.enqueue_dma source(%dma_start3A_28 : memref<160x128xi32, #tpu.memory_space<hbm>>) target(%arg8 : memref<160x128xi32, #tpu.memory_space<vmem>>) target_semaphore(%run_scoped3A : memref<!tpu.dma_semaphore, #tpu.memory_space<semaphore_mem>>)
      %dma_wait3A_29 = arith.constant 0 : i32
      %dma_wait3A_30 = arith.constant 0 : i32
      %dma_wait3A_31 = tpu.memref_slice %arg2[%arg0, %arg1, %dma_wait3A_29, %dma_wait3A_30] : memref<2x16x160x128xi32, #tpu.memory_space<hbm>> -> memref<1x1x160x128xi32, #tpu.memory_space<hbm>>
      %dma_wait3A_32 = tpu.memref_squeeze %dma_wait3A_31 : memref<1x1x160x128xi32, #tpu.memory_space<hbm>> -> memref<160x128xi32, #tpu.memory_space<hbm>>
      %dma_wait3A_33 = arith.constant 0 : i32
      %dma_wait3A_34 = arith.constant 0 : i32
      %dma_wait3A_35 = tpu.memref_slice %arg2[%arg0, %arg1, %dma_wait3A_33, %dma_wait3A_34] : memref<2x16x160x128xi32, #tpu.memory_space<hbm>> -> memref<1x1x160x128xi32, #tpu.memory_space<hbm>>
      %dma_wait3A_36 = tpu.memref_squeeze %dma_wait3A_35 : memref<1x1x160x128xi32, #tpu.memory_space<hbm>> -> memref<160x128xi32, #tpu.memory_space<hbm>>
      tpu.wait_dma2 semaphore(%run_scoped3A : memref<!tpu.dma_semaphore, #tpu.memory_space<semaphore_mem>>) src(%dma_wait3A_36 : memref<160x128xi32, #tpu.memory_space<hbm>>) dst(%arg8 : memref<160x128xi32, #tpu.memory_space<vmem>>)
      tpu.yield
    }) : () -> ()
    "tpu.region"() ({
      %run_scoped3A = tpu.sem_alloc : memref<!tpu.dma_semaphore, #tpu.memory_space<semaphore_mem>>
      %dma_start3A = arith.constant 0 : i32
      %dma_start3A_22 = arith.constant 0 : i32
      %dma_start3A_23 = tpu.memref_slice %arg3[%arg0, %arg1, %dma_start3A, %dma_start3A_22] : memref<2x16x160x128xi32, #tpu.memory_space<hbm>> -> memref<1x1x160x128xi32, #tpu.memory_space<hbm>>
      %dma_start3A_24 = tpu.memref_squeeze %dma_start3A_23 : memref<1x1x160x128xi32, #tpu.memory_space<hbm>> -> memref<160x128xi32, #tpu.memory_space<hbm>>
      %dma_start3A_25 = arith.constant 0 : i32
      %dma_start3A_26 = arith.constant 0 : i32
      %dma_start3A_27 = tpu.memref_slice %arg3[%arg0, %arg1, %dma_start3A_25, %dma_start3A_26] : memref<2x16x160x128xi32, #tpu.memory_space<hbm>> -> memref<1x1x160x128xi32, #tpu.memory_space<hbm>>
      %dma_start3A_28 = tpu.memref_squeeze %dma_start3A_27 : memref<1x1x160x128xi32, #tpu.memory_space<hbm>> -> memref<160x128xi32, #tpu.memory_space<hbm>>
      tpu.enqueue_dma source(%dma_start3A_28 : memref<160x128xi32, #tpu.memory_space<hbm>>) target(%arg9 : memref<160x128xi32, #tpu.memory_space<vmem>>) target_semaphore(%run_scoped3A : memref<!tpu.dma_semaphore, #tpu.memory_space<semaphore_mem>>)
      %dma_wait3A_29 = arith.constant 0 : i32
      %dma_wait3A_30 = arith.constant 0 : i32
      %dma_wait3A_31 = tpu.memref_slice %arg3[%arg0, %arg1, %dma_wait3A_29, %dma_wait3A_30] : memref<2x16x160x128xi32, #tpu.memory_space<hbm>> -> memref<1x1x160x128xi32, #tpu.memory_space<hbm>>
      %dma_wait3A_32 = tpu.memref_squeeze %dma_wait3A_31 : memref<1x1x160x128xi32, #tpu.memory_space<hbm>> -> memref<160x128xi32, #tpu.memory_space<hbm>>
      %dma_wait3A_33 = arith.constant 0 : i32
      %dma_wait3A_34 = arith.constant 0 : i32
      %dma_wait3A_35 = tpu.memref_slice %arg3[%arg0, %arg1, %dma_wait3A_33, %dma_wait3A_34] : memref<2x16x160x128xi32, #tpu.memory_space<hbm>> -> memref<1x1x160x128xi32, #tpu.memory_space<hbm>>
      %dma_wait3A_36 = tpu.memref_squeeze %dma_wait3A_35 : memref<1x1x160x128xi32, #tpu.memory_space<hbm>> -> memref<160x128xi32, #tpu.memory_space<hbm>>
      tpu.wait_dma2 semaphore(%run_scoped3A : memref<!tpu.dma_semaphore, #tpu.memory_space<semaphore_mem>>) src(%dma_wait3A_36 : memref<160x128xi32, #tpu.memory_space<hbm>>) dst(%arg9 : memref<160x128xi32, #tpu.memory_space<vmem>>)
      tpu.yield
    }) : () -> ()
    %barrier3A = arith.constant 0 : index
    tpu.barrier barrier_id(%barrier3A)
    %scan3A = arith.constant 0 : i32
    %scan3A_1 = arith.constant 0 : i32
    %scan3A_2 = arith.constant 160 : i32
    %scan3A_3 = arith.addi %scan3A_1, %scan3A_2 : i32
    %scan3A_4 = arith.constant 1 : i32
    scf.for %scan3A_22 = %scan3A_1 to %scan3A_3 step %scan3A_4  : i32 {
      %dma_start3A = arith.constant 0 : i32
      %dma_start3A_23 = tpu.memref_slice %arg8[%scan3A_22, %dma_start3A] : memref<160x128xi32, #tpu.memory_space<vmem>> -> memref<1x128xi32, #tpu.memory_space<vmem>>
      %dma_start3A_24 = tpu.memref_squeeze %dma_start3A_23 : memref<1x128xi32, #tpu.memory_space<vmem>> -> memref<128xi32, #tpu.memory_space<vmem>>
      %dma_start3A_25 = arith.constant 0 : i32
      %dma_start3A_26 = tpu.memref_slice %arg11[%dma_start3A_25] : memref<10240xf32, #tpu.memory_space<vmem_shared>> -> memref<10240xf32, #tpu.memory_space<vmem_shared>>
      tpu.enqueue_indirect_dma source(%arg10 : memref<128xf32, #tpu.memory_space<vmem>>) target(%dma_start3A_26 : memref<10240xf32, #tpu.memory_space<vmem_shared>>) offsets(%dma_start3A_24 : memref<128xi32, #tpu.memory_space<vmem>>) semaphore(%arg13 : memref<!tpu.dma_semaphore, #tpu.memory_space<semaphore_mem>>) {add = true}
      %dma_start3A_27 = arith.constant 0 : i32
      %dma_start3A_28 = tpu.memref_slice %arg9[%scan3A_22, %dma_start3A_27] : memref<160x128xi32, #tpu.memory_space<vmem>> -> memref<1x128xi32, #tpu.memory_space<vmem>>
      %dma_start3A_29 = tpu.memref_squeeze %dma_start3A_28 : memref<1x128xi32, #tpu.memory_space<vmem>> -> memref<128xi32, #tpu.memory_space<vmem>>
      %dma_start3A_30 = arith.constant 0 : i32
      %dma_start3A_31 = tpu.memref_slice %arg12[%dma_start3A_30] : memref<10240xf32, #tpu.memory_space<vmem_shared>> -> memref<10240xf32, #tpu.memory_space<vmem_shared>>
      tpu.enqueue_indirect_dma source(%arg10 : memref<128xf32, #tpu.memory_space<vmem>>) target(%dma_start3A_31 : memref<10240xf32, #tpu.memory_space<vmem_shared>>) offsets(%dma_start3A_29 : memref<128xi32, #tpu.memory_space<vmem>>) semaphore(%arg14 : memref<!tpu.dma_semaphore, #tpu.memory_space<semaphore_mem>>) {add = true}
    }
    %scan3A_5 = arith.constant 160 : i32
    %dma_wait3A = arith.constant 0 : i32
    %dma_wait3A_6 = arith.constant 0 : i32
    %dma_wait3A_7 = tpu.memref_slice %arg2[%arg0, %arg1, %dma_wait3A, %dma_wait3A_6] : memref<2x16x160x128xi32, #tpu.memory_space<hbm>> -> memref<1x1x160x128xi32, #tpu.memory_space<hbm>>
    %dma_wait3A_8 = tpu.memref_squeeze %dma_wait3A_7 : memref<1x1x160x128xi32, #tpu.memory_space<hbm>> -> memref<160x128xi32, #tpu.memory_space<hbm>>
    %dma_wait3A_9 = arith.constant 0 : i32
    %dma_wait3A_10 = arith.constant 0 : i32
    %dma_wait3A_11 = tpu.memref_slice %arg2[%arg0, %arg1, %dma_wait3A_9, %dma_wait3A_10] : memref<2x16x160x128xi32, #tpu.memory_space<hbm>> -> memref<1x1x160x128xi32, #tpu.memory_space<hbm>>
    %dma_wait3A_12 = tpu.memref_squeeze %dma_wait3A_11 : memref<1x1x160x128xi32, #tpu.memory_space<hbm>> -> memref<160x128xi32, #tpu.memory_space<hbm>>
    tpu.wait_dma2 semaphore(%arg13 : memref<!tpu.dma_semaphore, #tpu.memory_space<semaphore_mem>>) src(%dma_wait3A_12 : memref<160x128xi32, #tpu.memory_space<hbm>>) dst(%arg8 : memref<160x128xi32, #tpu.memory_space<vmem>>)
    %dma_wait3A_13 = arith.constant 0 : i32
    %dma_wait3A_14 = arith.constant 0 : i32
    %dma_wait3A_15 = tpu.memref_slice %arg3[%arg0, %arg1, %dma_wait3A_13, %dma_wait3A_14] : memref<2x16x160x128xi32, #tpu.memory_space<hbm>> -> memref<1x1x160x128xi32, #tpu.memory_space<hbm>>
    %dma_wait3A_16 = tpu.memref_squeeze %dma_wait3A_15 : memref<1x1x160x128xi32, #tpu.memory_space<hbm>> -> memref<160x128xi32, #tpu.memory_space<hbm>>
    %dma_wait3A_17 = arith.constant 0 : i32
    %dma_wait3A_18 = arith.constant 0 : i32
    %dma_wait3A_19 = tpu.memref_slice %arg3[%arg0, %arg1, %dma_wait3A_17, %dma_wait3A_18] : memref<2x16x160x128xi32, #tpu.memory_space<hbm>> -> memref<1x1x160x128xi32, #tpu.memory_space<hbm>>
    %dma_wait3A_20 = tpu.memref_squeeze %dma_wait3A_19 : memref<1x1x160x128xi32, #tpu.memory_space<hbm>> -> memref<160x128xi32, #tpu.memory_space<hbm>>
    tpu.wait_dma2 semaphore(%arg14 : memref<!tpu.dma_semaphore, #tpu.memory_space<semaphore_mem>>) src(%dma_wait3A_20 : memref<160x128xi32, #tpu.memory_space<hbm>>) dst(%arg9 : memref<160x128xi32, #tpu.memory_space<vmem>>)
    %barrier3A_21 = arith.constant 0 : index
    tpu.barrier barrier_id(%barrier3A_21)
    "tpu.region"() ({
      %run_scoped3A = tpu.sem_alloc : memref<!tpu.dma_semaphore, #tpu.memory_space<semaphore_mem>>
      %dma_start3A = arith.constant 0 : i32
      %dma_start3A_22 = tpu.memref_slice %arg6[%arg0, %dma_start3A] : memref<2x10240xf32, #tpu.memory_space<hbm>> -> memref<1x10240xf32, #tpu.memory_space<hbm>>
      %dma_start3A_23 = tpu.memref_squeeze %dma_start3A_22 : memref<1x10240xf32, #tpu.memory_space<hbm>> -> memref<10240xf32, #tpu.memory_space<hbm>>
      %dma_start3A_24 = tpu.memref_slice %dma_start3A_23[%mul3A_0] : memref<10240xf32, #tpu.memory_space<hbm>> -> memref<640xf32, #tpu.memory_space<hbm>>
      %dma_start3A_25 = tpu.memref_slice %arg11[%mul3A_0] : memref<10240xf32, #tpu.memory_space<vmem_shared>> -> memref<640xf32, #tpu.memory_space<vmem_shared>>
      tpu.enqueue_dma source(%dma_start3A_25 : memref<640xf32, #tpu.memory_space<vmem_shared>>) target(%dma_start3A_24 : memref<640xf32, #tpu.memory_space<hbm>>) target_semaphore(%run_scoped3A : memref<!tpu.dma_semaphore, #tpu.memory_space<semaphore_mem>>)
      %dma_wait3A_26 = arith.constant 0 : i32
      %dma_wait3A_27 = tpu.memref_slice %arg6[%arg0, %dma_wait3A_26] : memref<2x10240xf32, #tpu.memory_space<hbm>> -> memref<1x10240xf32, #tpu.memory_space<hbm>>
      %dma_wait3A_28 = tpu.memref_squeeze %dma_wait3A_27 : memref<1x10240xf32, #tpu.memory_space<hbm>> -> memref<10240xf32, #tpu.memory_space<hbm>>
      %dma_wait3A_29 = tpu.memref_slice %dma_wait3A_28[%mul3A_0] : memref<10240xf32, #tpu.memory_space<hbm>> -> memref<640xf32, #tpu.memory_space<hbm>>
      %dma_wait3A_30 = tpu.memref_slice %arg11[%mul3A_0] : memref<10240xf32, #tpu.memory_space<vmem_shared>> -> memref<640xf32, #tpu.memory_space<vmem_shared>>
      tpu.wait_dma2 semaphore(%run_scoped3A : memref<!tpu.dma_semaphore, #tpu.memory_space<semaphore_mem>>) src(%dma_wait3A_30 : memref<640xf32, #tpu.memory_space<vmem_shared>>) dst(%dma_wait3A_29 : memref<640xf32, #tpu.memory_space<hbm>>)
      tpu.yield
    }) : () -> ()
    "tpu.region"() ({
      %run_scoped3A = tpu.sem_alloc : memref<!tpu.dma_semaphore, #tpu.memory_space<semaphore_mem>>
      %dma_start3A = arith.constant 0 : i32
      %dma_start3A_22 = tpu.memref_slice %arg7[%arg0, %dma_start3A] : memref<2x10240xf32, #tpu.memory_space<hbm>> -> memref<1x10240xf32, #tpu.memory_space<hbm>>
      %dma_start3A_23 = tpu.memref_squeeze %dma_start3A_22 : memref<1x10240xf32, #tpu.memory_space<hbm>> -> memref<10240xf32, #tpu.memory_space<hbm>>
      %dma_start3A_24 = tpu.memref_slice %dma_start3A_23[%mul3A_0] : memref<10240xf32, #tpu.memory_space<hbm>> -> memref<640xf32, #tpu.memory_space<hbm>>
      %dma_start3A_25 = tpu.memref_slice %arg12[%mul3A_0] : memref<10240xf32, #tpu.memory_space<vmem_shared>> -> memref<640xf32, #tpu.memory_space<vmem_shared>>
      tpu.enqueue_dma source(%dma_start3A_25 : memref<640xf32, #tpu.memory_space<vmem_shared>>) target(%dma_start3A_24 : memref<640xf32, #tpu.memory_space<hbm>>) target_semaphore(%run_scoped3A : memref<!tpu.dma_semaphore, #tpu.memory_space<semaphore_mem>>)
      %dma_wait3A_26 = arith.constant 0 : i32
      %dma_wait3A_27 = tpu.memref_slice %arg7[%arg0, %dma_wait3A_26] : memref<2x10240xf32, #tpu.memory_space<hbm>> -> memref<1x10240xf32, #tpu.memory_space<hbm>>
      %dma_wait3A_28 = tpu.memref_squeeze %dma_wait3A_27 : memref<1x10240xf32, #tpu.memory_space<hbm>> -> memref<10240xf32, #tpu.memory_space<hbm>>
      %dma_wait3A_29 = tpu.memref_slice %dma_wait3A_28[%mul3A_0] : memref<10240xf32, #tpu.memory_space<hbm>> -> memref<640xf32, #tpu.memory_space<hbm>>
      %dma_wait3A_30 = tpu.memref_slice %arg12[%mul3A_0] : memref<10240xf32, #tpu.memory_space<vmem_shared>> -> memref<640xf32, #tpu.memory_space<vmem_shared>>
      tpu.wait_dma2 semaphore(%run_scoped3A : memref<!tpu.dma_semaphore, #tpu.memory_space<semaphore_mem>>) src(%dma_wait3A_30 : memref<640xf32, #tpu.memory_space<vmem_shared>>) dst(%dma_wait3A_29 : memref<640xf32, #tpu.memory_space<hbm>>)
      tpu.yield
    }) : () -> ()
    return
  }
}

module attributes {stable_mosaic.version = 14 : i64} {
  func.func @_scale_body(%arg0: memref<10000x128xf32, #tpu.memory_space<vmem>>, %arg1: memref<10000x128xf32, #tpu.memory_space<vmem>>, %arg2: memref<10000x1xf32, #tpu.memory_space<vmem>>, %arg3: memref<10000x1xf32, #tpu.memory_space<vmem>>, %arg4: memref<2x10240x128xf32, #tpu.memory_space<vmem>>) attributes {dimension_semantics = [], scalar_prefetch = 0 : i64, scratch_operands = 0 : i64, tpu.core_type = #tpu.core_type<tc>} {
    %broadcast_in_dim3A = arith.constant 0.000000e+00 : f32
    %broadcast_in_dim3A_0 = vector.broadcast %broadcast_in_dim3A : f32 to vector<240x128xf32>
    %get3A = arith.constant 0 : index
    %get3A_1 = arith.constant 0 : index
    %get3A_2 = vector.load %arg2[%get3A, %get3A_1] : memref<10000x1xf32, #tpu.memory_space<vmem>>, vector<10000x1xf32>
    %get3A_3 = arith.constant 0 : index
    %get3A_4 = arith.constant 0 : index
    %get3A_5 = vector.load %arg0[%get3A_3, %get3A_4] : memref<10000x128xf32, #tpu.memory_space<vmem>>, vector<10000x128xf32>
    %gt3A = arith.constant 0.000000e+00 : f32
    %gt3A_6 = vector.broadcast %gt3A : f32 to vector<10000x1xf32>
    %gt3A_7 = arith.cmpf ogt, %get3A_2, %gt3A_6 : vector<10000x1xf32>
    %rsqrt3A = math.rsqrt %get3A_2 : vector<10000x1xf32>
    %jit3A = arith.constant 0.000000e+00 : f32
    %broadcast_in_dim3A_8 = vector.broadcast %jit3A : f32 to vector<10000x1xf32>
    %select_n3A = arith.select %gt3A_7, %rsqrt3A, %broadcast_in_dim3A_8 : vector<10000x1xi1>, vector<10000x1xf32>
    %mul3A = vector.broadcast %select_n3A : vector<10000x1xf32> to vector<10000x128xf32>
    %mul3A_9 = arith.mulf %get3A_5, %mul3A : vector<10000x128xf32>
    %swap3A = arith.constant 0 : index
    %swap3A_10 = arith.constant 0 : index
    %swap3A_11 = arith.constant 0 : index
    %swap3A_12 = vector.load %arg4[%swap3A, %swap3A_10, %swap3A_11] : memref<2x10240x128xf32, #tpu.memory_space<vmem>>, vector<1x10000x128xf32>
    %swap3A_13 = vector.shape_cast %swap3A_12 : vector<1x10000x128xf32> to vector<10000x128xf32>
    %swap3A_14 = vector.shape_cast %mul3A_9 : vector<10000x128xf32> to vector<1x10000x128xf32>
    tpu.vector_store %arg4[%swap3A, %swap3A_10, %swap3A_11], %swap3A_14 {strides = array<i32>} : memref<2x10240x128xf32, #tpu.memory_space<vmem>>, vector<1x10000x128xf32>,
    %swap3A_15 = arith.constant 0 : index
    %swap3A_16 = arith.constant 10000 : index
    %swap3A_17 = arith.constant 0 : index
    %swap3A_18 = vector.load %arg4[%swap3A_15, %swap3A_16, %swap3A_17] : memref<2x10240x128xf32, #tpu.memory_space<vmem>>, vector<1x240x128xf32>
    %swap3A_19 = vector.shape_cast %swap3A_18 : vector<1x240x128xf32> to vector<240x128xf32>
    %swap3A_20 = vector.shape_cast %broadcast_in_dim3A_0 : vector<240x128xf32> to vector<1x240x128xf32>
    tpu.vector_store %arg4[%swap3A_15, %swap3A_16, %swap3A_17], %swap3A_20 {strides = array<i32>} : memref<2x10240x128xf32, #tpu.memory_space<vmem>>, vector<1x240x128xf32>,
    %get3A_21 = arith.constant 0 : index
    %get3A_22 = arith.constant 0 : index
    %get3A_23 = vector.load %arg3[%get3A_21, %get3A_22] : memref<10000x1xf32, #tpu.memory_space<vmem>>, vector<10000x1xf32>
    %get3A_24 = arith.constant 0 : index
    %get3A_25 = arith.constant 0 : index
    %get3A_26 = vector.load %arg1[%get3A_24, %get3A_25] : memref<10000x128xf32, #tpu.memory_space<vmem>>, vector<10000x128xf32>
    %gt3A_27 = arith.constant 0.000000e+00 : f32
    %gt3A_28 = vector.broadcast %gt3A_27 : f32 to vector<10000x1xf32>
    %gt3A_29 = arith.cmpf ogt, %get3A_23, %gt3A_28 : vector<10000x1xf32>
    %rsqrt3A_30 = math.rsqrt %get3A_23 : vector<10000x1xf32>
    %jit3A_31 = arith.constant 0.000000e+00 : f32
    %broadcast_in_dim3A_32 = vector.broadcast %jit3A_31 : f32 to vector<10000x1xf32>
    %select_n3A_33 = arith.select %gt3A_29, %rsqrt3A_30, %broadcast_in_dim3A_32 : vector<10000x1xi1>, vector<10000x1xf32>
    %mul3A_34 = vector.broadcast %select_n3A_33 : vector<10000x1xf32> to vector<10000x128xf32>
    %mul3A_35 = arith.mulf %get3A_26, %mul3A_34 : vector<10000x128xf32>
    %swap3A_36 = arith.constant 1 : index
    %swap3A_37 = arith.constant 0 : index
    %swap3A_38 = arith.constant 0 : index
    %swap3A_39 = vector.load %arg4[%swap3A_36, %swap3A_37, %swap3A_38] : memref<2x10240x128xf32, #tpu.memory_space<vmem>>, vector<1x10000x128xf32>
    %swap3A_40 = vector.shape_cast %swap3A_39 : vector<1x10000x128xf32> to vector<10000x128xf32>
    %swap3A_41 = vector.shape_cast %mul3A_35 : vector<10000x128xf32> to vector<1x10000x128xf32>
    tpu.vector_store %arg4[%swap3A_36, %swap3A_37, %swap3A_38], %swap3A_41 {strides = array<i32>} : memref<2x10240x128xf32, #tpu.memory_space<vmem>>, vector<1x10000x128xf32>,
    %swap3A_42 = arith.constant 1 : index
    %swap3A_43 = arith.constant 10000 : index
    %swap3A_44 = arith.constant 0 : index
    %swap3A_45 = vector.load %arg4[%swap3A_42, %swap3A_43, %swap3A_44] : memref<2x10240x128xf32, #tpu.memory_space<vmem>>, vector<1x240x128xf32>
    %swap3A_46 = vector.shape_cast %swap3A_45 : vector<1x240x128xf32> to vector<240x128xf32>
    %swap3A_47 = vector.shape_cast %broadcast_in_dim3A_0 : vector<240x128xf32> to vector<1x240x128xf32>
    tpu.vector_store %arg4[%swap3A_42, %swap3A_43, %swap3A_44], %swap3A_47 {strides = array<i32>} : memref<2x10240x128xf32, #tpu.memory_space<vmem>>, vector<1x240x128xf32>,
    return
  }
}

module attributes {stable_mosaic.version = 14 : i64} {
  func.func @_out_body(%arg0: memref<2x10240x128xf32, #tpu.memory_space<vmem>>, %arg1: memref<128x128xf32, #tpu.memory_space<vmem>>, %arg2: memref<128x128xf32, #tpu.memory_space<vmem>>, %arg3: memref<10000x1xf32, #tpu.memory_space<vmem>>, %arg4: memref<10000x1xf32, #tpu.memory_space<vmem>>, %arg5: memref<10000x128xf32, #tpu.memory_space<vmem>>, %arg6: memref<10000x128xf32, #tpu.memory_space<vmem>>) attributes {dimension_semantics = [], scalar_prefetch = 0 : i64, scratch_operands = 0 : i64, tpu.core_type = #tpu.core_type<tc>} {
    %get3A = arith.constant 0 : index
    %get3A_0 = arith.constant 0 : index
    %get3A_1 = arith.constant 0 : index
    %get3A_2 = vector.load %arg0[%get3A, %get3A_0, %get3A_1] : memref<2x10240x128xf32, #tpu.memory_space<vmem>>, vector<1x10240x128xf32>
    %get3A_3 = vector.shape_cast %get3A_2 : vector<1x10240x128xf32> to vector<10240x128xf32>
    %get3A_4 = arith.constant 1 : index
    %get3A_5 = arith.constant 0 : index
    %get3A_6 = arith.constant 0 : index
    %get3A_7 = vector.load %arg0[%get3A_4, %get3A_5, %get3A_6] : memref<2x10240x128xf32, #tpu.memory_space<vmem>>, vector<1x10240x128xf32>
    %get3A_8 = vector.shape_cast %get3A_7 : vector<1x10240x128xf32> to vector<10240x128xf32>
    %get3A_9 = arith.constant 0 : index
    %get3A_10 = arith.constant 0 : index
    %get3A_11 = vector.load %arg3[%get3A_9, %get3A_10] : memref<10000x1xf32, #tpu.memory_space<vmem>>, vector<10000x1xf32>
    %slice3A = vector.extract_strided_slice %get3A_3 {offsets = [0, 0], sizes = [10000, 128], strides = [1, 1]} : vector<10240x128xf32> to vector<10000x128xf32>
    %get3A_12 = arith.constant 0 : index
    %get3A_13 = arith.constant 0 : index
    %get3A_14 = vector.load %arg1[%get3A_12, %get3A_13] : memref<128x128xf32, #tpu.memory_space<vmem>>, vector<128x128xf32>
    %dot_general3A = arith.constant dense<0.000000e+00> : vector<10000x128xf32>
    %dot_general3A_15 = tpu.matmul %slice3A, %get3A_14, %dot_general3A {dimension_numbers = #tpu.dot_dimension_numbers<[1], [0], [0], [1], [0, 0, 1, 1], [], []>, transpose_lhs_hint = false} : vector<10000x128xf32>, vector<128x128xf32>, vector<10000x128xf32> -> vector<10000x128xf32>
    %gt3A = arith.constant 0.000000e+00 : f32
    %gt3A_16 = vector.broadcast %gt3A : f32 to vector<10000x1xf32>
    %gt3A_17 = arith.cmpf ogt, %get3A_11, %gt3A_16 : vector<10000x1xf32>
    %rsqrt3A = math.rsqrt %get3A_11 : vector<10000x1xf32>
    %jit3A = arith.constant 0.000000e+00 : f32
    %broadcast_in_dim3A = vector.broadcast %jit3A : f32 to vector<10000x1xf32>
    %select_n3A = arith.select %gt3A_17, %rsqrt3A, %broadcast_in_dim3A : vector<10000x1xi1>, vector<10000x1xf32>
    %mul3A = vector.broadcast %select_n3A : vector<10000x1xf32> to vector<10000x128xf32>
    %mul3A_18 = arith.mulf %dot_general3A_15, %mul3A : vector<10000x128xf32>
    %swap3A = arith.constant 0 : index
    %swap3A_19 = arith.constant 0 : index
    %swap3A_20 = vector.load %arg5[%swap3A, %swap3A_19] : memref<10000x128xf32, #tpu.memory_space<vmem>>, vector<10000x128xf32>
    tpu.vector_store %arg5[%swap3A, %swap3A_19], %mul3A_18 {strides = array<i32>} : memref<10000x128xf32, #tpu.memory_space<vmem>>, vector<10000x128xf32>,
    %get3A_21 = arith.constant 0 : index
    %get3A_22 = arith.constant 0 : index
    %get3A_23 = vector.load %arg4[%get3A_21, %get3A_22] : memref<10000x1xf32, #tpu.memory_space<vmem>>, vector<10000x1xf32>
    %slice3A_24 = vector.extract_strided_slice %get3A_8 {offsets = [0, 0], sizes = [10000, 128], strides = [1, 1]} : vector<10240x128xf32> to vector<10000x128xf32>
    %get3A_25 = arith.constant 0 : index
    %get3A_26 = arith.constant 0 : index
    %get3A_27 = vector.load %arg2[%get3A_25, %get3A_26] : memref<128x128xf32, #tpu.memory_space<vmem>>, vector<128x128xf32>
    %dot_general3A_28 = arith.constant dense<0.000000e+00> : vector<10000x128xf32>
    %dot_general3A_29 = tpu.matmul %slice3A_24, %get3A_27, %dot_general3A_28 {dimension_numbers = #tpu.dot_dimension_numbers<[1], [0], [0], [1], [0, 0, 1, 1], [], []>, transpose_lhs_hint = false} : vector<10000x128xf32>, vector<128x128xf32>, vector<10000x128xf32> -> vector<10000x128xf32>
    %gt3A_30 = arith.constant 0.000000e+00 : f32
    %gt3A_31 = vector.broadcast %gt3A_30 : f32 to vector<10000x1xf32>
    %gt3A_32 = arith.cmpf ogt, %get3A_23, %gt3A_31 : vector<10000x1xf32>
    %rsqrt3A_33 = math.rsqrt %get3A_23 : vector<10000x1xf32>
    %jit3A_34 = arith.constant 0.000000e+00 : f32
    %broadcast_in_dim3A_35 = vector.broadcast %jit3A_34 : f32 to vector<10000x1xf32>
    %select_n3A_36 = arith.select %gt3A_32, %rsqrt3A_33, %broadcast_in_dim3A_35 : vector<10000x1xi1>, vector<10000x1xf32>
    %mul3A_37 = vector.broadcast %select_n3A_36 : vector<10000x1xf32> to vector<10000x128xf32>
    %mul3A_38 = arith.mulf %dot_general3A_29, %mul3A_37 : vector<10000x128xf32>
    %swap3A_39 = arith.constant 0 : index
    %swap3A_40 = arith.constant 0 : index
    %swap3A_41 = vector.load %arg6[%swap3A_39, %swap3A_40] : memref<10000x128xf32, #tpu.memory_space<vmem>>, vector<10000x128xf32>
    tpu.vector_store %arg6[%swap3A_39, %swap3A_40], %mul3A_38 {strides = array<i32>} : memref<10000x128xf32, #tpu.memory_space<vmem>>, vector<10000x128xf32>,
    return
  }
}

</mosaic_0001>

<sc_bundles>
// kernel: kernel.6.cloned.1.call-start
scs
__scs_entry_jumppad:
0x0: {  	(pc) =	sbr.rel $0x88, $3  }
0x1: {  	(tag) =	ssettag $0x0;
	lr =	simm.s32 $0x1  }
0x2: {  	[smem:$0x3F9B] =	sst lr;
	_ =	strace $0xD0000000  }
0x3: {  	_ = 	snop  }
0x4: {  	_ = 	snop  }
0x5: {  	_ = 	snop  }
0x6: {  	_ = 	snop  }
0x7: {  	_ = 	snop  }
__scs_overlays_trampoline_lowered:
0x8: {  	[smem:$0x3FAA] =	sst s0  }
0x9: {  	[smem:$0x3FAB] =	sst s1  }
0xa: {  	[smem:$0x3FAC] =	sst s2  }
0xb: {  	[smem:$0x3FAD] =	sst s3  }
0xc: {  	[smem:$0x3FAE] =	sst s4  }
0xd: {  	[smem:$0x3FAF] =	sst s5  }
0xe: {  	[smem:$0x3FB0] =	sst s6  }
0xf: {  	[smem:$0x3FB1] =	sst s7  }
0x10: {  	[smem:$0x3FB2] =	sst s8  }
0x11: {  	[smem:$0x3FB3] =	sst s9;
	s0 =	simm.s32 @!p0 $0x0  }
0x12: {  	s1 =	sld [smem:$0x3F99];
	s0 =	simm.s32 @p0 $0x1  }
0x13: {  	[smem:$0x3FB4] =	sst s0;
	s0 =	simm.s32 @!p1 $0x0  }
0x14: {  	s2 =	sld [smem:$0x3F98];
	s0 =	simm.s32 @p1 $0x1  }
0x15: {  	[smem:$0x3FB5] =	sst s0;
	s0 =	simm.s32 @!p2 $0x0  }
0x16: {  	s3 =	sld [smem:$0x3FDB];
	s0 =	simm.s32 @p2 $0x1  }
0x17: {  	s4 =	simm.s32 $0x1BF5;
	[smem:$0x3FB7] =	sst s0  }
0x18: {  	s0 =	sld [smem:$0x3F9A];
	_ =	swait.ge [sflag:s4], $0x0  }
0x19: {  	s7 =	sld [smem:$0x3F9B]  }
0x1a: {  	s8 =	sadd.s32 $0xFFFFE003, lr  }
0x1b: {  	s9 =	sadd.s32 $0xFFFFFEF7, lr;
	s5 =	simm.s32 $0xFFFFFFFF;
	p2 =	slt.u32 s8, $0xFFFFF086  }
0x1c: {  	p1 =	slt.u32 s9, $0xF7A;
	s5 =	simm.s32 @!p2 $0x0  }
0x1d: {  	s5 =	simm.s32 @p1 $0x1;
	p0 =	seq.s32 s7, s2  }
0x1e: {  	s7 =	smul.u32 @!p0 $0xF7A, s2;
	p2 =	seq.s32 @!p0 s5, $0x0  }
0x1f: {  	s9 =	smul.u32 $0xF7A, s1;
	s8 =	simm.s32 @!p0 $0x1BF5;
	p2 =	por !p2, p0  }
0x20: {  	[sflag:s8] =	ssyncset.s32 @!p0 $0xFFFFF086;
	s6 =	sadd.s32 @!p0 s3, s7;
	s7 =	simm.s32 @!p0 $0x108  }
0x21: {  	s3 =	sadd.s32 s3, s9;
	s6 =	sadd.s32 @!p0 $0x88, s6;
	s7 =	simm.s32 @p2 $0x1082  }
0x22: {  	[simem:s7], [sflag:s8] =	dma.local @!p0 [hbm:s6], $0xF7A  }
0x23: {  	s9 =	sor.u32 $0xD0000000, s2;
	s6 =	simm.s32 $0x108;
	_ =	swait.ge @!p0 [sflag:s8], $0x0  }
0x24: {  	s3 =	sadd.s32 $0x88, s3;
	s6 =	simm.s32 @!p1 $0x1082;
	[sflag:s4] =	ssyncset.s32 $0xFFFFF086  }
0x25: {  	[simem:s6], [sflag:s4] =	dma.local [hbm:s3], $0xF7A  }
0x26: {  	[smem:$0x3F9B] =	sst s1;
	(tag) =	ssettag s2;
	_ =	strace s9  }
0x27: {  	s1 =	sld [smem:$0x3FAB]  }
0x28: {  	s2 =	sld [smem:$0x3FAC]  }
0x29: {  	s4 =	sld [smem:$0x3FAE]  }
0x2a: {  	p0 =	seq.s32 s5, $0x0;
	s5 =	sld [smem:$0x3FAF]  }
0x2b: {  	s6 =	sld [smem:$0x3FB0]  }
0x2c: {  	s7 =	sld [smem:$0x3FB1]  }
0x2d: {  	s3 =	simm.s32 $0x108;
	s8 =	sld [smem:$0x3FB2]  }
0x2e: {  	s3 =	simm.s32 @!p0 $0x1082;
	s9 =	sld [smem:$0x3FB3]  }
0x2f: {  	lr =	sadd.s32 s0, s3;
	s0 =	sld [smem:$0x3FAA]  }
0x30: {  	s3 =	sld [smem:$0x3FAD]  }
0x31: {  	[smem:$0x3FB6] =	sst s10  }
0x32: {  	s10 =	sld [smem:$0x3FB4];
	_ =	sdelay $0x3  }
0x33: {  	p0 =	seq.s32 s10, $0x1;
	s10 =	sld [smem:$0x3FB6];
	_ =	sdelay $0x3  }
0x34: {  	[smem:$0x3FB6] =	sst s10  }
0x35: {  	s10 =	sld [smem:$0x3FB5];
	_ =	sdelay $0x3  }
0x36: {  	p1 =	seq.s32 s10, $0x1;
	s10 =	sld [smem:$0x3FB6];
	_ =	sdelay $0x3  }
0x37: {  	[smem:$0x3FB6] =	sst s10  }
0x38: {  	s10 =	sld [smem:$0x3FB7]  }
0x39: {  	_ = 	snop;
	(pc) =	sbr.ind lr, $3  }
0x3a: {  	_ = 	snop  }
0x3b: {  	_ = 	snop  }
0x3c: {  	p2 =	seq.s32 s10, $0x1;
	s10 =	sld [smem:$0x3FB6]  }
0x3d: {  	_ =	shalt  }
0x3e: {  	_ =	shalt  }
0x3f: {  	_ =	shalt  }
0x40: {  	_ =	shalt  }
0x41: {  	_ =	shalt  }
0x42: {  	_ =	shalt  }
0x43: {  	_ =	shalt  }
0x44: {  	_ =	shalt  }
0x45: {  	_ =	shalt  }
0x46: {  	_ =	shalt  }
0x47: {  	_ =	shalt  }
0x48: {  	_ =	shalt  }
0x49: {  	_ =	shalt  }
0x4a: {  	_ =	shalt  }
0x4b: {  	_ =	shalt  }
0x4c: {  	_ =	shalt  }
0x4d: {  	_ =	shalt  }
0x4e: {  	_ =	shalt  }
0x4f: {  	_ =	shalt  }
0x50: {  	_ =	shalt  }
0x51: {  	_ =	shalt  }
0x52: {  	_ =	shalt  }
0x53: {  	_ =	shalt  }
0x54: {  	_ =	shalt  }
0x55: {  	_ =	shalt  }
0x56: {  	_ =	shalt  }
0x57: {  	_ =	shalt  }
0x58: {  	_ =	shalt  }
0x59: {  	_ =	shalt  }
0x5a: {  	_ =	shalt  }
0x5b: {  	_ =	shalt  }
0x5c: {  	_ =	shalt  }
0x5d: {  	_ =	shalt  }
0x5e: {  	_ =	shalt  }
0x5f: {  	_ =	shalt  }
0x60: {  	_ =	shalt  }
0x61: {  	_ =	shalt  }
0x62: {  	_ =	shalt  }
0x63: {  	_ =	shalt  }
0x64: {  	_ =	shalt  }
0x65: {  	_ =	shalt  }
0x66: {  	_ =	shalt  }
0x67: {  	_ =	shalt  }
0x68: {  	_ =	shalt  }
0x69: {  	_ =	shalt  }
0x6a: {  	_ =	shalt  }
0x6b: {  	_ =	shalt  }
0x6c: {  	_ =	shalt  }
0x6d: {  	_ =	shalt  }
0x6e: {  	_ =	shalt  }
0x6f: {  	_ =	shalt  }
0x70: {  	_ =	shalt  }
0x71: {  	_ =	shalt  }
0x72: {  	_ =	shalt  }
0x73: {  	_ =	shalt  }
0x74: {  	_ =	shalt  }
0x75: {  	_ =	shalt  }
0x76: {  	_ =	shalt  }
0x77: {  	_ =	shalt  }
0x78: {  	_ =	shalt  }
0x79: {  	_ =	shalt  }
0x7a: {  	_ =	shalt  }
0x7b: {  	_ =	shalt  }
0x7c: {  	_ =	shalt  }
0x7d: {  	_ =	shalt  }
0x7e: {  	_ =	shalt  }
0x7f: {  	_ =	shalt  }
0x80: {  	_ =	shalt  }
0x81: {  	_ =	shalt  }
0x82: {  	_ =	shalt  }
0x83: {  	_ =	shalt  }
0x84: {  	_ =	shalt  }
0x85: {  	_ =	shalt  }
0x86: {  	_ =	shalt  }
0x87: {  	_ =	shalt  }
.Lfunc_end0:
.L_simem_size_0:
called_computation_lowered:
.L_overlay_start_0:
0x88: {  	s2 =	sld [smem:$0x3FD9]  }
0x89: {  	s3 =	sld [smem:$0x3FFE];
	_ =	sdelay $0x1  }
0x8a: {  	s1 =	srdreg.scid  }
0x8b: {  	s0 =	sand.u32 $0x1, s1  }
0x8c: {  	s14 =	sshll.u32 s0, $0xA;
	s2 =	sadd.s32 s3, s2  }
0x8d: {  	s2 =	sadd.s32 s2, s14  }
0x8e: {  	[smem:$0x3FC2] =	sst s2  }
0x8f: {  	_ = 	snop  }
0x90: {  	s2 =	sld [smem:$0x3FD0];
	_ =	sdelay $0x2  }
0x91: {  	s15 =	simm.s32 $0xA;
	s4 =	simm.s32 $0x10  }
0x92: {  	[smem:s4], [sflag:s15] =	dma.local [hbm:s2], $0x1  }
0x93: {  	_ =	swait.eq [sflag:s15], $0x1  }
0x94: {  	[sflag:s15] =	ssyncset.done $0x0  }
0x95: {  	s16 =	sld [smem:$0x10];
	[sflag:s15] =	ssyncadd.s32 $0xFFFFFFFF  }
0x96: {  	s17 =	sld [smem:$0x11];
	(tm) =	ssettm $0x1  }
0x97: {  	s18 =	sld [smem:$0x3FFB];
	_ =	sdelay $0x3  }
0x98: {  	_ =	strace s18  }
0x99: {  	s4 =	sld [smem:$0x3FFC];
	_ =	sdelay $0x3  }
0x9a: {  	_ =	strace s4  }
0x9b: {  	s4 =	sld [smem:$0x3FFD];
	_ =	sdelay $0x3  }
0x9c: {  	_ =	strace s4  }
0x9d: {  	_ =	strace $0x8FFFFFFF  }
0x9e: {  	s19 =	sld [smem:$0x3FDB];
	_ =	sdelay $0x1  }
0x9f: {  	s5 =	simm.s32 $_scs_section_size  }
0xa0: {  	s6 =	simm.s32 $_size__tile_overlayer_lowered;
	s7 =	simm.s32 $_tile_overlayer_lowered  }
0xa1: {  	s22 =	simm.s32 $0x1BFF;
	s21 =	sshll.u32 s7, $0x1;
	s4 =	sadd.s32 s5, s19  }
0xa2: {  	s8 =	simm.s32 $0x0;
	s20 =	sshll.u32 s6, $0x1;
	s6 =	sadd.s32 s21, s4  }
0xa3: {  	[timem:s8], [sflag:s22] =	dma.local [hbm:s6], s20  }
0xa4: {  	_ =	swait.ge [sflag:s22], s20  }
0xa5: {  	s5 =	ssub.s32 $0x0, s20;
	[sflag:s22] =	ssyncset.done $0x0  }
0xa6: {  	[sflag:s22] =	ssyncadd.s32 s5;
	_ =	sdelay $0x1  }
0xa7: {  	s23 =	simm.s32 $0x1B8B  }
0xa8: {  	_ =	swait.ge [sflag:s23], $0x1  }
0xa9: {  	[sflag:s23] =	ssyncset.done $0x0  }
0xaa: {  	s25 =	simm.s32 $0x1B8E;
	s24 =	sld [smem:$0x3FFE];
	[sflag:s23] =	ssyncadd.s32 $0xFFFFFFFF  }
0xab: {  	s26 =	simm.s32 $execute0_lowered;
	[smem:$0x3FD2] =	sst s25  }
0xac: {  	s6 =	sshll.u32 s26, $0x1;
	_ =	strace $0x80000046;
	[dreg:$0x1] =	wrdreg $0xFFFFFFFF  }
0xad: {  	s28 =	simm.s32 $_size_execute0_lowered;
	s4 =	sadd.s32 s4, s6;
	[dreg:$0x0] =	wrdreg $0x0  }
0xae: {  	s6 =	sshll.u32 s28, $0x1;
	[dreg:$0x2] =	wrdreg s4  }
0xaf: {  	[dreg:$0x3] =	wrdreg s6  }
0xb0: {  	[dreg:$0x4] =	wrdreg $0xC0  }
0xb1: {  	_ =	task [dreg:s8], $0x5FFFF  }
0xb2: {  	[dreg:$0x1] =	wrdreg $0xFFFFFFFF  }
0xb3: {  	[dreg:$0x0] =	wrdreg $0x60  }
0xb4: {  	[dreg:$0x2] =	wrdreg s16  }
0xb5: {  	[dreg:$0x3] =	wrdreg s17  }
0xb6: {  	[dreg:$0x4] =	wrdreg s24  }
0xb7: {  	[dreg:$0x5] =	wrdreg $0xA0800  }
0xb8: {  	[dreg:$0x6] =	wrdreg $0xA3000  }
0xb9: {  	[dreg:$0x7] =	wrdreg $0x9  }
0xba: {  	_ =	task.clear_ibuf [dreg:s8], $0x8FFFF;
	_ =	strace $0x90000046  }
0xbb: {  	s29 =	simm.s32 $0x9;
	_ =	strace $0x80000048  }
0xbc: {  	_ =	swait.ge [sflag:s29], $0x1  }
0xbd: {  	[sflag:s29] =	ssyncadd.s32 $0xFFFFFFFF  }
0xbe: {  	_ =	strace $0x90000048  }
0xbf: {  	_ =	sfence  }
0xc0: {  	s30 =	sld [smem:$0x0];
	_ =	sdelay $0x2  }
0xc1: {  	s31 =	sshll.u32 s1, $0xD;
	s1 =	sshrl.u32 s1, $0x2  }
0xc2: {  	s3 =	sand.u32 $0x4000, s31;
	s1 =	sadd.s32 s1, s30  }
0xc3: {  	s0 =	sor.u32 s3, s0;
	s1 =	sshll.u32 s1, $0x11  }
0xc4: {  	s0 =	sor.u32 s1, s0  }
0xc5: {  	s0 =	sadd.s32 $0x8F2B, s0  }
0xc6: {  	[sflag:s0] =	ssyncadd.remote.s32 $0x1  }
0xc7: {  	_ =	sfence.sel $0xFFFF  }
0xc8: {  	[dreg:$0x0] =	wrdreg $0xFFFFFFFF;
	(pc) =	sbr.abs _section_cstart, $3  }
0xc9: {  	[dreg:$0x1] =	wrdreg $0xFFFFFFFF  }
0xca: {  	_ =	task.clear_ibuf [dreg:s8], $0x2FFFF;
	_ =	strace $0x9FFFFFFF  }
0xcb: {  	(tm) =	ssettm $0x7FFFFFFF  }
tec
execute0_lowered:
.L_overlay_start_1:
0x0: {  	(tag) =	ssettag $0x1  }
0x1: {  	s8 =	rddreg [dreg:$0x0]  }
0x2: {  	s9 =	rddreg [dreg:$0x1]  }
0x3: {  	s7 =	rddreg [dreg:$0x2]  }
0x4: {  	s1 =	rddreg [dreg:$0x3]  }
0x5: {  	s2 =	rddreg [dreg:$0x4]  }
0x6: {  	s0 =	rddreg [dreg:$0x5];
	s3 =	simm.s32 $0x0;
	s4 =	srdreg.scid  }
0x7: {  	s16 =	simm.s32 $0x80;
	s17 =	simm.s32 $0x1;
	s18 =	simm.s32 $0x2  }
0x8: {  	s20 =	simm.s32 $0x20;
	[smem:$0x7FF] =	sst s3;
	s10 =	sand.u32 $0x1, s4  }
0x9: {  	s21 =	simm.s32 $0x10;
	s4 =	stileid.u32;
	s11 =	smul.u32 $0x50000, s10  }
0xa: {  	s5 =	sadd.s32 $0x1600, s7;
	s6 =	sadd.s32 $0x1800, s7;
	s13 =	smul.u32 $0x5000, s4  }
0xb: {  	_ =	strace $0x80000047;
	s12 =	ssub.s32 $0x2, s10;
	s15 =	smul.u32 $0x280, s4  }
0xc: {  	s10 =	sshll.u32 s10, $0x4;
	s29 =	sshll.u32 s4, $0x6;
	s22 =	smul.u32 $0xA0, s4  }
0xd: {  	s14 =	sshrl.u32 s12, $0x1;
	s10 =	sadd.s32 s10, s7;
	s7 =	sor.u32 $0x1C03, s29  }
0xe: {  	s12 =	ssub.s32 s12, s14;
	s26 =	sadd.s32 s13, s11;
	s28 =	sadd.s32 s15, s1  }
0xf: {  	s31 =	sadd.s32 s15, s2;
	s19 =	sadd.s32 $0x1A00, s10;
	s23 =	sadd.s32 $0x2400, s10  }
0x10: {  	s14 =	simm.s32 $0xA000;
	s15 =	simm.s32 $0x5000;
	s30 =	sshrl.u32 s26, $0x3  }
0x11: {  	s10 =	smax.u32 s12, $0x1;
	s11 =	sshrl.u32 s28, $0x3;
	s12 =	simm.s32 $0x3  }
0x12: {  	s13 =	sshrl.u32 s31, $0x3;
	s19 =	sadd.s32 s22, s19;
	s22 =	sadd.s32 s22, s23  }
0x13: {  	s23 =	simm.s32 $0x0;
	s8 =	sadd.s32 s8, s30;
	s9 =	sadd.s32 s9, s30  }
.LBB2_1:
0x14: {  	[spmem:s11], [sflag:s7] =	dma.local [hbm:s5], $0x50  }
0x15: {  	_ =	swait.ge [sflag:s12], $0x50  }
0x16: {  	[sflag:s12] =	ssyncset.done $0x0  }
0x17: {  	[sflag:s12] =	ssyncadd.s32 $0xFFFFFFB0  }
0x18: {  	[spmem:s13], [sflag:s7] =	dma.local [hbm:s5], $0x50  }
0x19: {  	_ =	swait.ge [sflag:s12], $0x50  }
0x1a: {  	[sflag:s12] =	ssyncset.done $0x0  }
0x1b: {  	[sflag:s12] =	ssyncadd.s32 $0xFFFFFFB0  }
0x1c: {  	[tilespmem:s14], [sflag:$0x3] =	stream.linear.gather [hbm4b:s6+s3], $0x80, $0x38;
	[tilespmem:$0xA580] =	vst v63  }
0x1d: {  	_ =	swait.ge [sflag:s12], $0x80  }
0x1e: {  	[sflag:s12] =	ssyncset.done $0x0  }
0x1f: {  	[sflag:s12] =	ssyncadd.s32 $0xFFFFFF80  }
0x20: {  	[tilespmem:s3], [sflag:$0x3] =	stream.linear.gather [hbm4b:s8+s3], $0x5000, $0x38;
	[tilespmem:$0xA580] =	vst v63  }
0x21: {  	_ =	swait.ge [sflag:s12], $0x5000  }
0x22: {  	[sflag:s12] =	ssyncset.done $0x0  }
0x23: {  	[sflag:s12] =	ssyncadd.s32 $0xFFFFB000  }
0x24: {  	[tilespmem:s15], [sflag:$0x3] =	stream.linear.gather [hbm4b:s9+s3], $0x5000, $0x38;
	[tilespmem:$0xA580] =	vst v63  }
0x25: {  	_ =	swait.ge [sflag:s12], $0x5000  }
0x26: {  	[sflag:s12] =	ssyncset.done $0x0  }
0x27: {  	[sflag:s12] =	ssyncadd.s32 $0xFFFFB000  }
0x28: {  	s24 =	simm.s32 $0x0;
	[bflag:$0x0] =	sbarrier.arrive $0xFFFF  }
0x29: {  	[spmem:s1] =	stream.indirect.scatter.add.f32 [tilespmem:s14], [sflag:$0x1], $0x1, s24, s16, $0xb8;
	[tilespmem:$0xA580] =	vst v63  }
0x2a: {  	s25 =	simm.s32 $0x5000;
	s24 =	simm.s32 $0x200  }
.LBB2_2:
0x2b: {  	[spmem:s2] =	stream.indirect.scatter.add.f32 [tilespmem:s14], [sflag:$0x2], $0x1, s25, s16, $0xb8;
	[tilespmem:$0xA580] =	vst v63  }
0x2c: {  	s25 =	smov.u32 s24;
	p0 =	sne.s32 s24, $0x13E00  }
.Ltmp0:
0x2d: {  	s24 =	sadd.s32 $0x200, s24;
	(pc) =	sbr.rel @p0 .LBB2_2-.Ltmp0, $4  }
0x2e: {  	_ = 	snop  }
0x2f: {  	s25 =	sshra.s32 s25, $0x2  }
0x30: {  	[spmem:s1] =	stream.indirect.scatter.add.f32 [tilespmem:s14], [sflag:$0x1], $0x1, s25, s16, $0xb8;
	[tilespmem:$0xA580] =	vst v63  }
0x31: {  	s25 =	sadd.s32 $0x5000, s25  }
0x32: {  	[spmem:s2] =	stream.indirect.scatter.add.f32 [tilespmem:s14], [sflag:$0x2], $0x1, s25, s16, $0xb8;
	[tilespmem:$0xA580] =	vst v63  }
0x33: {  	_ =	swait.ge [sflag:s17], $0x5000  }
0x34: {  	[sflag:s17] =	ssyncset.done $0x0  }
0x35: {  	[sflag:s17] =	ssyncadd.s32 $0xFFFFB000  }
0x36: {  	_ =	swait.ge [sflag:s18], $0x5000  }
0x37: {  	[sflag:s18] =	ssyncset.done $0x0  }
0x38: {  	[sflag:s18] =	ssyncadd.s32 $0xFFFFB000  }
0x39: {  	[bflag:$0x0] =	sbarrier.arrive $0xFFFF  }
0x3a: {  	[hbm:s19@s20], [sflag:s7] =	dma.strided [spmem:s11@s21], $0x50, s17, $0x10   }
0x3b: {  	s23 =	sadd.s32 $0x1, s23;
	_ =	swait.ge [sflag:s12], $0x50  }
0x3c: {  	p0 =	sne.s32 s23, s10;
	[sflag:s12] =	ssyncset.done $0x0  }
.Ltmp1:
0x3d: {  	[sflag:s12] =	ssyncadd.s32 $0xFFFFFFB0;
	(pc) =	sbr.rel @p0 .LBB2_1-.Ltmp1, $4  }
0x3e: {  	[hbm:s22@s20], [sflag:s7] =	dma.strided [spmem:s13@s21], $0x50, s17, $0x10   }
0x3f: {  	_ =	swait.ge [sflag:s12], $0x50  }
0x40: {  	[sflag:s12] =	ssyncset.done $0x0  }
0x41: {  	[sflag:s12] =	ssyncadd.s32 $0xFFFFFFB0  }
0x42: {  	_ =	sfence.sel $0x180000  }
0x43: {  	[bflag:$0x0] =	sbarrier.arrive $0xFFFF  }
0x44: {  	p0 =	sne.s32 s4, $0x0;
	_ =	strace $0x90000047  }
0x45: {  	s0 =	sadd.s32 @!p0 $0x100000, s0;
	[bflag:$0x2] =	sbarrier.arrive $0xFFFF  }
0x46: {  	[sflag:s0] =	ssyncadd.tile.s32 @!p0 $0x1;
	_ =	shalt  }
.Lfunc_end2:
_tile_overlayer_lowered:
.L_overlay_start_2:
0x47: {  	(tag) =	ssettag $0x2  }
0x48: {  	s0 =	rddreg [dreg:$0x0];
	s2 =	stileid.u32  }
0x49: {  	s1 =	rddreg [dreg:$0x1];
	p0 =	sne.s32 s2, $0x0  }
0x4a: {  	s3 =	rddreg [dreg:$0x2];
	[bflag:$0x3] =	sbarrier.arrive $0xFFFF;
	s2 =	simm.s32 @!p0 $0x1C03  }
0x4b: {  	[timem:s3], [sflag:s2] =	dma.local @!p0 [hbm:s0], s1  }
0x4c: {  	s0 =	simm.s32 @!p0 $0x3  }
0x4d: {  	_ =	swait.ge @!p0 [sflag:s0], s1  }
0x4e: {  	s1 =	ssub.s32 @!p0 $0x0, s1;
	[sflag:s0] =	ssyncset.done @!p0 $0x0  }
0x4f: {  	[sflag:s0] =	ssyncadd.s32 @!p0 s1  }
0x50: {  	[bflag:$0x3] =	sbarrier.arrive $0xFFFF  }
0x51: {  	_ =	shalt  }

// kernel: kernel.9.cloned.1.call-start
scs
__scs_entry_jumppad:
0x0: {  	(pc) =	sbr.rel $0x88, $3  }
0x1: {  	(tag) =	ssettag $0x0;
	lr =	simm.s32 $0x1  }
0x2: {  	[smem:$0x3F9B] =	sst lr;
	_ =	strace $0xD0000000  }
0x3: {  	_ = 	snop  }
0x4: {  	_ = 	snop  }
0x5: {  	_ = 	snop  }
0x6: {  	_ = 	snop  }
0x7: {  	_ = 	snop  }
__scs_overlays_trampoline_lowered:
0x8: {  	[smem:$0x3FAA] =	sst s0  }
0x9: {  	[smem:$0x3FAB] =	sst s1  }
0xa: {  	[smem:$0x3FAC] =	sst s2  }
0xb: {  	[smem:$0x3FAD] =	sst s3  }
0xc: {  	[smem:$0x3FAE] =	sst s4  }
0xd: {  	[smem:$0x3FAF] =	sst s5  }
0xe: {  	[smem:$0x3FB0] =	sst s6  }
0xf: {  	[smem:$0x3FB1] =	sst s7  }
0x10: {  	[smem:$0x3FB2] =	sst s8  }
0x11: {  	[smem:$0x3FB3] =	sst s9;
	s0 =	simm.s32 @!p0 $0x0  }
0x12: {  	s1 =	sld [smem:$0x3F99];
	s0 =	simm.s32 @p0 $0x1  }
0x13: {  	[smem:$0x3FB4] =	sst s0;
	s0 =	simm.s32 @!p1 $0x0  }
0x14: {  	s2 =	sld [smem:$0x3F98];
	s0 =	simm.s32 @p1 $0x1  }
0x15: {  	[smem:$0x3FB5] =	sst s0;
	s0 =	simm.s32 @!p2 $0x0  }
0x16: {  	s3 =	sld [smem:$0x3FDB];
	s0 =	simm.s32 @p2 $0x1  }
0x17: {  	s4 =	simm.s32 $0x1BF5;
	[smem:$0x3FB7] =	sst s0  }
0x18: {  	s0 =	sld [smem:$0x3F9A];
	_ =	swait.ge [sflag:s4], $0x0  }
0x19: {  	s7 =	sld [smem:$0x3F9B]  }
0x1a: {  	s8 =	sadd.s32 $0xFFFFE003, lr  }
0x1b: {  	s9 =	sadd.s32 $0xFFFFFEF7, lr;
	s5 =	simm.s32 $0xFFFFFFFF;
	p2 =	slt.u32 s8, $0xFFFFF086  }
0x1c: {  	p1 =	slt.u32 s9, $0xF7A;
	s5 =	simm.s32 @!p2 $0x0  }
0x1d: {  	s5 =	simm.s32 @p1 $0x1;
	p0 =	seq.s32 s7, s2  }
0x1e: {  	s7 =	smul.u32 @!p0 $0xF7A, s2;
	p2 =	seq.s32 @!p0 s5, $0x0  }
0x1f: {  	s9 =	smul.u32 $0xF7A, s1;
	s8 =	simm.s32 @!p0 $0x1BF5;
	p2 =	por !p2, p0  }
0x20: {  	[sflag:s8] =	ssyncset.s32 @!p0 $0xFFFFF086;
	s6 =	sadd.s32 @!p0 s3, s7;
	s7 =	simm.s32 @!p0 $0x108  }
0x21: {  	s3 =	sadd.s32 s3, s9;
	s6 =	sadd.s32 @!p0 $0x88, s6;
	s7 =	simm.s32 @p2 $0x1082  }
0x22: {  	[simem:s7], [sflag:s8] =	dma.local @!p0 [hbm:s6], $0xF7A  }
0x23: {  	s9 =	sor.u32 $0xD0000000, s2;
	s6 =	simm.s32 $0x108;
	_ =	swait.ge @!p0 [sflag:s8], $0x0  }
0x24: {  	s3 =	sadd.s32 $0x88, s3;
	s6 =	simm.s32 @!p1 $0x1082;
	[sflag:s4] =	ssyncset.s32 $0xFFFFF086  }
0x25: {  	[simem:s6], [sflag:s4] =	dma.local [hbm:s3], $0xF7A  }
0x26: {  	[smem:$0x3F9B] =	sst s1;
	(tag) =	ssettag s2;
	_ =	strace s9  }
0x27: {  	s1 =	sld [smem:$0x3FAB]  }
0x28: {  	s2 =	sld [smem:$0x3FAC]  }
0x29: {  	s4 =	sld [smem:$0x3FAE]  }
0x2a: {  	p0 =	seq.s32 s5, $0x0;
	s5 =	sld [smem:$0x3FAF]  }
0x2b: {  	s6 =	sld [smem:$0x3FB0]  }
0x2c: {  	s7 =	sld [smem:$0x3FB1]  }
0x2d: {  	s3 =	simm.s32 $0x108;
	s8 =	sld [smem:$0x3FB2]  }
0x2e: {  	s3 =	simm.s32 @!p0 $0x1082;
	s9 =	sld [smem:$0x3FB3]  }
0x2f: {  	lr =	sadd.s32 s0, s3;
	s0 =	sld [smem:$0x3FAA]  }
0x30: {  	s3 =	sld [smem:$0x3FAD]  }
0x31: {  	[smem:$0x3FB6] =	sst s10  }
0x32: {  	s10 =	sld [smem:$0x3FB4];
	_ =	sdelay $0x3  }
0x33: {  	p0 =	seq.s32 s10, $0x1;
	s10 =	sld [smem:$0x3FB6];
	_ =	sdelay $0x3  }
0x34: {  	[smem:$0x3FB6] =	sst s10  }
0x35: {  	s10 =	sld [smem:$0x3FB5];
	_ =	sdelay $0x3  }
0x36: {  	p1 =	seq.s32 s10, $0x1;
	s10 =	sld [smem:$0x3FB6];
	_ =	sdelay $0x3  }
0x37: {  	[smem:$0x3FB6] =	sst s10  }
0x38: {  	s10 =	sld [smem:$0x3FB7]  }
0x39: {  	_ = 	snop;
	(pc) =	sbr.ind lr, $3  }
0x3a: {  	_ = 	snop  }
0x3b: {  	_ = 	snop  }
0x3c: {  	p2 =	seq.s32 s10, $0x1;
	s10 =	sld [smem:$0x3FB6]  }
0x3d: {  	_ =	shalt  }
0x3e: {  	_ =	shalt  }
0x3f: {  	_ =	shalt  }
0x40: {  	_ =	shalt  }
0x41: {  	_ =	shalt  }
0x42: {  	_ =	shalt  }
0x43: {  	_ =	shalt  }
0x44: {  	_ =	shalt  }
0x45: {  	_ =	shalt  }
0x46: {  	_ =	shalt  }
0x47: {  	_ =	shalt  }
0x48: {  	_ =	shalt  }
0x49: {  	_ =	shalt  }
0x4a: {  	_ =	shalt  }
0x4b: {  	_ =	shalt  }
0x4c: {  	_ =	shalt  }
0x4d: {  	_ =	shalt  }
0x4e: {  	_ =	shalt  }
0x4f: {  	_ =	shalt  }
0x50: {  	_ =	shalt  }
0x51: {  	_ =	shalt  }
0x52: {  	_ =	shalt  }
0x53: {  	_ =	shalt  }
0x54: {  	_ =	shalt  }
0x55: {  	_ =	shalt  }
0x56: {  	_ =	shalt  }
0x57: {  	_ =	shalt  }
0x58: {  	_ =	shalt  }
0x59: {  	_ =	shalt  }
0x5a: {  	_ =	shalt  }
0x5b: {  	_ =	shalt  }
0x5c: {  	_ =	shalt  }
0x5d: {  	_ =	shalt  }
0x5e: {  	_ =	shalt  }
0x5f: {  	_ =	shalt  }
0x60: {  	_ =	shalt  }
0x61: {  	_ =	shalt  }
0x62: {  	_ =	shalt  }
0x63: {  	_ =	shalt  }
0x64: {  	_ =	shalt  }
0x65: {  	_ =	shalt  }
0x66: {  	_ =	shalt  }
0x67: {  	_ =	shalt  }
0x68: {  	_ =	shalt  }
0x69: {  	_ =	shalt  }
0x6a: {  	_ =	shalt  }
0x6b: {  	_ =	shalt  }
0x6c: {  	_ =	shalt  }
0x6d: {  	_ =	shalt  }
0x6e: {  	_ =	shalt  }
0x6f: {  	_ =	shalt  }
0x70: {  	_ =	shalt  }
0x71: {  	_ =	shalt  }
0x72: {  	_ =	shalt  }
0x73: {  	_ =	shalt  }
0x74: {  	_ =	shalt  }
0x75: {  	_ =	shalt  }
0x76: {  	_ =	shalt  }
0x77: {  	_ =	shalt  }
0x78: {  	_ =	shalt  }
0x79: {  	_ =	shalt  }
0x7a: {  	_ =	shalt  }
0x7b: {  	_ =	shalt  }
0x7c: {  	_ =	shalt  }
0x7d: {  	_ =	shalt  }
0x7e: {  	_ =	shalt  }
0x7f: {  	_ =	shalt  }
0x80: {  	_ =	shalt  }
0x81: {  	_ =	shalt  }
0x82: {  	_ =	shalt  }
0x83: {  	_ =	shalt  }
0x84: {  	_ =	shalt  }
0x85: {  	_ =	shalt  }
0x86: {  	_ =	shalt  }
0x87: {  	_ =	shalt  }
.Lfunc_end0:
.L_simem_size_0:
called_computation.1_lowered:
.L_overlay_start_0:
0x88: {  	s2 =	sld [smem:$0x3FD9]  }
0x89: {  	s3 =	sld [smem:$0x3FFE];
	_ =	sdelay $0x1  }
0x8a: {  	s1 =	srdreg.scid  }
0x8b: {  	s0 =	sand.u32 $0x1, s1  }
0x8c: {  	s14 =	sshll.u32 s0, $0xA;
	s2 =	sadd.s32 s3, s2  }
0x8d: {  	s2 =	sadd.s32 s2, s14  }
0x8e: {  	[smem:$0x3FC2] =	sst s2  }
0x8f: {  	_ = 	snop  }
0x90: {  	s2 =	sld [smem:$0x3FD0];
	_ =	sdelay $0x2  }
0x91: {  	s15 =	simm.s32 $0xA;
	s4 =	simm.s32 $0x10  }
0x92: {  	[smem:s4], [sflag:s15] =	dma.local [hbm:s2], $0x1  }
0x93: {  	_ =	swait.eq [sflag:s15], $0x1  }
0x94: {  	[sflag:s15] =	ssyncset.done $0x0  }
0x95: {  	s16 =	sld [smem:$0x10];
	[sflag:s15] =	ssyncadd.s32 $0xFFFFFFFF  }
0x96: {  	s17 =	sld [smem:$0x11];
	(tm) =	ssettm $0x1  }
0x97: {  	s18 =	sld [smem:$0x3FFB];
	_ =	sdelay $0x3  }
0x98: {  	_ =	strace s18  }
0x99: {  	s4 =	sld [smem:$0x3FFC];
	_ =	sdelay $0x3  }
0x9a: {  	_ =	strace s4  }
0x9b: {  	s4 =	sld [smem:$0x3FFD];
	_ =	sdelay $0x3  }
0x9c: {  	_ =	strace s4  }
0x9d: {  	_ =	strace $0x8FFFFFFF  }
0x9e: {  	s19 =	sld [smem:$0x3FDB];
	_ =	sdelay $0x1  }
0x9f: {  	s5 =	simm.s32 $_scs_section_size  }
0xa0: {  	s6 =	simm.s32 $_size__tile_overlayer_lowered;
	s7 =	simm.s32 $_tile_overlayer_lowered  }
0xa1: {  	s22 =	simm.s32 $0x1BFF;
	s21 =	sshll.u32 s7, $0x1;
	s4 =	sadd.s32 s5, s19  }
0xa2: {  	s8 =	simm.s32 $0x0;
	s20 =	sshll.u32 s6, $0x1;
	s6 =	sadd.s32 s21, s4  }
0xa3: {  	[timem:s8], [sflag:s22] =	dma.local [hbm:s6], s20  }
0xa4: {  	_ =	swait.ge [sflag:s22], s20  }
0xa5: {  	s5 =	ssub.s32 $0x0, s20;
	[sflag:s22] =	ssyncset.done $0x0  }
0xa6: {  	[sflag:s22] =	ssyncadd.s32 s5;
	_ =	sdelay $0x1  }
0xa7: {  	s23 =	simm.s32 $0x1B8B  }
0xa8: {  	_ =	swait.ge [sflag:s23], $0x1  }
0xa9: {  	[sflag:s23] =	ssyncset.done $0x0  }
0xaa: {  	s25 =	simm.s32 $0x1B8E;
	s24 =	sld [smem:$0x3FFE];
	[sflag:s23] =	ssyncadd.s32 $0xFFFFFFFF  }
0xab: {  	s26 =	simm.s32 $execute0_lowered;
	[smem:$0x3FD2] =	sst s25  }
0xac: {  	s6 =	sshll.u32 s26, $0x1;
	_ =	strace $0x80000049;
	[dreg:$0x1] =	wrdreg $0xFFFFFFFF  }
0xad: {  	s28 =	simm.s32 $_size_execute0_lowered;
	s4 =	sadd.s32 s4, s6;
	[dreg:$0x0] =	wrdreg $0x0  }
0xae: {  	s6 =	sshll.u32 s28, $0x1;
	[dreg:$0x2] =	wrdreg s4  }
0xaf: {  	[dreg:$0x3] =	wrdreg s6  }
0xb0: {  	[dreg:$0x4] =	wrdreg $0xC0  }
0xb1: {  	_ =	task [dreg:s8], $0x5FFFF  }
0xb2: {  	[dreg:$0x1] =	wrdreg $0xFFFFFFFF  }
0xb3: {  	[dreg:$0x0] =	wrdreg $0x60  }
0xb4: {  	[dreg:$0x2] =	wrdreg s24  }
0xb5: {  	[dreg:$0x3] =	wrdreg s16  }
0xb6: {  	[dreg:$0x4] =	wrdreg s17  }
0xb7: {  	[dreg:$0x5] =	wrdreg $0xA0000  }
0xb8: {  	[dreg:$0x6] =	wrdreg $0x9  }
0xb9: {  	_ =	task.clear_ibuf [dreg:s8], $0x7FFFF;
	_ =	strace $0x90000049  }
0xba: {  	s29 =	simm.s32 $0x9;
	_ =	strace $0x8000004B  }
0xbb: {  	_ =	swait.ge [sflag:s29], $0x1  }
0xbc: {  	[sflag:s29] =	ssyncadd.s32 $0xFFFFFFFF  }
0xbd: {  	_ =	strace $0x9000004B  }
0xbe: {  	_ =	sfence  }
0xbf: {  	s30 =	sld [smem:$0x0];
	_ =	sdelay $0x2  }
0xc0: {  	s31 =	sshll.u32 s1, $0xD;
	s1 =	sshrl.u32 s1, $0x2  }
0xc1: {  	s3 =	sand.u32 $0x4000, s31;
	s1 =	sadd.s32 s1, s30  }
0xc2: {  	s0 =	sor.u32 s3, s0;
	s1 =	sshll.u32 s1, $0x11  }
0xc3: {  	s0 =	sor.u32 s1, s0  }
0xc4: {  	s0 =	sadd.s32 $0x8F2B, s0  }
0xc5: {  	[sflag:s0] =	ssyncadd.remote.s32 $0x1  }
0xc6: {  	_ =	sfence.sel $0xFFFF  }
0xc7: {  	[dreg:$0x0] =	wrdreg $0xFFFFFFFF;
	(pc) =	sbr.abs _section_cstart, $3  }
0xc8: {  	[dreg:$0x1] =	wrdreg $0xFFFFFFFF  }
0xc9: {  	_ =	task.clear_ibuf [dreg:s8], $0x2FFFF;
	_ =	strace $0x9FFFFFFF  }
0xca: {  	(tm) =	ssettm $0x7FFFFFFF  }
0xcb: {  	_ =	shalt  }
tec
execute0_lowered:
.L_overlay_start_1:
0x0: {  	(tag) =	ssettag $0x1  }
0x1: {  	s7 =	rddreg [dreg:$0x0]  }
0x2: {  	s0 =	rddreg [dreg:$0x1]  }
0x3: {  	s2 =	rddreg [dreg:$0x2];
	s1 =	srdreg.scid  }
0x4: {  	s4 =	rddreg [dreg:$0x3];
	s3 =	stileid.u32  }
0x5: {  	s5 =	simm.s32 $0x0;
	s15 =	simm.s32 $0x1000;
	s16 =	simm.s32 $0x80  }
0x6: {  	s17 =	simm.s32 $0x2000;
	s18 =	simm.s32 $0x2;
	s19 =	simm.s32 $0x6000  }
0x7: {  	s20 =	simm.s32 $0x3;
	s21 =	simm.s32 $0x4;
	s9 =	smul.u32 $0x50000, s3  }
0x8: {  	s6 =	sand.u32 $0x1, s1;
	s1 =	rddreg [dreg:$0x4];
	s13 =	smul.u32 $0x5000, s3  }
0x9: {  	s22 =	simm.s32 $0x5;
	[smem:$0x7FF] =	sst s5;
	s24 =	smul.u32 $0x2800, s3  }
0xa: {  	s29 =	sshll.u32 s3, $0x6;
	s8 =	smul.u32 $0x28000, s6;
	s10 =	ssub.s32 $0x2, s6  }
0xb: {  	s11 =	smul.u32 $0x50000, s6;
	_ =	strace $0x8000004A;
	s6 =	sadd.s32 $0x51600, s7  }
0xc: {  	s12 =	sshrl.u32 s10, $0x1;
	s28 =	sshrl.u32 s9, $0x2;
	s14 =	sadd.s32 s8, s7  }
.Ltmp0:
0xd: {  	s12 =	ssub.s32 s10, s12;
	s7 =	sadd.s32 s13, s11;
	(pc) =	sbr.rel .LBB2_1-.Ltmp0, $4  }
0xe: {  	s30 =	sadd.s32 s28, s4;
	s8 =	sor.u32 $0x1C06, s29;
	s31 =	sshrl.u32 s7, $0x3  }
0xf: {  	s11 =	sadd.s32 $0x1600, s14;
	s23 =	sadd.s32 $0x53E00, s14;
	s12 =	smax.u32 s12, $0x1  }
0x10: {  	s13 =	sshrl.u32 s30, $0x3;
	s14 =	simm.s32 $0x6;
	s9 =	sadd.s32 s0, s31  }
0x11: {  	s10 =	sadd.s32 s2, s31;
	s23 =	sadd.s32 s24, s23;
	s24 =	simm.s32 $0x0  }
.LBB2_6:
0x12: {  	_ =	swait.ge [sflag:s21], $0x4000  }
0x13: {  	[sflag:s21] =	ssyncset.done $0x0  }
0x14: {  	[sflag:s21] =	ssyncadd.s32 $0xFFFFC000  }
0x15: {  	_ =	swait.ge [sflag:s22], $0x4000  }
0x16: {  	s24 =	sadd.s32 $0x1, s24;
	[sflag:s22] =	ssyncset.done $0x0  }
0x17: {  	p0 =	sne.s32 s24, s12;
	[sflag:s22] =	ssyncadd.s32 $0xFFFFC000  }
.Ltmp1:
0x18: {  	[bflag:$0x0] =	sbarrier.arrive $0xFFFF;
	(pc) =	sbr.rel @!p0 .LBB2_7-.Ltmp1, $4  }
0x19: {  	[hbm:s23], [sflag:s8] =	dma.local [spmem:s13], $0x2800  }
0x1a: {  	_ =	swait.ge [sflag:s14], $0x2800  }
0x1b: {  	[sflag:s14] =	ssyncset.done $0x0  }
0x1c: {  	[sflag:s14] =	ssyncadd.s32 $0xFFFFD800  }
.LBB2_1:
0x1d: {  	[spmem:s13], [sflag:s8] =	dma.local [hbm:s6], $0x2800  }
0x1e: {  	_ =	swait.ge [sflag:s14], $0x2800  }
0x1f: {  	[sflag:s14] =	ssyncset.done $0x0  }
0x20: {  	[sflag:s14] =	ssyncadd.s32 $0xFFFFD800  }
0x21: {  	[tilespmem:s5], [sflag:$0x6] =	stream.linear.gather [hbm4b:s9+s5], $0x800, $0x38;
	[tilespmem:$0x1E000] =	vst v63  }
0x22: {  	_ =	swait.ge [sflag:s14], $0x800  }
0x23: {  	[sflag:s14] =	ssyncset.done $0x0  }
0x24: {  	[sflag:s14] =	ssyncadd.s32 $0xFFFFF800  }
0x25: {  	[tilespmem:s15], [sflag:$0x6] =	stream.linear.gather [hbm4b:s10+s5], $0x800, $0x38;
	[tilespmem:$0x1E000] =	vst v63  }
.Ltmp2:
0x26: {  	_ =	swait.ge [sflag:s14], $0x800;
	(pc) =	sbr.rel .LBB2_2-.Ltmp2, $4  }
0x27: {  	[sflag:s14] =	ssyncset.done $0x0  }
0x28: {  	[sflag:s14] =	ssyncadd.s32 $0xFFFFF800  }
0x29: {  	[bflag:$0x0] =	sbarrier.arrive $0xFFFF  }
0x2a: {  	s25 =	simm.s32 $0x0  }
.LBB2_4:
0x2b: {  	s28 =	sadd.s32 @!p1 $0x1, s25  }
0x2c: {  	s28 =	simm.s32 @p1 $0x1  }
0x2d: {  	s26 =	sshll.u32 s28, $0xB  }
0x2e: {  	s30 =	sshll.u32 s25, $0xB;
	s29 =	sadd.s32 s7, s26  }
0x2f: {  	s26 =	sand.u32 $0x800, s30;
	s25 =	sshrl.u32 s29, $0x3  }
0x30: {  	s31 =	sxor.u32 $0x800, s26;
	s30 =	sadd.s32 s0, s25  }
0x31: {  	[tilespmem:s31], [sflag:$0x1] =	stream.linear.gather [hbm4b:s30+s5], $0x800, $0x38;
	[tilespmem:$0x1E000] =	vst v63  }
0x32: {  	s25 =	sadd.s32 s2, s25;
	s31 =	sxor.u32 $0x1800, s26  }
0x33: {  	[tilespmem:s31], [sflag:$0x1] =	stream.linear.gather [hbm4b:s25+s5], $0x800, $0x38;
	[tilespmem:$0x1E000] =	vst v63  }
0x34: {  	p0 =	por $0x0, $0x0;
	s25 =	smov.u32 s28  }
.LBB2_5:
0x35: {  	[tilespmem:s17], [sflag:$0x2] =	stream.indirect.gather [hbm4b:s11+s16], $0x80, s26, s16, $0xb8;
	[tilespmem:$0x1E000] =	vst v63  }
0x36: {  	_ =	swait.ge [sflag:s18], $0x4000  }
0x37: {  	[sflag:s18] =	ssyncset.done $0x0  }
0x38: {  	s28 =	sor.u32 $0x80, s26;
	[sflag:s18] =	ssyncadd.s32 $0xFFFFC000  }
0x39: {  	[tilespmem:s19], [sflag:$0x3] =	stream.indirect.gather [hbm4b:s11+s16], $0x80, s28, s16, $0xb8;
	[tilespmem:$0x1E000] =	vst v63  }
0x3a: {  	s29 =	sor.u32 $0x1000, s26  }
0x3b: {  	[spmem:s4] =	stream.indirect.scatter.add.f32 [tilespmem:s17], [sflag:$0x4], $0x80, s29, s16, $0xb8;
	[tilespmem:$0x1E000] =	vst v63  }
0x3c: {  	_ =	swait.ge [sflag:s20], $0x4000  }
0x3d: {  	[sflag:s20] =	ssyncset.done $0x0  }
0x3e: {  	[sflag:s20] =	ssyncadd.s32 $0xFFFFC000  }
0x3f: {  	_ =	swait.ge [sflag:s21], $0x4000  }
0x40: {  	[sflag:s21] =	ssyncset.done $0x0  }
0x41: {  	s30 =	sor.u32 $0x100, s26;
	[sflag:s21] =	ssyncadd.s32 $0xFFFFC000  }
0x42: {  	[tilespmem:s17], [sflag:$0x2] =	stream.indirect.gather [hbm4b:s11+s16], $0x80, s30, s16, $0xb8;
	[tilespmem:$0x1E000] =	vst v63  }
0x43: {  	s31 =	sor.u32 $0x1080, s26  }
0x44: {  	[spmem:s4] =	stream.indirect.scatter.add.f32 [tilespmem:s19], [sflag:$0x5], $0x80, s31, s16, $0xb8;
	[tilespmem:$0x1E000] =	vst v63  }
0x45: {  	_ =	swait.ge [sflag:s18], $0x4000  }
0x46: {  	[sflag:s18] =	ssyncset.done $0x0  }
0x47: {  	[sflag:s18] =	ssyncadd.s32 $0xFFFFC000  }
0x48: {  	_ =	swait.ge [sflag:s22], $0x4000  }
0x49: {  	[sflag:s22] =	ssyncset.done $0x0  }
0x4a: {  	s29 =	sor.u32 $0x180, s26;
	[sflag:s22] =	ssyncadd.s32 $0xFFFFC000  }
0x4b: {  	[tilespmem:s19], [sflag:$0x3] =	stream.indirect.gather [hbm4b:s11+s16], $0x80, s29, s16, $0xb8;
	[tilespmem:$0x1E000] =	vst v63  }
0x4c: {  	s30 =	sor.u32 $0x1100, s26  }
0x4d: {  	[spmem:s4] =	stream.indirect.scatter.add.f32 [tilespmem:s17], [sflag:$0x4], $0x80, s30, s16, $0xb8;
	[tilespmem:$0x1E000] =	vst v63  }
0x4e: {  	_ =	swait.ge [sflag:s20], $0x4000  }
0x4f: {  	[sflag:s20] =	ssyncset.done $0x0  }
0x50: {  	[sflag:s20] =	ssyncadd.s32 $0xFFFFC000  }
0x51: {  	_ =	swait.ge [sflag:s21], $0x4000  }
0x52: {  	[sflag:s21] =	ssyncset.done $0x0  }
0x53: {  	s31 =	sor.u32 $0x200, s26;
	[sflag:s21] =	ssyncadd.s32 $0xFFFFC000  }
0x54: {  	[tilespmem:s17], [sflag:$0x2] =	stream.indirect.gather [hbm4b:s11+s16], $0x80, s31, s16, $0xb8;
	[tilespmem:$0x1E000] =	vst v63  }
0x55: {  	s29 =	sor.u32 $0x1180, s26  }
0x56: {  	[spmem:s4] =	stream.indirect.scatter.add.f32 [tilespmem:s19], [sflag:$0x5], $0x80, s29, s16, $0xb8;
	[tilespmem:$0x1E000] =	vst v63  }
0x57: {  	_ =	swait.ge [sflag:s18], $0x4000  }
0x58: {  	[sflag:s18] =	ssyncset.done $0x0  }
0x59: {  	[sflag:s18] =	ssyncadd.s32 $0xFFFFC000  }
0x5a: {  	_ =	swait.ge [sflag:s22], $0x4000  }
0x5b: {  	[sflag:s22] =	ssyncset.done $0x0  }
0x5c: {  	s30 =	sor.u32 $0x280, s26;
	[sflag:s22] =	ssyncadd.s32 $0xFFFFC000  }
0x5d: {  	[tilespmem:s19], [sflag:$0x3] =	stream.indirect.gather [hbm4b:s11+s16], $0x80, s30, s16, $0xb8;
	[tilespmem:$0x1E000] =	vst v63  }
0x5e: {  	s31 =	sor.u32 $0x1200, s26  }
0x5f: {  	[spmem:s4] =	stream.indirect.scatter.add.f32 [tilespmem:s17], [sflag:$0x4], $0x80, s31, s16, $0xb8;
	[tilespmem:$0x1E000] =	vst v63  }
0x60: {  	_ =	swait.ge [sflag:s20], $0x4000  }
0x61: {  	[sflag:s20] =	ssyncset.done $0x0  }
0x62: {  	[sflag:s20] =	ssyncadd.s32 $0xFFFFC000  }
0x63: {  	_ =	swait.ge [sflag:s21], $0x4000  }
0x64: {  	[sflag:s21] =	ssyncset.done $0x0  }
0x65: {  	s29 =	sor.u32 $0x300, s26;
	[sflag:s21] =	ssyncadd.s32 $0xFFFFC000  }
0x66: {  	[tilespmem:s17], [sflag:$0x2] =	stream.indirect.gather [hbm4b:s11+s16], $0x80, s29, s16, $0xb8;
	[tilespmem:$0x1E000] =	vst v63  }
0x67: {  	s30 =	sor.u32 $0x1280, s26  }
0x68: {  	[spmem:s4] =	stream.indirect.scatter.add.f32 [tilespmem:s19], [sflag:$0x5], $0x80, s30, s16, $0xb8;
	[tilespmem:$0x1E000] =	vst v63  }
0x69: {  	_ =	swait.ge [sflag:s18], $0x4000  }
0x6a: {  	[sflag:s18] =	ssyncset.done $0x0  }
0x6b: {  	[sflag:s18] =	ssyncadd.s32 $0xFFFFC000  }
0x6c: {  	_ =	swait.ge [sflag:s22], $0x4000  }
0x6d: {  	[sflag:s22] =	ssyncset.done $0x0  }
0x6e: {  	s31 =	sor.u32 $0x380, s26;
	[sflag:s22] =	ssyncadd.s32 $0xFFFFC000  }
0x6f: {  	[tilespmem:s19], [sflag:$0x3] =	stream.indirect.gather [hbm4b:s11+s16], $0x80, s31, s16, $0xb8;
	[tilespmem:$0x1E000] =	vst v63  }
0x70: {  	s29 =	sor.u32 $0x1300, s26  }
0x71: {  	[spmem:s4] =	stream.indirect.scatter.add.f32 [tilespmem:s17], [sflag:$0x4], $0x80, s29, s16, $0xb8;
	[tilespmem:$0x1E000] =	vst v63  }
0x72: {  	_ =	swait.ge [sflag:s20], $0x4000  }
0x73: {  	[sflag:s20] =	ssyncset.done $0x0  }
0x74: {  	[sflag:s20] =	ssyncadd.s32 $0xFFFFC000  }
0x75: {  	_ =	swait.ge [sflag:s21], $0x4000  }
0x76: {  	[sflag:s21] =	ssyncset.done $0x0  }
0x77: {  	s30 =	sor.u32 $0x400, s26;
	[sflag:s21] =	ssyncadd.s32 $0xFFFFC000  }
0x78: {  	[tilespmem:s17], [sflag:$0x2] =	stream.indirect.gather [hbm4b:s11+s16], $0x80, s30, s16, $0xb8;
	[tilespmem:$0x1E000] =	vst v63  }
0x79: {  	s31 =	sor.u32 $0x1380, s26  }
0x7a: {  	[spmem:s4] =	stream.indirect.scatter.add.f32 [tilespmem:s19], [sflag:$0x5], $0x80, s31, s16, $0xb8;
	[tilespmem:$0x1E000] =	vst v63  }
0x7b: {  	_ =	swait.ge [sflag:s18], $0x4000  }
0x7c: {  	[sflag:s18] =	ssyncset.done $0x0  }
0x7d: {  	[sflag:s18] =	ssyncadd.s32 $0xFFFFC000  }
0x7e: {  	_ =	swait.ge [sflag:s22], $0x4000  }
0x7f: {  	[sflag:s22] =	ssyncset.done $0x0  }
0x80: {  	s29 =	sor.u32 $0x480, s26;
	[sflag:s22] =	ssyncadd.s32 $0xFFFFC000  }
0x81: {  	[tilespmem:s19], [sflag:$0x3] =	stream.indirect.gather [hbm4b:s11+s16], $0x80, s29, s16, $0xb8;
	[tilespmem:$0x1E000] =	vst v63  }
0x82: {  	s30 =	sor.u32 $0x1400, s26  }
0x83: {  	[spmem:s4] =	stream.indirect.scatter.add.f32 [tilespmem:s17], [sflag:$0x4], $0x80, s30, s16, $0xb8;
	[tilespmem:$0x1E000] =	vst v63  }
0x84: {  	_ =	swait.ge [sflag:s20], $0x4000  }
0x85: {  	[sflag:s20] =	ssyncset.done $0x0  }
0x86: {  	[sflag:s20] =	ssyncadd.s32 $0xFFFFC000  }
0x87: {  	_ =	swait.ge [sflag:s21], $0x4000  }
0x88: {  	[sflag:s21] =	ssyncset.done $0x0  }
0x89: {  	s31 =	sor.u32 $0x500, s26;
	[sflag:s21] =	ssyncadd.s32 $0xFFFFC000  }
0x8a: {  	[tilespmem:s17], [sflag:$0x2] =	stream.indirect.gather [hbm4b:s11+s16], $0x80, s31, s16, $0xb8;
	[tilespmem:$0x1E000] =	vst v63  }
0x8b: {  	s29 =	sor.u32 $0x1480, s26  }
0x8c: {  	[spmem:s4] =	stream.indirect.scatter.add.f32 [tilespmem:s19], [sflag:$0x5], $0x80, s29, s16, $0xb8;
	[tilespmem:$0x1E000] =	vst v63  }
0x8d: {  	_ =	swait.ge [sflag:s18], $0x4000  }
0x8e: {  	[sflag:s18] =	ssyncset.done $0x0  }
0x8f: {  	[sflag:s18] =	ssyncadd.s32 $0xFFFFC000  }
0x90: {  	_ =	swait.ge [sflag:s22], $0x4000  }
0x91: {  	[sflag:s22] =	ssyncset.done $0x0  }
0x92: {  	s30 =	sor.u32 $0x580, s26;
	[sflag:s22] =	ssyncadd.s32 $0xFFFFC000  }
0x93: {  	[tilespmem:s19], [sflag:$0x3] =	stream.indirect.gather [hbm4b:s11+s16], $0x80, s30, s16, $0xb8;
	[tilespmem:$0x1E000] =	vst v63  }
0x94: {  	s31 =	sor.u32 $0x1500, s26  }
0x95: {  	[spmem:s4] =	stream.indirect.scatter.add.f32 [tilespmem:s17], [sflag:$0x4], $0x80, s31, s16, $0xb8;
	[tilespmem:$0x1E000] =	vst v63  }
0x96: {  	_ =	swait.ge [sflag:s20], $0x4000  }
0x97: {  	[sflag:s20] =	ssyncset.done $0x0  }
0x98: {  	[sflag:s20] =	ssyncadd.s32 $0xFFFFC000  }
0x99: {  	_ =	swait.ge [sflag:s21], $0x4000  }
0x9a: {  	[sflag:s21] =	ssyncset.done $0x0  }
0x9b: {  	s29 =	sor.u32 $0x600, s26;
	[sflag:s21] =	ssyncadd.s32 $0xFFFFC000  }
0x9c: {  	[tilespmem:s17], [sflag:$0x2] =	stream.indirect.gather [hbm4b:s11+s16], $0x80, s29, s16, $0xb8;
	[tilespmem:$0x1E000] =	vst v63  }
0x9d: {  	s30 =	sor.u32 $0x1580, s26  }
0x9e: {  	[spmem:s4] =	stream.indirect.scatter.add.f32 [tilespmem:s19], [sflag:$0x5], $0x80, s30, s16, $0xb8;
	[tilespmem:$0x1E000] =	vst v63  }
0x9f: {  	_ =	swait.ge [sflag:s18], $0x4000  }
0xa0: {  	[sflag:s18] =	ssyncset.done $0x0  }
0xa1: {  	[sflag:s18] =	ssyncadd.s32 $0xFFFFC000  }
0xa2: {  	_ =	swait.ge [sflag:s22], $0x4000  }
0xa3: {  	[sflag:s22] =	ssyncset.done $0x0  }
0xa4: {  	s31 =	sor.u32 $0x680, s26;
	[sflag:s22] =	ssyncadd.s32 $0xFFFFC000  }
0xa5: {  	[tilespmem:s19], [sflag:$0x3] =	stream.indirect.gather [hbm4b:s11+s16], $0x80, s31, s16, $0xb8;
	[tilespmem:$0x1E000] =	vst v63  }
0xa6: {  	s29 =	sor.u32 $0x1600, s26  }
0xa7: {  	[spmem:s4] =	stream.indirect.scatter.add.f32 [tilespmem:s17], [sflag:$0x4], $0x80, s29, s16, $0xb8;
	[tilespmem:$0x1E000] =	vst v63  }
0xa8: {  	_ =	swait.ge [sflag:s20], $0x4000  }
0xa9: {  	[sflag:s20] =	ssyncset.done $0x0  }
0xaa: {  	[sflag:s20] =	ssyncadd.s32 $0xFFFFC000  }
0xab: {  	_ =	swait.ge [sflag:s21], $0x4000  }
0xac: {  	[sflag:s21] =	ssyncset.done $0x0  }
0xad: {  	s30 =	sor.u32 $0x700, s26;
	[sflag:s21] =	ssyncadd.s32 $0xFFFFC000  }
0xae: {  	[tilespmem:s17], [sflag:$0x2] =	stream.indirect.gather [hbm4b:s11+s16], $0x80, s30, s16, $0xb8;
	[tilespmem:$0x1E000] =	vst v63  }
0xaf: {  	s31 =	sor.u32 $0x1680, s26  }
0xb0: {  	[spmem:s4] =	stream.indirect.scatter.add.f32 [tilespmem:s19], [sflag:$0x5], $0x80, s31, s16, $0xb8;
	[tilespmem:$0x1E000] =	vst v63  }
0xb1: {  	_ =	swait.ge [sflag:s18], $0x4000  }
0xb2: {  	[sflag:s18] =	ssyncset.done $0x0  }
0xb3: {  	[sflag:s18] =	ssyncadd.s32 $0xFFFFC000  }
0xb4: {  	_ =	swait.ge [sflag:s22], $0x4000  }
0xb5: {  	[sflag:s22] =	ssyncset.done $0x0  }
0xb6: {  	s29 =	sor.u32 $0x780, s26;
	[sflag:s22] =	ssyncadd.s32 $0xFFFFC000  }
0xb7: {  	[tilespmem:s19], [sflag:$0x3] =	stream.indirect.gather [hbm4b:s11+s16], $0x80, s29, s16, $0xb8;
	[tilespmem:$0x1E000] =	vst v63  }
0xb8: {  	s30 =	sor.u32 $0x1700, s26  }
0xb9: {  	[spmem:s4] =	stream.indirect.scatter.add.f32 [tilespmem:s17], [sflag:$0x4], $0x80, s30, s16, $0xb8;
	[tilespmem:$0x1E000] =	vst v63  }
0xba: {  	_ =	swait.ge [sflag:s20], $0x4000  }
0xbb: {  	[sflag:s20] =	ssyncset.done $0x0  }
0xbc: {  	s31 =	sor.u32 $0x1780, s26;
	s26 =	simm.s32 @!p0 $0x1;
	[sflag:s20] =	ssyncadd.s32 $0xFFFFC000  }
0xbd: {  	[spmem:s4] =	stream.indirect.scatter.add.f32 [tilespmem:s19], [sflag:$0x5], $0x80, s31, s16, $0xb8;
	[tilespmem:$0x1E000] =	vst v63  }
0xbe: {  	p1 =	slt.u32 s25, $0xA;
	_ =	swait.ge @!p0 [sflag:s26], $0x800  }
.Ltmp3:
0xbf: {  	[sflag:s26] =	ssyncset.done @!p0 $0x0;
	(pc) =	sbr.rel @!p1 .LBB2_6-.Ltmp3, $4  }
0xc0: {  	[sflag:s26] =	ssyncadd.s32 @!p0 $0xFFFFF800  }
0xc1: {  	_ =	swait.ge @!p0 [sflag:s26], $0x800  }
0xc2: {  	[sflag:s26] =	ssyncset.done @!p0 $0x0  }
0xc3: {  	[sflag:s26] =	ssyncadd.s32 @!p0 $0xFFFFF800  }
.LBB2_2:
0xc4: {  	p1 =	seq.s32 s25, $0x0  }
0xc5: {  	s26 =	simm.s32 @!p1 $0x4;
	p0 =	seq.s32 @!p1 s25, $0x9  }
0xc6: {  	_ =	swait.ge @!p1 [sflag:s26], $0x4000;
	p0 =	por p1, !p0  }
.Ltmp4:
0xc7: {  	[sflag:s26] =	ssyncset.done @!p1 $0x0;
	(pc) =	sbr.rel @p0 .LBB2_4-.Ltmp4, $4  }
0xc8: {  	[sflag:s26] =	ssyncadd.s32 @!p1 $0xFFFFC000;
	s26 =	simm.s32 @!p1 $0x5  }
0xc9: {  	_ =	swait.ge @!p1 [sflag:s26], $0x4000  }
0xca: {  	[sflag:s26] =	ssyncset.done @!p1 $0x0  }
0xcb: {  	[sflag:s26] =	ssyncadd.s32 @!p1 $0xFFFFC000  }
.Ltmp5:
0xcc: {  	(pc) =	sbr.rel .LBB2_5-.Ltmp5, $2  }
0xcd: {  	_ =	sdelay $0x2  }
0xce: {  	s25 =	simm.s32 @!p1 $0xA;
	p0 =	por @!p1 $0x1, $0x1;
	s26 =	simm.s32 @!p1 $0x800  }
.LBB2_7:
0xcf: {  	_ =	sfence.sel $0x180000  }
0xd0: {  	[bflag:$0x0] =	sbarrier.arrive $0xFFFF  }
0xd1: {  	p0 =	sne.s32 s3, $0x0;
	_ =	strace $0x9000004A  }
0xd2: {  	s0 =	sadd.s32 @!p0 $0x100000, s1;
	[bflag:$0x2] =	sbarrier.arrive $0xFFFF  }
0xd3: {  	[sflag:s0] =	ssyncadd.tile.s32 @!p0 $0x1;
	_ =	shalt  }
.Lfunc_end2:
_tile_overlayer_lowered:
.L_overlay_start_2:
0xd4: {  	(tag) =	ssettag $0x2  }
0xd5: {  	s0 =	rddreg [dreg:$0x0];
	s2 =	stileid.u32  }
0xd6: {  	s1 =	rddreg [dreg:$0x1];
	p0 =	sne.s32 s2, $0x0  }
0xd7: {  	s3 =	rddreg [dreg:$0x2];
	[bflag:$0x3] =	sbarrier.arrive $0xFFFF;
	s2 =	simm.s32 @!p0 $0x1C06  }
0xd8: {  	[timem:s3], [sflag:s2] =	dma.local @!p0 [hbm:s0], s1  }
0xd9: {  	s0 =	simm.s32 @!p0 $0x6  }
0xda: {  	_ =	swait.ge @!p0 [sflag:s0], s1  }
0xdb: {  	s1 =	ssub.s32 @!p0 $0x0, s1;
	[sflag:s0] =	ssyncset.done @!p0 $0x0  }
0xdc: {  	[sflag:s0] =	ssyncadd.s32 @!p0 s1  }
0xdd: {  	[bflag:$0x3] =	sbarrier.arrive $0xFFFF  }
0xde: {  	_ =	shalt  }

</sc_bundles>
